<compile_context>
chip_gen: v7x
topology: tpu7x:2x2x1
jax: 0.10.2.dev20260603
libtpu: 0.0.44.dev20260713+nightly
codegen_flags: <defaults>
</compile_context>

<pallas_src>
import functools

import jax
import jax.numpy as jnp
from jax import lax
from jax.experimental import pallas as pl
from jax.experimental.pallas import tpu as pltpu
from jax.experimental.pallas import tpu_sc as plsc

_DEG, _N, _D = 16, 10000, 256
_NC, _NS = 2, 16
_NW = _NC * _NS
_G = 8
_L = 16

_S = 2400
_NGRP = _S // _G
_NB = 400

_mesh = plsc.VectorSubcoreMesh(core_axis_name="c", subcore_axis_name="s")


@functools.partial(
    pl.kernel,
    out_type=jax.ShapeDtypeStruct((_S, _D), jnp.float32),
    mesh=_mesh,
    scratch_types=[
        pltpu.VMEM((_DEG, _G, _D), jnp.float32),
        pltpu.VMEM((_DEG, _G, _D), jnp.float32),
        pltpu.VMEM((_G, _D), jnp.float32),
        pltpu.VMEM((_G, _D), jnp.float32),
        pltpu.SemaphoreType.DMA,
        pltpu.SemaphoreType.DMA,
        pltpu.SemaphoreType.DMA,
        pltpu.SemaphoreType.DMA,
    ],
)
def _sc_sum(ft_hbm, out_hbm, in0, in1, ob0, ob1, si0, si1, so0, so1):
    wid = lax.axis_index("s") * _NC + lax.axis_index("c")
    g_lo = (_NGRP * wid) // _NW
    g_hi = (_NGRP * (wid + 1)) // _NW
    n_sub = g_hi - g_lo
    ins, obs = (in0, in1), (ob0, ob1)
    sis, sos = (si0, si1), (so0, so1)

    def in_dma(j, b):
        pltpu.async_copy(
            ft_hbm.at[:, pl.ds((g_lo + j) * _G, _G), :], ins[b], sis[b]
        )

    for b in range(2):
        in_dma(b, b)

    def step(j, b):
        pltpu.make_async_copy(
            ft_hbm.at[:, pl.ds(0, _G), :], ins[b], sis[b]
        ).wait()

        @pl.when(j >= 2)
        def _():
            pltpu.make_async_copy(
                obs[b], out_hbm.at[pl.ds(0, _G), :], sos[b]
            ).wait()

        def inner(i, carry):
            g = i // (_D // _L)
            c = (i % (_D // _L)) * _L
            acc = ins[b][0, g, pl.ds(c, _L)]
            for k in range(1, _DEG):
                acc = acc + ins[b][k, g, pl.ds(c, _L)]
            obs[b][g, pl.ds(c, _L)] = acc
            return carry

        lax.fori_loop(0, _G * _D // _L, inner, 0, unroll=4)

        @pl.when(j + 2 < n_sub)
        def _():
            in_dma(j + 2, b)

        pltpu.async_copy(
            obs[b], out_hbm.at[pl.ds((g_lo + j) * _G, _G), :], sos[b]
        )

    def body(j, carry):
        @pl.when(j % 2 == 0)
        def _():
            step(j, 0)

        @pl.when(j % 2 == 1)
        def _():
            step(j, 1)

        return carry

    lax.fori_loop(0, n_sub, body, 0)

    for b in range(2):
        pltpu.make_async_copy(
            obs[b], out_hbm.at[pl.ds(0, _G), :], sos[b]
        ).wait()


def _tc_body(ft_ref, out_ref):
    out_ref[...] = jnp.sum(ft_ref[...], axis=0)


def _tc_sum(ft):
    return pl.pallas_call(
        _tc_body,
        grid=((_N - _S) // _NB,),
        in_specs=[pl.BlockSpec((_DEG, _NB, _D), lambda i: (0, _S // _NB + i, 0))],
        out_specs=pl.BlockSpec((_NB, _D), lambda i: (i, 0)),
        out_shape=jax.ShapeDtypeStruct((_N - _S, _D), jnp.float32),
    )(ft)


def kernel(a, ft):
    del a
    out_sc = _sc_sum(ft)
    out_tc = _tc_sum(ft)
    return jnp.concatenate([out_sc, out_tc], axis=0)

# --- scband reference (transcript-rebuilt; emitter-appended) ---
"""Pipeline reference for scband-gatreduce-33114197852456 (READ-ONLY COPY).

The authoritative reference and input builder live on the scoring server;
editing this copy changes nothing except your own understanding.
"""

import jax, jax.numpy as jnp
import numpy as np

ATTN_DROP = 0.0

def setup_inputs(seed: int = 0) -> dict:
    key = jax.random.key(seed)
    k1, k2 = jax.random.split(key)
    a = jax.random.normal(k1, (10000, 1), dtype=jnp.float32)
    ft = jax.random.normal(k2, (16, 10000, 256), dtype=jnp.float32)
    return {"a": a, "ft": ft}

def reference(a, ft):
    # Original torch module receives node={'a': a} and msgs=[{'ft': ft_i} for i in range(deg)].
    # a = torch.unsqueeze(node['a'], 0)  -> [1, N, 1]
    # ft = cat of unsqueezed msgs       -> [deg, N, d] (passed here pre-stacked)
    a_exp = jnp.expand_dims(a, 0)            # [1, N, 1]
    e = jax.nn.softmax(a_exp, axis=0)        # softmax over singleton dim -> ones (faithful to original)
    # attn_drop == 0.0, so dropout branch is skipped
    out = jnp.sum(e * ft, axis=0)            # broadcast [1,N,1]*[deg,N,d] -> sum over deg -> [N, d]
    return out

if __name__ == "__main__":
    import jax
    _d = setup_inputs()
    print(jax.jit(kernel)(*tuple(_d.values())))

</pallas_src>

<mosaic_0001>
#map = affine_map<(d0, d1) -> (0, 0, 0)>
#map1 = affine_map<(d0, d1) -> (0, 0)>
module attributes {stable_mosaic.version = 14 : i64} {
  func.func @_sc_sum(%arg0: i32, %arg1: i32, %arg2: memref<16x10000x256xf32, #tpu.memory_space<hbm>>, %arg3: memref<2400x256xf32, #tpu.memory_space<hbm>>, %arg4: memref<16x8x256xf32, #tpu.memory_space<vmem>>, %arg5: memref<16x8x256xf32, #tpu.memory_space<vmem>>, %arg6: memref<8x256xf32, #tpu.memory_space<vmem>>, %arg7: memref<8x256xf32, #tpu.memory_space<vmem>>, %arg8: memref<!tpu.dma_semaphore, #tpu.memory_space<semaphore_mem>>, %arg9: memref<!tpu.dma_semaphore, #tpu.memory_space<semaphore_mem>>, %arg10: memref<!tpu.dma_semaphore, #tpu.memory_space<semaphore_mem>>, %arg11: memref<!tpu.dma_semaphore, #tpu.memory_space<semaphore_mem>>) attributes {dimension_semantics = [#tpu.dimension_semantics<core_parallel>, #tpu.dimension_semantics<subcore_parallel>], iteration_bounds = array<i64: 2, 16>, scalar_prefetch = 0 : i64, scratch_operands = 8 : i64, tpu.core_type = #tpu.core_type<sc_vector_subcore>, window_params = [{transform_indices = #map}, {transform_indices = #map1}]} {
    %mul3A = arith.constant 2 : i32
    %mul3A_0 = arith.muli %arg1, %mul3A : i32
    %add3A = arith.addi %mul3A_0, %arg0 : i32
    %mul3A_1 = arith.constant 300 : i32
    %mul3A_2 = arith.muli %mul3A_1, %add3A : i32
    %jit3A = arith.constant 32 : i32
    %div3A = arith.divsi %mul3A_2, %jit3A : i32
    %sign3A = arith.constant 0 : i32
    %sign3A_3 = arith.cmpi sgt, %mul3A_2, %sign3A : i32
    %sign3A_4 = arith.extui %sign3A_3 : i1 to i32
    %sign3A_5 = arith.constant 0 : i32
    %sign3A_6 = arith.cmpi slt, %mul3A_2, %sign3A_5 : i32
    %sign3A_7 = arith.extui %sign3A_6 : i1 to i32
    %sign3A_8 = arith.subi %sign3A_4, %sign3A_7 : i32
    %sign3A_9 = arith.constant 0 : i32
    %sign3A_10 = arith.cmpi sgt, %jit3A, %sign3A_9 : i32
    %sign3A_11 = arith.extui %sign3A_10 : i1 to i32
    %sign3A_12 = arith.constant 0 : i32
    %sign3A_13 = arith.cmpi slt, %jit3A, %sign3A_12 : i32
    %sign3A_14 = arith.extui %sign3A_13 : i1 to i32
    %sign3A_15 = arith.subi %sign3A_11, %sign3A_14 : i32
    %ne3A = arith.cmpi ne, %sign3A_8, %sign3A_15 : i32
    %rem3A = arith.remsi %mul3A_2, %jit3A : i32
    %ne3A_16 = arith.constant 0 : i32
    %ne3A_17 = arith.cmpi ne, %rem3A, %ne3A_16 : i32
    %and3A = arith.andi %ne3A, %ne3A_17 : i1
    %sub3A = arith.constant 1 : i32
    %sub3A_18 = arith.subi %div3A, %sub3A : i32
    %select_n3A = arith.select %and3A, %sub3A_18, %div3A : i32
    %add3A_19 = arith.constant 1 : i32
    %add3A_20 = arith.addi %add3A, %add3A_19 : i32
    %mul3A_21 = arith.constant 300 : i32
    %mul3A_22 = arith.muli %mul3A_21, %add3A_20 : i32
    %jit3A_23 = arith.constant 32 : i32
    %div3A_24 = arith.divsi %mul3A_22, %jit3A_23 : i32
    %sign3A_25 = arith.constant 0 : i32
    %sign3A_26 = arith.cmpi sgt, %mul3A_22, %sign3A_25 : i32
    %sign3A_27 = arith.extui %sign3A_26 : i1 to i32
    %sign3A_28 = arith.constant 0 : i32
    %sign3A_29 = arith.cmpi slt, %mul3A_22, %sign3A_28 : i32
    %sign3A_30 = arith.extui %sign3A_29 : i1 to i32
    %sign3A_31 = arith.subi %sign3A_27, %sign3A_30 : i32
    %sign3A_32 = arith.constant 0 : i32
    %sign3A_33 = arith.cmpi sgt, %jit3A_23, %sign3A_32 : i32
    %sign3A_34 = arith.extui %sign3A_33 : i1 to i32
    %sign3A_35 = arith.constant 0 : i32
    %sign3A_36 = arith.cmpi slt, %jit3A_23, %sign3A_35 : i32
    %sign3A_37 = arith.extui %sign3A_36 : i1 to i32
    %sign3A_38 = arith.subi %sign3A_34, %sign3A_37 : i32
    %ne3A_39 = arith.cmpi ne, %sign3A_31, %sign3A_38 : i32
    %rem3A_40 = arith.remsi %mul3A_22, %jit3A_23 : i32
    %ne3A_41 = arith.constant 0 : i32
    %ne3A_42 = arith.cmpi ne, %rem3A_40, %ne3A_41 : i32
    %and3A_43 = arith.andi %ne3A_39, %ne3A_42 : i1
    %sub3A_44 = arith.constant 1 : i32
    %sub3A_45 = arith.subi %div3A_24, %sub3A_44 : i32
    %select_n3A_46 = arith.select %and3A_43, %sub3A_45, %div3A_24 : i32
    %sub3A_47 = arith.subi %select_n3A_46, %select_n3A : i32
    %add3A_48 = arith.constant 0 : i32
    %add3A_49 = arith.addi %select_n3A, %add3A_48 : i32
    %mul3A_50 = arith.constant 8 : i32
    %mul3A_51 = arith.muli %add3A_49, %mul3A_50 : i32
    %dma_start3A = arith.constant 0 : i32
    %dma_start3A_52 = arith.constant 0 : i32
    %dma_start3A_53 = tpu.memref_slice %arg2[%dma_start3A, %mul3A_51, %dma_start3A_52] : memref<16x10000x256xf32, #tpu.memory_space<hbm>> -> memref<16x8x256xf32, #tpu.memory_space<hbm>>
    %dma_start3A_54 = arith.constant 0 : i32
    %dma_start3A_55 = arith.constant 0 : i32
    %dma_start3A_56 = tpu.memref_slice %arg2[%dma_start3A_54, %mul3A_51, %dma_start3A_55] : memref<16x10000x256xf32, #tpu.memory_space<hbm>> -> memref<16x8x256xf32, #tpu.memory_space<hbm>>
    tpu.enqueue_dma source(%dma_start3A_56 : memref<16x8x256xf32, #tpu.memory_space<hbm>>) target(%arg4 : memref<16x8x256xf32, #tpu.memory_space<vmem>>) target_semaphore(%arg8 : memref<!tpu.dma_semaphore, #tpu.memory_space<semaphore_mem>>)
    %add3A_57 = arith.constant 1 : i32
    %add3A_58 = arith.addi %select_n3A, %add3A_57 : i32
    %mul3A_59 = arith.constant 8 : i32
    %mul3A_60 = arith.muli %add3A_58, %mul3A_59 : i32
    %dma_start3A_61 = arith.constant 0 : i32
    %dma_start3A_62 = arith.constant 0 : i32
    %dma_start3A_63 = tpu.memref_slice %arg2[%dma_start3A_61, %mul3A_60, %dma_start3A_62] : memref<16x10000x256xf32, #tpu.memory_space<hbm>> -> memref<16x8x256xf32, #tpu.memory_space<hbm>>
    %dma_start3A_64 = arith.constant 0 : i32
    %dma_start3A_65 = arith.constant 0 : i32
    %dma_start3A_66 = tpu.memref_slice %arg2[%dma_start3A_64, %mul3A_60, %dma_start3A_65] : memref<16x10000x256xf32, #tpu.memory_space<hbm>> -> memref<16x8x256xf32, #tpu.memory_space<hbm>>
    tpu.enqueue_dma source(%dma_start3A_66 : memref<16x8x256xf32, #tpu.memory_space<hbm>>) target(%arg5 : memref<16x8x256xf32, #tpu.memory_space<vmem>>) target_semaphore(%arg9 : memref<!tpu.dma_semaphore, #tpu.memory_space<semaphore_mem>>)
    %while3A = arith.constant 0 : i32
    %while3A_67 = arith.constant 0 : i32
    %while3A_68 = arith.subi %sub3A_47, %while3A_67 : i32
    %while3A_69 = arith.addi %while3A_67, %while3A_68 : i32
    %while3A_70 = arith.constant 1 : i32
    %while3A_71 = arith.divsi %while3A_68, %while3A_70 : i32
    %while3A_72 = arith.muli %while3A_71, %while3A_70 : i32
    %while3A_73 = arith.addi %while3A_67, %while3A_72 : i32
    %while3A_74 = arith.constant 1 : i32
    scf.for %while3A_87 = %while3A_67 to %while3A_73 step %while3A_74  : i32 {
      %jit3A_88 = arith.constant 2 : i32
      %eq3A = arith.constant 0 : i32
      %eq3A_89 = arith.cmpi eq, %jit3A_88, %eq3A : i32
      %jit3A_90 = arith.constant 1 : i32
      %select_n3A_91 = arith.select %eq3A_89, %jit3A_90, %jit3A_88 : i32
      %rem3A_92 = arith.remsi %while3A_87, %select_n3A_91 : i32
      %ne3A_93 = arith.constant 0 : i32
      %ne3A_94 = arith.cmpi ne, %rem3A_92, %ne3A_93 : i32
      %lt3A = arith.constant 0 : i32
      %lt3A_95 = arith.cmpi slt, %rem3A_92, %lt3A : i32
      %lt3A_96 = arith.constant 0 : i32
      %lt3A_97 = arith.cmpi slt, %select_n3A_91, %lt3A_96 : i32
      %ne3A_98 = arith.xori %lt3A_95, %lt3A_97 : i1
      %and3A_99 = arith.andi %ne3A_98, %ne3A_94 : i1
      %add3A_100 = arith.addi %rem3A_92, %select_n3A_91 : i32
      %select_n3A_101 = arith.select %and3A_99, %add3A_100, %rem3A_92 : i32
      %eq3A_102 = arith.constant 0 : i32
      %eq3A_103 = arith.cmpi eq, %select_n3A_101, %eq3A_102 : i32
      %convert_element_type3A = arith.extui %eq3A_103 : i1 to i32
      %cond3A = arith.constant 0 : i32
      %cond3A_104 = arith.cmpi ne, %convert_element_type3A, %cond3A : i32
      scf.if %cond3A_104 {
        %dma_wait3A_126 = arith.constant 0 : i32
        %dma_wait3A_127 = arith.constant 0 : i32
        %dma_wait3A_128 = arith.constant 0 : i32
        %dma_wait3A_129 = tpu.memref_slice %arg2[%dma_wait3A_126, %dma_wait3A_127, %dma_wait3A_128] : memref<16x10000x256xf32, #tpu.memory_space<hbm>> -> memref<16x8x256xf32, #tpu.memory_space<hbm>>
        %dma_wait3A_130 = arith.constant 0 : i32
        %dma_wait3A_131 = arith.constant 0 : i32
        %dma_wait3A_132 = arith.constant 0 : i32
        %dma_wait3A_133 = tpu.memref_slice %arg2[%dma_wait3A_130, %dma_wait3A_131, %dma_wait3A_132] : memref<16x10000x256xf32, #tpu.memory_space<hbm>> -> memref<16x8x256xf32, #tpu.memory_space<hbm>>
        tpu.wait_dma2 semaphore(%arg8 : memref<!tpu.dma_semaphore, #tpu.memory_space<semaphore_mem>>) src(%dma_wait3A_133 : memref<16x8x256xf32, #tpu.memory_space<hbm>>) dst(%arg4 : memref<16x8x256xf32, #tpu.memory_space<vmem>>)
        %ge3A = arith.constant 2 : i32
        %ge3A_134 = arith.cmpi sge, %while3A_87, %ge3A : i32
        %convert_element_type3A_135 = arith.extui %ge3A_134 : i1 to i32
        %cond3A_136 = arith.constant 0 : i32
        %cond3A_137 = arith.cmpi ne, %convert_element_type3A_135, %cond3A_136 : i32
        scf.if %cond3A_137 {
          %dma_wait3A_156 = arith.constant 0 : i32
          %dma_wait3A_157 = arith.constant 0 : i32
          %dma_wait3A_158 = tpu.memref_slice %arg3[%dma_wait3A_156, %dma_wait3A_157] : memref<2400x256xf32, #tpu.memory_space<hbm>> -> memref<8x256xf32, #tpu.memory_space<hbm>>
          %dma_wait3A_159 = arith.constant 0 : i32
          %dma_wait3A_160 = arith.constant 0 : i32
          %dma_wait3A_161 = tpu.memref_slice %arg3[%dma_wait3A_159, %dma_wait3A_160] : memref<2400x256xf32, #tpu.memory_space<hbm>> -> memref<8x256xf32, #tpu.memory_space<hbm>>
          tpu.wait_dma2 semaphore(%arg10 : memref<!tpu.dma_semaphore, #tpu.memory_space<semaphore_mem>>) src(%arg6 : memref<8x256xf32, #tpu.memory_space<vmem>>) dst(%dma_wait3A_161 : memref<8x256xf32, #tpu.memory_space<hbm>>)
        } else {
        }
        %scan3A = arith.constant 0 : i32
        %scan3A_138 = arith.constant 0 : i32
        %scan3A_139 = arith.constant 128 : i32
        %scan3A_140 = arith.addi %scan3A_138, %scan3A_139 : i32
        %scan3A_141 = arith.constant 4 : i32
        scf.for %scan3A_156 = %scan3A_138 to %scan3A_140 step %scan3A_141  : i32 {
          %jit3A_157 = arith.constant 16 : i32
          %div3A_158 = arith.divsi %scan3A_156, %jit3A_157 : i32
          %sign3A_159 = arith.constant 0 : i32
          %sign3A_160 = arith.cmpi sgt, %scan3A_156, %sign3A_159 : i32
          %sign3A_161 = arith.extui %sign3A_160 : i1 to i32
          %sign3A_162 = arith.constant 0 : i32
          %sign3A_163 = arith.cmpi slt, %scan3A_156, %sign3A_162 : i32
          %sign3A_164 = arith.extui %sign3A_163 : i1 to i32
          %sign3A_165 = arith.subi %sign3A_161, %sign3A_164 : i32
          %sign3A_166 = arith.constant 0 : i32
          %sign3A_167 = arith.cmpi sgt, %jit3A_157, %sign3A_166 : i32
          %sign3A_168 = arith.extui %sign3A_167 : i1 to i32
          %sign3A_169 = arith.constant 0 : i32
          %sign3A_170 = arith.cmpi slt, %jit3A_157, %sign3A_169 : i32
          %sign3A_171 = arith.extui %sign3A_170 : i1 to i32
          %sign3A_172 = arith.subi %sign3A_168, %sign3A_171 : i32
          %ne3A_173 = arith.cmpi ne, %sign3A_165, %sign3A_172 : i32
          %rem3A_174 = arith.remsi %scan3A_156, %jit3A_157 : i32
          %ne3A_175 = arith.constant 0 : i32
          %ne3A_176 = arith.cmpi ne, %rem3A_174, %ne3A_175 : i32
          %and3A_177 = arith.andi %ne3A_173, %ne3A_176 : i1
          %sub3A_178 = arith.constant 1 : i32
          %sub3A_179 = arith.subi %div3A_158, %sub3A_178 : i32
          %select_n3A_180 = arith.select %and3A_177, %sub3A_179, %div3A_158 : i32
          %jit3A_181 = arith.constant 16 : i32
          %eq3A_182 = arith.constant 0 : i32
          %eq3A_183 = arith.cmpi eq, %jit3A_181, %eq3A_182 : i32
          %jit3A_184 = arith.constant 1 : i32
          %select_n3A_185 = arith.select %eq3A_183, %jit3A_184, %jit3A_181 : i32
          %rem3A_186 = arith.remsi %scan3A_156, %select_n3A_185 : i32
          %ne3A_187 = arith.constant 0 : i32
          %ne3A_188 = arith.cmpi ne, %rem3A_186, %ne3A_187 : i32
          %lt3A_189 = arith.constant 0 : i32
          %lt3A_190 = arith.cmpi slt, %rem3A_186, %lt3A_189 : i32
          %lt3A_191 = arith.constant 0 : i32
          %lt3A_192 = arith.cmpi slt, %select_n3A_185, %lt3A_191 : i32
          %ne3A_193 = arith.xori %lt3A_190, %lt3A_192 : i1
          %and3A_194 = arith.andi %ne3A_193, %ne3A_188 : i1
          %add3A_195 = arith.addi %rem3A_186, %select_n3A_185 : i32
          %select_n3A_196 = arith.select %and3A_194, %add3A_195, %rem3A_186 : i32
          %mul3A_197 = arith.constant 16 : i32
          %mul3A_198 = arith.muli %select_n3A_196, %mul3A_197 : i32
          %get3A = arith.constant 0 : i32
          %get3A_199 = arith.index_cast %get3A : i32 to index
          %get3A_200 = arith.index_cast %select_n3A_180 : i32 to index
          %get3A_201 = arith.index_cast %mul3A_198 : i32 to index
          %get3A_202 = tpu.vector_load %arg4[%get3A_199, %get3A_200, %get3A_201] {strides = array<i32>} : memref<16x8x256xf32, #tpu.memory_space<vmem>>, vector<1x1x16xf32>,
          %get3A_203 = vector.shape_cast %get3A_202 : vector<1x1x16xf32> to vector<16xf32>
          %get3A_204 = arith.constant 1 : i32
          %get3A_205 = arith.index_cast %get3A_204 : i32 to index
          %get3A_206 = arith.index_cast %select_n3A_180 : i32 to index
          %get3A_207 = arith.index_cast %mul3A_198 : i32 to index
          %get3A_208 = tpu.vector_load %arg4[%get3A_205, %get3A_206, %get3A_207] {strides = array<i32>} : memref<16x8x256xf32, #tpu.memory_space<vmem>>, vector<1x1x16xf32>,
          %get3A_209 = vector.shape_cast %get3A_208 : vector<1x1x16xf32> to vector<16xf32>
          %add3A_210 = arith.addf %get3A_203, %get3A_209 : vector<16xf32>
          %get3A_211 = arith.constant 2 : i32
          %get3A_212 = arith.index_cast %get3A_211 : i32 to index
          %get3A_213 = arith.index_cast %select_n3A_180 : i32 to index
          %get3A_214 = arith.index_cast %mul3A_198 : i32 to index
          %get3A_215 = tpu.vector_load %arg4[%get3A_212, %get3A_213, %get3A_214] {strides = array<i32>} : memref<16x8x256xf32, #tpu.memory_space<vmem>>, vector<1x1x16xf32>,
          %get3A_216 = vector.shape_cast %get3A_215 : vector<1x1x16xf32> to vector<16xf32>
          %add3A_217 = arith.addf %add3A_210, %get3A_216 : vector<16xf32>
          %get3A_218 = arith.constant 3 : i32
          %get3A_219 = arith.index_cast %get3A_218 : i32 to index
          %get3A_220 = arith.index_cast %select_n3A_180 : i32 to index
          %get3A_221 = arith.index_cast %mul3A_198 : i32 to index
          %get3A_222 = tpu.vector_load %arg4[%get3A_219, %get3A_220, %get3A_221] {strides = array<i32>} : memref<16x8x256xf32, #tpu.memory_space<vmem>>, vector<1x1x16xf32>,
          %get3A_223 = vector.shape_cast %get3A_222 : vector<1x1x16xf32> to vector<16xf32>
          %add3A_224 = arith.addf %add3A_217, %get3A_223 : vector<16xf32>
          %get3A_225 = arith.constant 4 : i32
          %get3A_226 = arith.index_cast %get3A_225 : i32 to index
          %get3A_227 = arith.index_cast %select_n3A_180 : i32 to index
          %get3A_228 = arith.index_cast %mul3A_198 : i32 to index
          %get3A_229 = tpu.vector_load %arg4[%get3A_226, %get3A_227, %get3A_228] {strides = array<i32>} : memref<16x8x256xf32, #tpu.memory_space<vmem>>, vector<1x1x16xf32>,
          %get3A_230 = vector.shape_cast %get3A_229 : vector<1x1x16xf32> to vector<16xf32>
          %add3A_231 = arith.addf %add3A_224, %get3A_230 : vector<16xf32>
          %get3A_232 = arith.constant 5 : i32
          %get3A_233 = arith.index_cast %get3A_232 : i32 to index
          %get3A_234 = arith.index_cast %select_n3A_180 : i32 to index
          %get3A_235 = arith.index_cast %mul3A_198 : i32 to index
          %get3A_236 = tpu.vector_load %arg4[%get3A_233, %get3A_234, %get3A_235] {strides = array<i32>} : memref<16x8x256xf32, #tpu.memory_space<vmem>>, vector<1x1x16xf32>,
          %get3A_237 = vector.shape_cast %get3A_236 : vector<1x1x16xf32> to vector<16xf32>
          %add3A_238 = arith.addf %add3A_231, %get3A_237 : vector<16xf32>
          %get3A_239 = arith.constant 6 : i32
          %get3A_240 = arith.index_cast %get3A_239 : i32 to index
          %get3A_241 = arith.index_cast %select_n3A_180 : i32 to index
          %get3A_242 = arith.index_cast %mul3A_198 : i32 to index
          %get3A_243 = tpu.vector_load %arg4[%get3A_240, %get3A_241, %get3A_242] {strides = array<i32>} : memref<16x8x256xf32, #tpu.memory_space<vmem>>, vector<1x1x16xf32>,
          %get3A_244 = vector.shape_cast %get3A_243 : vector<1x1x16xf32> to vector<16xf32>
          %add3A_245 = arith.addf %add3A_238, %get3A_244 : vector<16xf32>
          %get3A_246 = arith.constant 7 : i32
          %get3A_247 = arith.index_cast %get3A_246 : i32 to index
          %get3A_248 = arith.index_cast %select_n3A_180 : i32 to index
          %get3A_249 = arith.index_cast %mul3A_198 : i32 to index
          %get3A_250 = tpu.vector_load %arg4[%get3A_247, %get3A_248, %get3A_249] {strides = array<i32>} : memref<16x8x256xf32, #tpu.memory_space<vmem>>, vector<1x1x16xf32>,
          %get3A_251 = vector.shape_cast %get3A_250 : vector<1x1x16xf32> to vector<16xf32>
          %add3A_252 = arith.addf %add3A_245, %get3A_251 : vector<16xf32>
          %get3A_253 = arith.constant 8 : i32
          %get3A_254 = arith.index_cast %get3A_253 : i32 to index
          %get3A_255 = arith.index_cast %select_n3A_180 : i32 to index
          %get3A_256 = arith.index_cast %mul3A_198 : i32 to index
          %get3A_257 = tpu.vector_load %arg4[%get3A_254, %get3A_255, %get3A_256] {strides = array<i32>} : memref<16x8x256xf32, #tpu.memory_space<vmem>>, vector<1x1x16xf32>,
          %get3A_258 = vector.shape_cast %get3A_257 : vector<1x1x16xf32> to vector<16xf32>
          %add3A_259 = arith.addf %add3A_252, %get3A_258 : vector<16xf32>
          %get3A_260 = arith.constant 9 : i32
          %get3A_261 = arith.index_cast %get3A_260 : i32 to index
          %get3A_262 = arith.index_cast %select_n3A_180 : i32 to index
          %get3A_263 = arith.index_cast %mul3A_198 : i32 to index
          %get3A_264 = tpu.vector_load %arg4[%get3A_261, %get3A_262, %get3A_263] {strides = array<i32>} : memref<16x8x256xf32, #tpu.memory_space<vmem>>, vector<1x1x16xf32>,
          %get3A_265 = vector.shape_cast %get3A_264 : vector<1x1x16xf32> to vector<16xf32>
          %add3A_266 = arith.addf %add3A_259, %get3A_265 : vector<16xf32>
          %get3A_267 = arith.constant 10 : i32
          %get3A_268 = arith.index_cast %get3A_267 : i32 to index
          %get3A_269 = arith.index_cast %select_n3A_180 : i32 to index
          %get3A_270 = arith.index_cast %mul3A_198 : i32 to index
          %get3A_271 = tpu.vector_load %arg4[%get3A_268, %get3A_269, %get3A_270] {strides = array<i32>} : memref<16x8x256xf32, #tpu.memory_space<vmem>>, vector<1x1x16xf32>,
          %get3A_272 = vector.shape_cast %get3A_271 : vector<1x1x16xf32> to vector<16xf32>
          %add3A_273 = arith.addf %add3A_266, %get3A_272 : vector<16xf32>
          %get3A_274 = arith.constant 11 : i32
          %get3A_275 = arith.index_cast %get3A_274 : i32 to index
          %get3A_276 = arith.index_cast %select_n3A_180 : i32 to index
          %get3A_277 = arith.index_cast %mul3A_198 : i32 to index
          %get3A_278 = tpu.vector_load %arg4[%get3A_275, %get3A_276, %get3A_277] {strides = array<i32>} : memref<16x8x256xf32, #tpu.memory_space<vmem>>, vector<1x1x16xf32>,
          %get3A_279 = vector.shape_cast %get3A_278 : vector<1x1x16xf32> to vector<16xf32>
          %add3A_280 = arith.addf %add3A_273, %get3A_279 : vector<16xf32>
          %get3A_281 = arith.constant 12 : i32
          %get3A_282 = arith.index_cast %get3A_281 : i32 to index
          %get3A_283 = arith.index_cast %select_n3A_180 : i32 to index
          %get3A_284 = arith.index_cast %mul3A_198 : i32 to index
          %get3A_285 = tpu.vector_load %arg4[%get3A_282, %get3A_283, %get3A_284] {strides = array<i32>} : memref<16x8x256xf32, #tpu.memory_space<vmem>>, vector<1x1x16xf32>,
          %get3A_286 = vector.shape_cast %get3A_285 : vector<1x1x16xf32> to vector<16xf32>
          %add3A_287 = arith.addf %add3A_280, %get3A_286 : vector<16xf32>
          %get3A_288 = arith.constant 13 : i32
          %get3A_289 = arith.index_cast %get3A_288 : i32 to index
          %get3A_290 = arith.index_cast %select_n3A_180 : i32 to index
          %get3A_291 = arith.index_cast %mul3A_198 : i32 to index
          %get3A_292 = tpu.vector_load %arg4[%get3A_289, %get3A_290, %get3A_291] {strides = array<i32>} : memref<16x8x256xf32, #tpu.memory_space<vmem>>, vector<1x1x16xf32>,
          %get3A_293 = vector.shape_cast %get3A_292 : vector<1x1x16xf32> to vector<16xf32>
          %add3A_294 = arith.addf %add3A_287, %get3A_293 : vector<16xf32>
          %get3A_295 = arith.constant 14 : i32
          %get3A_296 = arith.index_cast %get3A_295 : i32 to index
          %get3A_297 = arith.index_cast %select_n3A_180 : i32 to index
          %get3A_298 = arith.index_cast %mul3A_198 : i32 to index
          %get3A_299 = tpu.vector_load %arg4[%get3A_296, %get3A_297, %get3A_298] {strides = array<i32>} : memref<16x8x256xf32, #tpu.memory_space<vmem>>, vector<1x1x16xf32>,
          %get3A_300 = vector.shape_cast %get3A_299 : vector<1x1x16xf32> to vector<16xf32>
          %add3A_301 = arith.addf %add3A_294, %get3A_300 : vector<16xf32>
          %get3A_302 = arith.constant 15 : i32
          %get3A_303 = arith.index_cast %get3A_302 : i32 to index
          %get3A_304 = arith.index_cast %select_n3A_180 : i32 to index
          %get3A_305 = arith.index_cast %mul3A_198 : i32 to index
          %get3A_306 = tpu.vector_load %arg4[%get3A_303, %get3A_304, %get3A_305] {strides = array<i32>} : memref<16x8x256xf32, #tpu.memory_space<vmem>>, vector<1x1x16xf32>,
          %get3A_307 = vector.shape_cast %get3A_306 : vector<1x1x16xf32> to vector<16xf32>
          %add3A_308 = arith.addf %add3A_301, %get3A_307 : vector<16xf32>
          %swap3A = arith.index_cast %select_n3A_180 : i32 to index
          %swap3A_309 = arith.index_cast %mul3A_198 : i32 to index
          %swap3A_310 = tpu.vector_load %arg6[%swap3A, %swap3A_309] {strides = array<i32>} : memref<8x256xf32, #tpu.memory_space<vmem>>, vector<1x16xf32>,
          %swap3A_311 = vector.shape_cast %swap3A_310 : vector<1x16xf32> to vector<16xf32>
          %swap3A_312 = vector.shape_cast %add3A_308 : vector<16xf32> to vector<1x16xf32>
          tpu.vector_store %arg6[%swap3A, %swap3A_309], %swap3A_312 {strides = array<i32>} : memref<8x256xf32, #tpu.memory_space<vmem>>, vector<1x16xf32>,
          %scan3A_313 = arith.constant 1 : i32
          %scan3A_314 = arith.addi %scan3A_156, %scan3A_313 : i32
          %jit3A_315 = arith.constant 16 : i32
          %div3A_316 = arith.divsi %scan3A_314, %jit3A_315 : i32
          %sign3A_317 = arith.constant 0 : i32
          %sign3A_318 = arith.cmpi sgt, %scan3A_314, %sign3A_317 : i32
          %sign3A_319 = arith.extui %sign3A_318 : i1 to i32
          %sign3A_320 = arith.constant 0 : i32
          %sign3A_321 = arith.cmpi slt, %scan3A_314, %sign3A_320 : i32
          %sign3A_322 = arith.extui %sign3A_321 : i1 to i32
          %sign3A_323 = arith.subi %sign3A_319, %sign3A_322 : i32
          %sign3A_324 = arith.constant 0 : i32
          %sign3A_325 = arith.cmpi sgt, %jit3A_315, %sign3A_324 : i32
          %sign3A_326 = arith.extui %sign3A_325 : i1 to i32
          %sign3A_327 = arith.constant 0 : i32
          %sign3A_328 = arith.cmpi slt, %jit3A_315, %sign3A_327 : i32
          %sign3A_329 = arith.extui %sign3A_328 : i1 to i32
          %sign3A_330 = arith.subi %sign3A_326, %sign3A_329 : i32
          %ne3A_331 = arith.cmpi ne, %sign3A_323, %sign3A_330 : i32
          %rem3A_332 = arith.remsi %scan3A_314, %jit3A_315 : i32
          %ne3A_333 = arith.constant 0 : i32
          %ne3A_334 = arith.cmpi ne, %rem3A_332, %ne3A_333 : i32
          %and3A_335 = arith.andi %ne3A_331, %ne3A_334 : i1
          %sub3A_336 = arith.constant 1 : i32
          %sub3A_337 = arith.subi %div3A_316, %sub3A_336 : i32
          %select_n3A_338 = arith.select %and3A_335, %sub3A_337, %div3A_316 : i32
          %jit3A_339 = arith.constant 16 : i32
          %eq3A_340 = arith.constant 0 : i32
          %eq3A_341 = arith.cmpi eq, %jit3A_339, %eq3A_340 : i32
          %jit3A_342 = arith.constant 1 : i32
          %select_n3A_343 = arith.select %eq3A_341, %jit3A_342, %jit3A_339 : i32
          %rem3A_344 = arith.remsi %scan3A_314, %select_n3A_343 : i32
          %ne3A_345 = arith.constant 0 : i32
          %ne3A_346 = arith.cmpi ne, %rem3A_344, %ne3A_345 : i32
          %lt3A_347 = arith.constant 0 : i32
          %lt3A_348 = arith.cmpi slt, %rem3A_344, %lt3A_347 : i32
          %lt3A_349 = arith.constant 0 : i32
          %lt3A_350 = arith.cmpi slt, %select_n3A_343, %lt3A_349 : i32
          %ne3A_351 = arith.xori %lt3A_348, %lt3A_350 : i1
          %and3A_352 = arith.andi %ne3A_351, %ne3A_346 : i1
          %add3A_353 = arith.addi %rem3A_344, %select_n3A_343 : i32
          %select_n3A_354 = arith.select %and3A_352, %add3A_353, %rem3A_344 : i32
          %mul3A_355 = arith.constant 16 : i32
          %mul3A_356 = arith.muli %select_n3A_354, %mul3A_355 : i32
          %get3A_357 = arith.constant 0 : i32
          %get3A_358 = arith.index_cast %get3A_357 : i32 to index
          %get3A_359 = arith.index_cast %select_n3A_338 : i32 to index
          %get3A_360 = arith.index_cast %mul3A_356 : i32 to index
          %get3A_361 = tpu.vector_load %arg4[%get3A_358, %get3A_359, %get3A_360] {strides = array<i32>} : memref<16x8x256xf32, #tpu.memory_space<vmem>>, vector<1x1x16xf32>,
          %get3A_362 = vector.shape_cast %get3A_361 : vector<1x1x16xf32> to vector<16xf32>
          %get3A_363 = arith.constant 1 : i32
          %get3A_364 = arith.index_cast %get3A_363 : i32 to index
          %get3A_365 = arith.index_cast %select_n3A_338 : i32 to index
          %get3A_366 = arith.index_cast %mul3A_356 : i32 to index
          %get3A_367 = tpu.vector_load %arg4[%get3A_364, %get3A_365, %get3A_366] {strides = array<i32>} : memref<16x8x256xf32, #tpu.memory_space<vmem>>, vector<1x1x16xf32>,
          %get3A_368 = vector.shape_cast %get3A_367 : vector<1x1x16xf32> to vector<16xf32>
          %add3A_369 = arith.addf %get3A_362, %get3A_368 : vector<16xf32>
          %get3A_370 = arith.constant 2 : i32
          %get3A_371 = arith.index_cast %get3A_370 : i32 to index
          %get3A_372 = arith.index_cast %select_n3A_338 : i32 to index
          %get3A_373 = arith.index_cast %mul3A_356 : i32 to index
          %get3A_374 = tpu.vector_load %arg4[%get3A_371, %get3A_372, %get3A_373] {strides = array<i32>} : memref<16x8x256xf32, #tpu.memory_space<vmem>>, vector<1x1x16xf32>,
          %get3A_375 = vector.shape_cast %get3A_374 : vector<1x1x16xf32> to vector<16xf32>
          %add3A_376 = arith.addf %add3A_369, %get3A_375 : vector<16xf32>
          %get3A_377 = arith.constant 3 : i32
          %get3A_378 = arith.index_cast %get3A_377 : i32 to index
          %get3A_379 = arith.index_cast %select_n3A_338 : i32 to index
          %get3A_380 = arith.index_cast %mul3A_356 : i32 to index
          %get3A_381 = tpu.vector_load %arg4[%get3A_378, %get3A_379, %get3A_380] {strides = array<i32>} : memref<16x8x256xf32, #tpu.memory_space<vmem>>, vector<1x1x16xf32>,
          %get3A_382 = vector.shape_cast %get3A_381 : vector<1x1x16xf32> to vector<16xf32>
          %add3A_383 = arith.addf %add3A_376, %get3A_382 : vector<16xf32>
          %get3A_384 = arith.constant 4 : i32
          %get3A_385 = arith.index_cast %get3A_384 : i32 to index
          %get3A_386 = arith.index_cast %select_n3A_338 : i32 to index
          %get3A_387 = arith.index_cast %mul3A_356 : i32 to index
          %get3A_388 = tpu.vector_load %arg4[%get3A_385, %get3A_386, %get3A_387] {strides = array<i32>} : memref<16x8x256xf32, #tpu.memory_space<vmem>>, vector<1x1x16xf32>,
          %get3A_389 = vector.shape_cast %get3A_388 : vector<1x1x16xf32> to vector<16xf32>
          %add3A_390 = arith.addf %add3A_383, %get3A_389 : vector<16xf32>
          %get3A_391 = arith.constant 5 : i32
          %get3A_392 = arith.index_cast %get3A_391 : i32 to index
          %get3A_393 = arith.index_cast %select_n3A_338 : i32 to index
          %get3A_394 = arith.index_cast %mul3A_356 : i32 to index
          %get3A_395 = tpu.vector_load %arg4[%get3A_392, %get3A_393, %get3A_394] {strides = array<i32>} : memref<16x8x256xf32, #tpu.memory_space<vmem>>, vector<1x1x16xf32>,
          %get3A_396 = vector.shape_cast %get3A_395 : vector<1x1x16xf32> to vector<16xf32>
          %add3A_397 = arith.addf %add3A_390, %get3A_396 : vector<16xf32>
          %get3A_398 = arith.constant 6 : i32
          %get3A_399 = arith.index_cast %get3A_398 : i32 to index
          %get3A_400 = arith.index_cast %select_n3A_338 : i32 to index
          %get3A_401 = arith.index_cast %mul3A_356 : i32 to index
          %get3A_402 = tpu.vector_load %arg4[%get3A_399, %get3A_400, %get3A_401] {strides = array<i32>} : memref<16x8x256xf32, #tpu.memory_space<vmem>>, vector<1x1x16xf32>,
          %get3A_403 = vector.shape_cast %get3A_402 : vector<1x1x16xf32> to vector<16xf32>
          %add3A_404 = arith.addf %add3A_397, %get3A_403 : vector<16xf32>
          %get3A_405 = arith.constant 7 : i32
          %get3A_406 = arith.index_cast %get3A_405 : i32 to index
          %get3A_407 = arith.index_cast %select_n3A_338 : i32 to index
          %get3A_408 = arith.index_cast %mul3A_356 : i32 to index
          %get3A_409 = tpu.vector_load %arg4[%get3A_406, %get3A_407, %get3A_408] {strides = array<i32>} : memref<16x8x256xf32, #tpu.memory_space<vmem>>, vector<1x1x16xf32>,
          %get3A_410 = vector.shape_cast %get3A_409 : vector<1x1x16xf32> to vector<16xf32>
          %add3A_411 = arith.addf %add3A_404, %get3A_410 : vector<16xf32>
          %get3A_412 = arith.constant 8 : i32
          %get3A_413 = arith.index_cast %get3A_412 : i32 to index
          %get3A_414 = arith.index_cast %select_n3A_338 : i32 to index
          %get3A_415 = arith.index_cast %mul3A_356 : i32 to index
          %get3A_416 = tpu.vector_load %arg4[%get3A_413, %get3A_414, %get3A_415] {strides = array<i32>} : memref<16x8x256xf32, #tpu.memory_space<vmem>>, vector<1x1x16xf32>,
          %get3A_417 = vector.shape_cast %get3A_416 : vector<1x1x16xf32> to vector<16xf32>
          %add3A_418 = arith.addf %add3A_411, %get3A_417 : vector<16xf32>
          %get3A_419 = arith.constant 9 : i32
          %get3A_420 = arith.index_cast %get3A_419 : i32 to index
          %get3A_421 = arith.index_cast %select_n3A_338 : i32 to index
          %get3A_422 = arith.index_cast %mul3A_356 : i32 to index
          %get3A_423 = tpu.vector_load %arg4[%get3A_420, %get3A_421, %get3A_422] {strides = array<i32>} : memref<16x8x256xf32, #tpu.memory_space<vmem>>, vector<1x1x16xf32>,
          %get3A_424 = vector.shape_cast %get3A_423 : vector<1x1x16xf32> to vector<16xf32>
          %add3A_425 = arith.addf %add3A_418, %get3A_424 : vector<16xf32>
          %get3A_426 = arith.constant 10 : i32
          %get3A_427 = arith.index_cast %get3A_426 : i32 to index
          %get3A_428 = arith.index_cast %select_n3A_338 : i32 to index
          %get3A_429 = arith.index_cast %mul3A_356 : i32 to index
          %get3A_430 = tpu.vector_load %arg4[%get3A_427, %get3A_428, %get3A_429] {strides = array<i32>} : memref<16x8x256xf32, #tpu.memory_space<vmem>>, vector<1x1x16xf32>,
          %get3A_431 = vector.shape_cast %get3A_430 : vector<1x1x16xf32> to vector<16xf32>
          %add3A_432 = arith.addf %add3A_425, %get3A_431 : vector<16xf32>
          %get3A_433 = arith.constant 11 : i32
          %get3A_434 = arith.index_cast %get3A_433 : i32 to index
          %get3A_435 = arith.index_cast %select_n3A_338 : i32 to index
          %get3A_436 = arith.index_cast %mul3A_356 : i32 to index
          %get3A_437 = tpu.vector_load %arg4[%get3A_434, %get3A_435, %get3A_436] {strides = array<i32>} : memref<16x8x256xf32, #tpu.memory_space<vmem>>, vector<1x1x16xf32>,
          %get3A_438 = vector.shape_cast %get3A_437 : vector<1x1x16xf32> to vector<16xf32>
          %add3A_439 = arith.addf %add3A_432, %get3A_438 : vector<16xf32>
          %get3A_440 = arith.constant 12 : i32
          %get3A_441 = arith.index_cast %get3A_440 : i32 to index
          %get3A_442 = arith.index_cast %select_n3A_338 : i32 to index
          %get3A_443 = arith.index_cast %mul3A_356 : i32 to index
          %get3A_444 = tpu.vector_load %arg4[%get3A_441, %get3A_442, %get3A_443] {strides = array<i32>} : memref<16x8x256xf32, #tpu.memory_space<vmem>>, vector<1x1x16xf32>,
          %get3A_445 = vector.shape_cast %get3A_444 : vector<1x1x16xf32> to vector<16xf32>
          %add3A_446 = arith.addf %add3A_439, %get3A_445 : vector<16xf32>
          %get3A_447 = arith.constant 13 : i32
          %get3A_448 = arith.index_cast %get3A_447 : i32 to index
          %get3A_449 = arith.index_cast %select_n3A_338 : i32 to index
          %get3A_450 = arith.index_cast %mul3A_356 : i32 to index
          %get3A_451 = tpu.vector_load %arg4[%get3A_448, %get3A_449, %get3A_450] {strides = array<i32>} : memref<16x8x256xf32, #tpu.memory_space<vmem>>, vector<1x1x16xf32>,
          %get3A_452 = vector.shape_cast %get3A_451 : vector<1x1x16xf32> to vector<16xf32>
          %add3A_453 = arith.addf %add3A_446, %get3A_452 : vector<16xf32>
          %get3A_454 = arith.constant 14 : i32
          %get3A_455 = arith.index_cast %get3A_454 : i32 to index
          %get3A_456 = arith.index_cast %select_n3A_338 : i32 to index
          %get3A_457 = arith.index_cast %mul3A_356 : i32 to index
          %get3A_458 = tpu.vector_load %arg4[%get3A_455, %get3A_456, %get3A_457] {strides = array<i32>} : memref<16x8x256xf32, #tpu.memory_space<vmem>>, vector<1x1x16xf32>,
          %get3A_459 = vector.shape_cast %get3A_458 : vector<1x1x16xf32> to vector<16xf32>
          %add3A_460 = arith.addf %add3A_453, %get3A_459 : vector<16xf32>
          %get3A_461 = arith.constant 15 : i32
          %get3A_462 = arith.index_cast %get3A_461 : i32 to index
          %get3A_463 = arith.index_cast %select_n3A_338 : i32 to index
          %get3A_464 = arith.index_cast %mul3A_356 : i32 to index
          %get3A_465 = tpu.vector_load %arg4[%get3A_462, %get3A_463, %get3A_464] {strides = array<i32>} : memref<16x8x256xf32, #tpu.memory_space<vmem>>, vector<1x1x16xf32>,
          %get3A_466 = vector.shape_cast %get3A_465 : vector<1x1x16xf32> to vector<16xf32>
          %add3A_467 = arith.addf %add3A_460, %get3A_466 : vector<16xf32>
          %swap3A_468 = arith.index_cast %select_n3A_338 : i32 to index
          %swap3A_469 = arith.index_cast %mul3A_356 : i32 to index
          %swap3A_470 = tpu.vector_load %arg6[%swap3A_468, %swap3A_469] {strides = array<i32>} : memref<8x256xf32, #tpu.memory_space<vmem>>, vector<1x16xf32>,
          %swap3A_471 = vector.shape_cast %swap3A_470 : vector<1x16xf32> to vector<16xf32>
          %swap3A_472 = vector.shape_cast %add3A_467 : vector<16xf32> to vector<1x16xf32>
          tpu.vector_store %arg6[%swap3A_468, %swap3A_469], %swap3A_472 {strides = array<i32>} : memref<8x256xf32, #tpu.memory_space<vmem>>, vector<1x16xf32>,
          %scan3A_473 = arith.constant 2 : i32
          %scan3A_474 = arith.addi %scan3A_156, %scan3A_473 : i32
          %jit3A_475 = arith.constant 16 : i32
          %div3A_476 = arith.divsi %scan3A_474, %jit3A_475 : i32
          %sign3A_477 = arith.constant 0 : i32
          %sign3A_478 = arith.cmpi sgt, %scan3A_474, %sign3A_477 : i32
          %sign3A_479 = arith.extui %sign3A_478 : i1 to i32
          %sign3A_480 = arith.constant 0 : i32
          %sign3A_481 = arith.cmpi slt, %scan3A_474, %sign3A_480 : i32
          %sign3A_482 = arith.extui %sign3A_481 : i1 to i32
          %sign3A_483 = arith.subi %sign3A_479, %sign3A_482 : i32
          %sign3A_484 = arith.constant 0 : i32
          %sign3A_485 = arith.cmpi sgt, %jit3A_475, %sign3A_484 : i32
          %sign3A_486 = arith.extui %sign3A_485 : i1 to i32
          %sign3A_487 = arith.constant 0 : i32
          %sign3A_488 = arith.cmpi slt, %jit3A_475, %sign3A_487 : i32
          %sign3A_489 = arith.extui %sign3A_488 : i1 to i32
          %sign3A_490 = arith.subi %sign3A_486, %sign3A_489 : i32
          %ne3A_491 = arith.cmpi ne, %sign3A_483, %sign3A_490 : i32
          %rem3A_492 = arith.remsi %scan3A_474, %jit3A_475 : i32
          %ne3A_493 = arith.constant 0 : i32
          %ne3A_494 = arith.cmpi ne, %rem3A_492, %ne3A_493 : i32
          %and3A_495 = arith.andi %ne3A_491, %ne3A_494 : i1
          %sub3A_496 = arith.constant 1 : i32
          %sub3A_497 = arith.subi %div3A_476, %sub3A_496 : i32
          %select_n3A_498 = arith.select %and3A_495, %sub3A_497, %div3A_476 : i32
          %jit3A_499 = arith.constant 16 : i32
          %eq3A_500 = arith.constant 0 : i32
          %eq3A_501 = arith.cmpi eq, %jit3A_499, %eq3A_500 : i32
          %jit3A_502 = arith.constant 1 : i32
          %select_n3A_503 = arith.select %eq3A_501, %jit3A_502, %jit3A_499 : i32
          %rem3A_504 = arith.remsi %scan3A_474, %select_n3A_503 : i32
          %ne3A_505 = arith.constant 0 : i32
          %ne3A_506 = arith.cmpi ne, %rem3A_504, %ne3A_505 : i32
          %lt3A_507 = arith.constant 0 : i32
          %lt3A_508 = arith.cmpi slt, %rem3A_504, %lt3A_507 : i32
          %lt3A_509 = arith.constant 0 : i32
          %lt3A_510 = arith.cmpi slt, %select_n3A_503, %lt3A_509 : i32
          %ne3A_511 = arith.xori %lt3A_508, %lt3A_510 : i1
          %and3A_512 = arith.andi %ne3A_511, %ne3A_506 : i1
          %add3A_513 = arith.addi %rem3A_504, %select_n3A_503 : i32
          %select_n3A_514 = arith.select %and3A_512, %add3A_513, %rem3A_504 : i32
          %mul3A_515 = arith.constant 16 : i32
          %mul3A_516 = arith.muli %select_n3A_514, %mul3A_515 : i32
          %get3A_517 = arith.constant 0 : i32
          %get3A_518 = arith.index_cast %get3A_517 : i32 to index
          %get3A_519 = arith.index_cast %select_n3A_498 : i32 to index
          %get3A_520 = arith.index_cast %mul3A_516 : i32 to index
          %get3A_521 = tpu.vector_load %arg4[%get3A_518, %get3A_519, %get3A_520] {strides = array<i32>} : memref<16x8x256xf32, #tpu.memory_space<vmem>>, vector<1x1x16xf32>,
          %get3A_522 = vector.shape_cast %get3A_521 : vector<1x1x16xf32> to vector<16xf32>
          %get3A_523 = arith.constant 1 : i32
          %get3A_524 = arith.index_cast %get3A_523 : i32 to index
          %get3A_525 = arith.index_cast %select_n3A_498 : i32 to index
          %get3A_526 = arith.index_cast %mul3A_516 : i32 to index
          %get3A_527 = tpu.vector_load %arg4[%get3A_524, %get3A_525, %get3A_526] {strides = array<i32>} : memref<16x8x256xf32, #tpu.memory_space<vmem>>, vector<1x1x16xf32>,
          %get3A_528 = vector.shape_cast %get3A_527 : vector<1x1x16xf32> to vector<16xf32>
          %add3A_529 = arith.addf %get3A_522, %get3A_528 : vector<16xf32>
          %get3A_530 = arith.constant 2 : i32
          %get3A_531 = arith.index_cast %get3A_530 : i32 to index
          %get3A_532 = arith.index_cast %select_n3A_498 : i32 to index
          %get3A_533 = arith.index_cast %mul3A_516 : i32 to index
          %get3A_534 = tpu.vector_load %arg4[%get3A_531, %get3A_532, %get3A_533] {strides = array<i32>} : memref<16x8x256xf32, #tpu.memory_space<vmem>>, vector<1x1x16xf32>,
          %get3A_535 = vector.shape_cast %get3A_534 : vector<1x1x16xf32> to vector<16xf32>
          %add3A_536 = arith.addf %add3A_529, %get3A_535 : vector<16xf32>
          %get3A_537 = arith.constant 3 : i32
          %get3A_538 = arith.index_cast %get3A_537 : i32 to index
          %get3A_539 = arith.index_cast %select_n3A_498 : i32 to index
          %get3A_540 = arith.index_cast %mul3A_516 : i32 to index
          %get3A_541 = tpu.vector_load %arg4[%get3A_538, %get3A_539, %get3A_540] {strides = array<i32>} : memref<16x8x256xf32, #tpu.memory_space<vmem>>, vector<1x1x16xf32>,
          %get3A_542 = vector.shape_cast %get3A_541 : vector<1x1x16xf32> to vector<16xf32>
          %add3A_543 = arith.addf %add3A_536, %get3A_542 : vector<16xf32>
          %get3A_544 = arith.constant 4 : i32
          %get3A_545 = arith.index_cast %get3A_544 : i32 to index
          %get3A_546 = arith.index_cast %select_n3A_498 : i32 to index
          %get3A_547 = arith.index_cast %mul3A_516 : i32 to index
          %get3A_548 = tpu.vector_load %arg4[%get3A_545, %get3A_546, %get3A_547] {strides = array<i32>} : memref<16x8x256xf32, #tpu.memory_space<vmem>>, vector<1x1x16xf32>,
          %get3A_549 = vector.shape_cast %get3A_548 : vector<1x1x16xf32> to vector<16xf32>
          %add3A_550 = arith.addf %add3A_543, %get3A_549 : vector<16xf32>
          %get3A_551 = arith.constant 5 : i32
          %get3A_552 = arith.index_cast %get3A_551 : i32 to index
          %get3A_553 = arith.index_cast %select_n3A_498 : i32 to index
          %get3A_554 = arith.index_cast %mul3A_516 : i32 to index
          %get3A_555 = tpu.vector_load %arg4[%get3A_552, %get3A_553, %get3A_554] {strides = array<i32>} : memref<16x8x256xf32, #tpu.memory_space<vmem>>, vector<1x1x16xf32>,
          %get3A_556 = vector.shape_cast %get3A_555 : vector<1x1x16xf32> to vector<16xf32>
          %add3A_557 = arith.addf %add3A_550, %get3A_556 : vector<16xf32>
          %get3A_558 = arith.constant 6 : i32
          %get3A_559 = arith.index_cast %get3A_558 : i32 to index
          %get3A_560 = arith.index_cast %select_n3A_498 : i32 to index
          %get3A_561 = arith.index_cast %mul3A_516 : i32 to index
          %get3A_562 = tpu.vector_load %arg4[%get3A_559, %get3A_560, %get3A_561] {strides = array<i32>} : memref<16x8x256xf32, #tpu.memory_space<vmem>>, vector<1x1x16xf32>,
          %get3A_563 = vector.shape_cast %get3A_562 : vector<1x1x16xf32> to vector<16xf32>
          %add3A_564 = arith.addf %add3A_557, %get3A_563 : vector<16xf32>
          %get3A_565 = arith.constant 7 : i32
          %get3A_566 = arith.index_cast %get3A_565 : i32 to index
          %get3A_567 = arith.index_cast %select_n3A_498 : i32 to index
          %get3A_568 = arith.index_cast %mul3A_516 : i32 to index
          %get3A_569 = tpu.vector_load %arg4[%get3A_566, %get3A_567, %get3A_568] {strides = array<i32>} : memref<16x8x256xf32, #tpu.memory_space<vmem>>, vector<1x1x16xf32>,
          %get3A_570 = vector.shape_cast %get3A_569 : vector<1x1x16xf32> to vector<16xf32>
          %add3A_571 = arith.addf %add3A_564, %get3A_570 : vector<16xf32>
          %get3A_572 = arith.constant 8 : i32
          %get3A_573 = arith.index_cast %get3A_572 : i32 to index
          %get3A_574 = arith.index_cast %select_n3A_498 : i32 to index
          %get3A_575 = arith.index_cast %mul3A_516 : i32 to index
          %get3A_576 = tpu.vector_load %arg4[%get3A_573, %get3A_574, %get3A_575] {strides = array<i32>} : memref<16x8x256xf32, #tpu.memory_space<vmem>>, vector<1x1x16xf32>,
          %get3A_577 = vector.shape_cast %get3A_576 : vector<1x1x16xf32> to vector<16xf32>
          %add3A_578 = arith.addf %add3A_571, %get3A_577 : vector<16xf32>
          %get3A_579 = arith.constant 9 : i32
          %get3A_580 = arith.index_cast %get3A_579 : i32 to index
          %get3A_581 = arith.index_cast %select_n3A_498 : i32 to index
          %get3A_582 = arith.index_cast %mul3A_516 : i32 to index
          %get3A_583 = tpu.vector_load %arg4[%get3A_580, %get3A_581, %get3A_582] {strides = array<i32>} : memref<16x8x256xf32, #tpu.memory_space<vmem>>, vector<1x1x16xf32>,
          %get3A_584 = vector.shape_cast %get3A_583 : vector<1x1x16xf32> to vector<16xf32>
          %add3A_585 = arith.addf %add3A_578, %get3A_584 : vector<16xf32>
          %get3A_586 = arith.constant 10 : i32
          %get3A_587 = arith.index_cast %get3A_586 : i32 to index
          %get3A_588 = arith.index_cast %select_n3A_498 : i32 to index
          %get3A_589 = arith.index_cast %mul3A_516 : i32 to index
          %get3A_590 = tpu.vector_load %arg4[%get3A_587, %get3A_588, %get3A_589] {strides = array<i32>} : memref<16x8x256xf32, #tpu.memory_space<vmem>>, vector<1x1x16xf32>,
          %get3A_591 = vector.shape_cast %get3A_590 : vector<1x1x16xf32> to vector<16xf32>
          %add3A_592 = arith.addf %add3A_585, %get3A_591 : vector<16xf32>
          %get3A_593 = arith.constant 11 : i32
          %get3A_594 = arith.index_cast %get3A_593 : i32 to index
          %get3A_595 = arith.index_cast %select_n3A_498 : i32 to index
          %get3A_596 = arith.index_cast %mul3A_516 : i32 to index
          %get3A_597 = tpu.vector_load %arg4[%get3A_594, %get3A_595, %get3A_596] {strides = array<i32>} : memref<16x8x256xf32, #tpu.memory_space<vmem>>, vector<1x1x16xf32>,
          %get3A_598 = vector.shape_cast %get3A_597 : vector<1x1x16xf32> to vector<16xf32>
          %add3A_599 = arith.addf %add3A_592, %get3A_598 : vector<16xf32>
          %get3A_600 = arith.constant 12 : i32
          %get3A_601 = arith.index_cast %get3A_600 : i32 to index
          %get3A_602 = arith.index_cast %select_n3A_498 : i32 to index
          %get3A_603 = arith.index_cast %mul3A_516 : i32 to index
          %get3A_604 = tpu.vector_load %arg4[%get3A_601, %get3A_602, %get3A_603] {strides = array<i32>} : memref<16x8x256xf32, #tpu.memory_space<vmem>>, vector<1x1x16xf32>,
          %get3A_605 = vector.shape_cast %get3A_604 : vector<1x1x16xf32> to vector<16xf32>
          %add3A_606 = arith.addf %add3A_599, %get3A_605 : vector<16xf32>
          %get3A_607 = arith.constant 13 : i32
          %get3A_608 = arith.index_cast %get3A_607 : i32 to index
          %get3A_609 = arith.index_cast %select_n3A_498 : i32 to index
          %get3A_610 = arith.index_cast %mul3A_516 : i32 to index
          %get3A_611 = tpu.vector_load %arg4[%get3A_608, %get3A_609, %get3A_610] {strides = array<i32>} : memref<16x8x256xf32, #tpu.memory_space<vmem>>, vector<1x1x16xf32>,
          %get3A_612 = vector.shape_cast %get3A_611 : vector<1x1x16xf32> to vector<16xf32>
          %add3A_613 = arith.addf %add3A_606, %get3A_612 : vector<16xf32>
          %get3A_614 = arith.constant 14 : i32
          %get3A_615 = arith.index_cast %get3A_614 : i32 to index
          %get3A_616 = arith.index_cast %select_n3A_498 : i32 to index
          %get3A_617 = arith.index_cast %mul3A_516 : i32 to index
          %get3A_618 = tpu.vector_load %arg4[%get3A_615, %get3A_616, %get3A_617] {strides = array<i32>} : memref<16x8x256xf32, #tpu.memory_space<vmem>>, vector<1x1x16xf32>,
          %get3A_619 = vector.shape_cast %get3A_618 : vector<1x1x16xf32> to vector<16xf32>
          %add3A_620 = arith.addf %add3A_613, %get3A_619 : vector<16xf32>
          %get3A_621 = arith.constant 15 : i32
          %get3A_622 = arith.index_cast %get3A_621 : i32 to index
          %get3A_623 = arith.index_cast %select_n3A_498 : i32 to index
          %get3A_624 = arith.index_cast %mul3A_516 : i32 to index
          %get3A_625 = tpu.vector_load %arg4[%get3A_622, %get3A_623, %get3A_624] {strides = array<i32>} : memref<16x8x256xf32, #tpu.memory_space<vmem>>, vector<1x1x16xf32>,
          %get3A_626 = vector.shape_cast %get3A_625 : vector<1x1x16xf32> to vector<16xf32>
          %add3A_627 = arith.addf %add3A_620, %get3A_626 : vector<16xf32>
          %swap3A_628 = arith.index_cast %select_n3A_498 : i32 to index
          %swap3A_629 = arith.index_cast %mul3A_516 : i32 to index
          %swap3A_630 = tpu.vector_load %arg6[%swap3A_628, %swap3A_629] {strides = array<i32>} : memref<8x256xf32, #tpu.memory_space<vmem>>, vector<1x16xf32>,
          %swap3A_631 = vector.shape_cast %swap3A_630 : vector<1x16xf32> to vector<16xf32>
          %swap3A_632 = vector.shape_cast %add3A_627 : vector<16xf32> to vector<1x16xf32>
          tpu.vector_store %arg6[%swap3A_628, %swap3A_629], %swap3A_632 {strides = array<i32>} : memref<8x256xf32, #tpu.memory_space<vmem>>, vector<1x16xf32>,
          %scan3A_633 = arith.constant 3 : i32
          %scan3A_634 = arith.addi %scan3A_156, %scan3A_633 : i32
          %jit3A_635 = arith.constant 16 : i32
          %div3A_636 = arith.divsi %scan3A_634, %jit3A_635 : i32
          %sign3A_637 = arith.constant 0 : i32
          %sign3A_638 = arith.cmpi sgt, %scan3A_634, %sign3A_637 : i32
          %sign3A_639 = arith.extui %sign3A_638 : i1 to i32
          %sign3A_640 = arith.constant 0 : i32
          %sign3A_641 = arith.cmpi slt, %scan3A_634, %sign3A_640 : i32
          %sign3A_642 = arith.extui %sign3A_641 : i1 to i32
          %sign3A_643 = arith.subi %sign3A_639, %sign3A_642 : i32
          %sign3A_644 = arith.constant 0 : i32
          %sign3A_645 = arith.cmpi sgt, %jit3A_635, %sign3A_644 : i32
          %sign3A_646 = arith.extui %sign3A_645 : i1 to i32
          %sign3A_647 = arith.constant 0 : i32
          %sign3A_648 = arith.cmpi slt, %jit3A_635, %sign3A_647 : i32
          %sign3A_649 = arith.extui %sign3A_648 : i1 to i32
          %sign3A_650 = arith.subi %sign3A_646, %sign3A_649 : i32
          %ne3A_651 = arith.cmpi ne, %sign3A_643, %sign3A_650 : i32
          %rem3A_652 = arith.remsi %scan3A_634, %jit3A_635 : i32
          %ne3A_653 = arith.constant 0 : i32
          %ne3A_654 = arith.cmpi ne, %rem3A_652, %ne3A_653 : i32
          %and3A_655 = arith.andi %ne3A_651, %ne3A_654 : i1
          %sub3A_656 = arith.constant 1 : i32
          %sub3A_657 = arith.subi %div3A_636, %sub3A_656 : i32
          %select_n3A_658 = arith.select %and3A_655, %sub3A_657, %div3A_636 : i32
          %jit3A_659 = arith.constant 16 : i32
          %eq3A_660 = arith.constant 0 : i32
          %eq3A_661 = arith.cmpi eq, %jit3A_659, %eq3A_660 : i32
          %jit3A_662 = arith.constant 1 : i32
          %select_n3A_663 = arith.select %eq3A_661, %jit3A_662, %jit3A_659 : i32
          %rem3A_664 = arith.remsi %scan3A_634, %select_n3A_663 : i32
          %ne3A_665 = arith.constant 0 : i32
          %ne3A_666 = arith.cmpi ne, %rem3A_664, %ne3A_665 : i32
          %lt3A_667 = arith.constant 0 : i32
          %lt3A_668 = arith.cmpi slt, %rem3A_664, %lt3A_667 : i32
          %lt3A_669 = arith.constant 0 : i32
          %lt3A_670 = arith.cmpi slt, %select_n3A_663, %lt3A_669 : i32
          %ne3A_671 = arith.xori %lt3A_668, %lt3A_670 : i1
          %and3A_672 = arith.andi %ne3A_671, %ne3A_666 : i1
          %add3A_673 = arith.addi %rem3A_664, %select_n3A_663 : i32
          %select_n3A_674 = arith.select %and3A_672, %add3A_673, %rem3A_664 : i32
          %mul3A_675 = arith.constant 16 : i32
          %mul3A_676 = arith.muli %select_n3A_674, %mul3A_675 : i32
          %get3A_677 = arith.constant 0 : i32
          %get3A_678 = arith.index_cast %get3A_677 : i32 to index
          %get3A_679 = arith.index_cast %select_n3A_658 : i32 to index
          %get3A_680 = arith.index_cast %mul3A_676 : i32 to index
          %get3A_681 = tpu.vector_load %arg4[%get3A_678, %get3A_679, %get3A_680] {strides = array<i32>} : memref<16x8x256xf32, #tpu.memory_space<vmem>>, vector<1x1x16xf32>,
          %get3A_682 = vector.shape_cast %get3A_681 : vector<1x1x16xf32> to vector<16xf32>
          %get3A_683 = arith.constant 1 : i32
          %get3A_684 = arith.index_cast %get3A_683 : i32 to index
          %get3A_685 = arith.index_cast %select_n3A_658 : i32 to index
          %get3A_686 = arith.index_cast %mul3A_676 : i32 to index
          %get3A_687 = tpu.vector_load %arg4[%get3A_684, %get3A_685, %get3A_686] {strides = array<i32>} : memref<16x8x256xf32, #tpu.memory_space<vmem>>, vector<1x1x16xf32>,
          %get3A_688 = vector.shape_cast %get3A_687 : vector<1x1x16xf32> to vector<16xf32>
          %add3A_689 = arith.addf %get3A_682, %get3A_688 : vector<16xf32>
          %get3A_690 = arith.constant 2 : i32
          %get3A_691 = arith.index_cast %get3A_690 : i32 to index
          %get3A_692 = arith.index_cast %select_n3A_658 : i32 to index
          %get3A_693 = arith.index_cast %mul3A_676 : i32 to index
          %get3A_694 = tpu.vector_load %arg4[%get3A_691, %get3A_692, %get3A_693] {strides = array<i32>} : memref<16x8x256xf32, #tpu.memory_space<vmem>>, vector<1x1x16xf32>,
          %get3A_695 = vector.shape_cast %get3A_694 : vector<1x1x16xf32> to vector<16xf32>
          %add3A_696 = arith.addf %add3A_689, %get3A_695 : vector<16xf32>
          %get3A_697 = arith.constant 3 : i32
          %get3A_698 = arith.index_cast %get3A_697 : i32 to index
          %get3A_699 = arith.index_cast %select_n3A_658 : i32 to index
          %get3A_700 = arith.index_cast %mul3A_676 : i32 to index
          %get3A_701 = tpu.vector_load %arg4[%get3A_698, %get3A_699, %get3A_700] {strides = array<i32>} : memref<16x8x256xf32, #tpu.memory_space<vmem>>, vector<1x1x16xf32>,
          %get3A_702 = vector.shape_cast %get3A_701 : vector<1x1x16xf32> to vector<16xf32>
          %add3A_703 = arith.addf %add3A_696, %get3A_702 : vector<16xf32>
          %get3A_704 = arith.constant 4 : i32
          %get3A_705 = arith.index_cast %get3A_704 : i32 to index
          %get3A_706 = arith.index_cast %select_n3A_658 : i32 to index
          %get3A_707 = arith.index_cast %mul3A_676 : i32 to index
          %get3A_708 = tpu.vector_load %arg4[%get3A_705, %get3A_706, %get3A_707] {strides = array<i32>} : memref<16x8x256xf32, #tpu.memory_space<vmem>>, vector<1x1x16xf32>,
          %get3A_709 = vector.shape_cast %get3A_708 : vector<1x1x16xf32> to vector<16xf32>
          %add3A_710 = arith.addf %add3A_703, %get3A_709 : vector<16xf32>
          %get3A_711 = arith.constant 5 : i32
          %get3A_712 = arith.index_cast %get3A_711 : i32 to index
          %get3A_713 = arith.index_cast %select_n3A_658 : i32 to index
          %get3A_714 = arith.index_cast %mul3A_676 : i32 to index
          %get3A_715 = tpu.vector_load %arg4[%get3A_712, %get3A_713, %get3A_714] {strides = array<i32>} : memref<16x8x256xf32, #tpu.memory_space<vmem>>, vector<1x1x16xf32>,
          %get3A_716 = vector.shape_cast %get3A_715 : vector<1x1x16xf32> to vector<16xf32>
          %add3A_717 = arith.addf %add3A_710, %get3A_716 : vector<16xf32>
          %get3A_718 = arith.constant 6 : i32
          %get3A_719 = arith.index_cast %get3A_718 : i32 to index
          %get3A_720 = arith.index_cast %select_n3A_658 : i32 to index
          %get3A_721 = arith.index_cast %mul3A_676 : i32 to index
          %get3A_722 = tpu.vector_load %arg4[%get3A_719, %get3A_720, %get3A_721] {strides = array<i32>} : memref<16x8x256xf32, #tpu.memory_space<vmem>>, vector<1x1x16xf32>,
          %get3A_723 = vector.shape_cast %get3A_722 : vector<1x1x16xf32> to vector<16xf32>
          %add3A_724 = arith.addf %add3A_717, %get3A_723 : vector<16xf32>
          %get3A_725 = arith.constant 7 : i32
          %get3A_726 = arith.index_cast %get3A_725 : i32 to index
          %get3A_727 = arith.index_cast %select_n3A_658 : i32 to index
          %get3A_728 = arith.index_cast %mul3A_676 : i32 to index
          %get3A_729 = tpu.vector_load %arg4[%get3A_726, %get3A_727, %get3A_728] {strides = array<i32>} : memref<16x8x256xf32, #tpu.memory_space<vmem>>, vector<1x1x16xf32>,
          %get3A_730 = vector.shape_cast %get3A_729 : vector<1x1x16xf32> to vector<16xf32>
          %add3A_731 = arith.addf %add3A_724, %get3A_730 : vector<16xf32>
          %get3A_732 = arith.constant 8 : i32
          %get3A_733 = arith.index_cast %get3A_732 : i32 to index
          %get3A_734 = arith.index_cast %select_n3A_658 : i32 to index
          %get3A_735 = arith.index_cast %mul3A_676 : i32 to index
          %get3A_736 = tpu.vector_load %arg4[%get3A_733, %get3A_734, %get3A_735] {strides = array<i32>} : memref<16x8x256xf32, #tpu.memory_space<vmem>>, vector<1x1x16xf32>,
          %get3A_737 = vector.shape_cast %get3A_736 : vector<1x1x16xf32> to vector<16xf32>
          %add3A_738 = arith.addf %add3A_731, %get3A_737 : vector<16xf32>
          %get3A_739 = arith.constant 9 : i32
          %get3A_740 = arith.index_cast %get3A_739 : i32 to index
          %get3A_741 = arith.index_cast %select_n3A_658 : i32 to index
          %get3A_742 = arith.index_cast %mul3A_676 : i32 to index
          %get3A_743 = tpu.vector_load %arg4[%get3A_740, %get3A_741, %get3A_742] {strides = array<i32>} : memref<16x8x256xf32, #tpu.memory_space<vmem>>, vector<1x1x16xf32>,
          %get3A_744 = vector.shape_cast %get3A_743 : vector<1x1x16xf32> to vector<16xf32>
          %add3A_745 = arith.addf %add3A_738, %get3A_744 : vector<16xf32>
          %get3A_746 = arith.constant 10 : i32
          %get3A_747 = arith.index_cast %get3A_746 : i32 to index
          %get3A_748 = arith.index_cast %select_n3A_658 : i32 to index
          %get3A_749 = arith.index_cast %mul3A_676 : i32 to index
          %get3A_750 = tpu.vector_load %arg4[%get3A_747, %get3A_748, %get3A_749] {strides = array<i32>} : memref<16x8x256xf32, #tpu.memory_space<vmem>>, vector<1x1x16xf32>,
          %get3A_751 = vector.shape_cast %get3A_750 : vector<1x1x16xf32> to vector<16xf32>
          %add3A_752 = arith.addf %add3A_745, %get3A_751 : vector<16xf32>
          %get3A_753 = arith.constant 11 : i32
          %get3A_754 = arith.index_cast %get3A_753 : i32 to index
          %get3A_755 = arith.index_cast %select_n3A_658 : i32 to index
          %get3A_756 = arith.index_cast %mul3A_676 : i32 to index
          %get3A_757 = tpu.vector_load %arg4[%get3A_754, %get3A_755, %get3A_756] {strides = array<i32>} : memref<16x8x256xf32, #tpu.memory_space<vmem>>, vector<1x1x16xf32>,
          %get3A_758 = vector.shape_cast %get3A_757 : vector<1x1x16xf32> to vector<16xf32>
          %add3A_759 = arith.addf %add3A_752, %get3A_758 : vector<16xf32>
          %get3A_760 = arith.constant 12 : i32
          %get3A_761 = arith.index_cast %get3A_760 : i32 to index
          %get3A_762 = arith.index_cast %select_n3A_658 : i32 to index
          %get3A_763 = arith.index_cast %mul3A_676 : i32 to index
          %get3A_764 = tpu.vector_load %arg4[%get3A_761, %get3A_762, %get3A_763] {strides = array<i32>} : memref<16x8x256xf32, #tpu.memory_space<vmem>>, vector<1x1x16xf32>,
          %get3A_765 = vector.shape_cast %get3A_764 : vector<1x1x16xf32> to vector<16xf32>
          %add3A_766 = arith.addf %add3A_759, %get3A_765 : vector<16xf32>
          %get3A_767 = arith.constant 13 : i32
          %get3A_768 = arith.index_cast %get3A_767 : i32 to index
          %get3A_769 = arith.index_cast %select_n3A_658 : i32 to index
          %get3A_770 = arith.index_cast %mul3A_676 : i32 to index
          %get3A_771 = tpu.vector_load %arg4[%get3A_768, %get3A_769, %get3A_770] {strides = array<i32>} : memref<16x8x256xf32, #tpu.memory_space<vmem>>, vector<1x1x16xf32>,
          %get3A_772 = vector.shape_cast %get3A_771 : vector<1x1x16xf32> to vector<16xf32>
          %add3A_773 = arith.addf %add3A_766, %get3A_772 : vector<16xf32>
          %get3A_774 = arith.constant 14 : i32
          %get3A_775 = arith.index_cast %get3A_774 : i32 to index
          %get3A_776 = arith.index_cast %select_n3A_658 : i32 to index
          %get3A_777 = arith.index_cast %mul3A_676 : i32 to index
          %get3A_778 = tpu.vector_load %arg4[%get3A_775, %get3A_776, %get3A_777] {strides = array<i32>} : memref<16x8x256xf32, #tpu.memory_space<vmem>>, vector<1x1x16xf32>,
          %get3A_779 = vector.shape_cast %get3A_778 : vector<1x1x16xf32> to vector<16xf32>
          %add3A_780 = arith.addf %add3A_773, %get3A_779 : vector<16xf32>
          %get3A_781 = arith.constant 15 : i32
          %get3A_782 = arith.index_cast %get3A_781 : i32 to index
          %get3A_783 = arith.index_cast %select_n3A_658 : i32 to index
          %get3A_784 = arith.index_cast %mul3A_676 : i32 to index
          %get3A_785 = tpu.vector_load %arg4[%get3A_782, %get3A_783, %get3A_784] {strides = array<i32>} : memref<16x8x256xf32, #tpu.memory_space<vmem>>, vector<1x1x16xf32>,
          %get3A_786 = vector.shape_cast %get3A_785 : vector<1x1x16xf32> to vector<16xf32>
          %add3A_787 = arith.addf %add3A_780, %get3A_786 : vector<16xf32>
          %swap3A_788 = arith.index_cast %select_n3A_658 : i32 to index
          %swap3A_789 = arith.index_cast %mul3A_676 : i32 to index
          %swap3A_790 = tpu.vector_load %arg6[%swap3A_788, %swap3A_789] {strides = array<i32>} : memref<8x256xf32, #tpu.memory_space<vmem>>, vector<1x16xf32>,
          %swap3A_791 = vector.shape_cast %swap3A_790 : vector<1x16xf32> to vector<16xf32>
          %swap3A_792 = vector.shape_cast %add3A_787 : vector<16xf32> to vector<1x16xf32>
          tpu.vector_store %arg6[%swap3A_788, %swap3A_789], %swap3A_792 {strides = array<i32>} : memref<8x256xf32, #tpu.memory_space<vmem>>, vector<1x16xf32>,
        }
        %scan3A_142 = arith.constant 128 : i32
        %add3A_143 = arith.constant 2 : i32
        %add3A_144 = arith.addi %while3A_87, %add3A_143 : i32
        %lt3A_145 = arith.cmpi slt, %add3A_144, %sub3A_47 : i32
        %convert_element_type3A_146 = arith.extui %lt3A_145 : i1 to i32
        %cond3A_147 = arith.constant 0 : i32
        %cond3A_148 = arith.cmpi ne, %convert_element_type3A_146, %cond3A_147 : i32
        scf.if %cond3A_148 {
          %add3A_156 = arith.constant 2 : i32
          %add3A_157 = arith.addi %while3A_87, %add3A_156 : i32
          %add3A_158 = arith.addi %select_n3A, %add3A_157 : i32
          %mul3A_159 = arith.constant 8 : i32
          %mul3A_160 = arith.muli %add3A_158, %mul3A_159 : i32
          %dma_start3A_161 = arith.constant 0 : i32
          %dma_start3A_162 = arith.constant 0 : i32
          %dma_start3A_163 = tpu.memref_slice %arg2[%dma_start3A_161, %mul3A_160, %dma_start3A_162] : memref<16x10000x256xf32, #tpu.memory_space<hbm>> -> memref<16x8x256xf32, #tpu.memory_space<hbm>>
          %dma_start3A_164 = arith.constant 0 : i32
          %dma_start3A_165 = arith.constant 0 : i32
          %dma_start3A_166 = tpu.memref_slice %arg2[%dma_start3A_164, %mul3A_160, %dma_start3A_165] : memref<16x10000x256xf32, #tpu.memory_space<hbm>> -> memref<16x8x256xf32, #tpu.memory_space<hbm>>
          tpu.enqueue_dma source(%dma_start3A_166 : memref<16x8x256xf32, #tpu.memory_space<hbm>>) target(%arg4 : memref<16x8x256xf32, #tpu.memory_space<vmem>>) target_semaphore(%arg8 : memref<!tpu.dma_semaphore, #tpu.memory_space<semaphore_mem>>)
        } else {
        }
        %add3A_149 = arith.addi %select_n3A, %while3A_87 : i32
        %mul3A_150 = arith.constant 8 : i32
        %mul3A_151 = arith.muli %add3A_149, %mul3A_150 : i32
        %dma_start3A_152 = arith.constant 0 : i32
        %dma_start3A_153 = tpu.memref_slice %arg3[%mul3A_151, %dma_start3A_152] : memref<2400x256xf32, #tpu.memory_space<hbm>> -> memref<8x256xf32, #tpu.memory_space<hbm>>
        %dma_start3A_154 = arith.constant 0 : i32
        %dma_start3A_155 = tpu.memref_slice %arg3[%mul3A_151, %dma_start3A_154] : memref<2400x256xf32, #tpu.memory_space<hbm>> -> memref<8x256xf32, #tpu.memory_space<hbm>>
        tpu.enqueue_dma source(%arg6 : memref<8x256xf32, #tpu.memory_space<vmem>>) target(%dma_start3A_155 : memref<8x256xf32, #tpu.memory_space<hbm>>) target_semaphore(%arg10 : memref<!tpu.dma_semaphore, #tpu.memory_space<semaphore_mem>>)
      } else {
      }
      %jit3A_105 = arith.constant 2 : i32
      %eq3A_106 = arith.constant 0 : i32
      %eq3A_107 = arith.cmpi eq, %jit3A_105, %eq3A_106 : i32
      %jit3A_108 = arith.constant 1 : i32
      %select_n3A_109 = arith.select %eq3A_107, %jit3A_108, %jit3A_105 : i32
      %rem3A_110 = arith.remsi %while3A_87, %select_n3A_109 : i32
      %ne3A_111 = arith.constant 0 : i32
      %ne3A_112 = arith.cmpi ne, %rem3A_110, %ne3A_111 : i32
      %lt3A_113 = arith.constant 0 : i32
      %lt3A_114 = arith.cmpi slt, %rem3A_110, %lt3A_113 : i32
      %lt3A_115 = arith.constant 0 : i32
      %lt3A_116 = arith.cmpi slt, %select_n3A_109, %lt3A_115 : i32
      %ne3A_117 = arith.xori %lt3A_114, %lt3A_116 : i1
      %and3A_118 = arith.andi %ne3A_117, %ne3A_112 : i1
      %add3A_119 = arith.addi %rem3A_110, %select_n3A_109 : i32
      %select_n3A_120 = arith.select %and3A_118, %add3A_119, %rem3A_110 : i32
      %eq3A_121 = arith.constant 1 : i32
      %eq3A_122 = arith.cmpi eq, %select_n3A_120, %eq3A_121 : i32
      %convert_element_type3A_123 = arith.extui %eq3A_122 : i1 to i32
      %cond3A_124 = arith.constant 0 : i32
      %cond3A_125 = arith.cmpi ne, %convert_element_type3A_123, %cond3A_124 : i32
      scf.if %cond3A_125 {
        %dma_wait3A_126 = arith.constant 0 : i32
        %dma_wait3A_127 = arith.constant 0 : i32
        %dma_wait3A_128 = arith.constant 0 : i32
        %dma_wait3A_129 = tpu.memref_slice %arg2[%dma_wait3A_126, %dma_wait3A_127, %dma_wait3A_128] : memref<16x10000x256xf32, #tpu.memory_space<hbm>> -> memref<16x8x256xf32, #tpu.memory_space<hbm>>
        %dma_wait3A_130 = arith.constant 0 : i32
        %dma_wait3A_131 = arith.constant 0 : i32
        %dma_wait3A_132 = arith.constant 0 : i32
        %dma_wait3A_133 = tpu.memref_slice %arg2[%dma_wait3A_130, %dma_wait3A_131, %dma_wait3A_132] : memref<16x10000x256xf32, #tpu.memory_space<hbm>> -> memref<16x8x256xf32, #tpu.memory_space<hbm>>
        tpu.wait_dma2 semaphore(%arg9 : memref<!tpu.dma_semaphore, #tpu.memory_space<semaphore_mem>>) src(%dma_wait3A_133 : memref<16x8x256xf32, #tpu.memory_space<hbm>>) dst(%arg5 : memref<16x8x256xf32, #tpu.memory_space<vmem>>)
        %ge3A = arith.constant 2 : i32
        %ge3A_134 = arith.cmpi sge, %while3A_87, %ge3A : i32
        %convert_element_type3A_135 = arith.extui %ge3A_134 : i1 to i32
        %cond3A_136 = arith.constant 0 : i32
        %cond3A_137 = arith.cmpi ne, %convert_element_type3A_135, %cond3A_136 : i32
        scf.if %cond3A_137 {
          %dma_wait3A_156 = arith.constant 0 : i32
          %dma_wait3A_157 = arith.constant 0 : i32
          %dma_wait3A_158 = tpu.memref_slice %arg3[%dma_wait3A_156, %dma_wait3A_157] : memref<2400x256xf32, #tpu.memory_space<hbm>> -> memref<8x256xf32, #tpu.memory_space<hbm>>
          %dma_wait3A_159 = arith.constant 0 : i32
          %dma_wait3A_160 = arith.constant 0 : i32
          %dma_wait3A_161 = tpu.memref_slice %arg3[%dma_wait3A_159, %dma_wait3A_160] : memref<2400x256xf32, #tpu.memory_space<hbm>> -> memref<8x256xf32, #tpu.memory_space<hbm>>
          tpu.wait_dma2 semaphore(%arg11 : memref<!tpu.dma_semaphore, #tpu.memory_space<semaphore_mem>>) src(%arg7 : memref<8x256xf32, #tpu.memory_space<vmem>>) dst(%dma_wait3A_161 : memref<8x256xf32, #tpu.memory_space<hbm>>)
        } else {
        }
        %scan3A = arith.constant 0 : i32
        %scan3A_138 = arith.constant 0 : i32
        %scan3A_139 = arith.constant 128 : i32
        %scan3A_140 = arith.addi %scan3A_138, %scan3A_139 : i32
        %scan3A_141 = arith.constant 4 : i32
        scf.for %scan3A_156 = %scan3A_138 to %scan3A_140 step %scan3A_141  : i32 {
          %jit3A_157 = arith.constant 16 : i32
          %div3A_158 = arith.divsi %scan3A_156, %jit3A_157 : i32
          %sign3A_159 = arith.constant 0 : i32
          %sign3A_160 = arith.cmpi sgt, %scan3A_156, %sign3A_159 : i32
          %sign3A_161 = arith.extui %sign3A_160 : i1 to i32
          %sign3A_162 = arith.constant 0 : i32
          %sign3A_163 = arith.cmpi slt, %scan3A_156, %sign3A_162 : i32
          %sign3A_164 = arith.extui %sign3A_163 : i1 to i32
          %sign3A_165 = arith.subi %sign3A_161, %sign3A_164 : i32
          %sign3A_166 = arith.constant 0 : i32
          %sign3A_167 = arith.cmpi sgt, %jit3A_157, %sign3A_166 : i32
          %sign3A_168 = arith.extui %sign3A_167 : i1 to i32
          %sign3A_169 = arith.constant 0 : i32
          %sign3A_170 = arith.cmpi slt, %jit3A_157, %sign3A_169 : i32
          %sign3A_171 = arith.extui %sign3A_170 : i1 to i32
          %sign3A_172 = arith.subi %sign3A_168, %sign3A_171 : i32
          %ne3A_173 = arith.cmpi ne, %sign3A_165, %sign3A_172 : i32
          %rem3A_174 = arith.remsi %scan3A_156, %jit3A_157 : i32
          %ne3A_175 = arith.constant 0 : i32
          %ne3A_176 = arith.cmpi ne, %rem3A_174, %ne3A_175 : i32
          %and3A_177 = arith.andi %ne3A_173, %ne3A_176 : i1
          %sub3A_178 = arith.constant 1 : i32
          %sub3A_179 = arith.subi %div3A_158, %sub3A_178 : i32
          %select_n3A_180 = arith.select %and3A_177, %sub3A_179, %div3A_158 : i32
          %jit3A_181 = arith.constant 16 : i32
          %eq3A_182 = arith.constant 0 : i32
          %eq3A_183 = arith.cmpi eq, %jit3A_181, %eq3A_182 : i32
          %jit3A_184 = arith.constant 1 : i32
          %select_n3A_185 = arith.select %eq3A_183, %jit3A_184, %jit3A_181 : i32
          %rem3A_186 = arith.remsi %scan3A_156, %select_n3A_185 : i32
          %ne3A_187 = arith.constant 0 : i32
          %ne3A_188 = arith.cmpi ne, %rem3A_186, %ne3A_187 : i32
          %lt3A_189 = arith.constant 0 : i32
          %lt3A_190 = arith.cmpi slt, %rem3A_186, %lt3A_189 : i32
          %lt3A_191 = arith.constant 0 : i32
          %lt3A_192 = arith.cmpi slt, %select_n3A_185, %lt3A_191 : i32
          %ne3A_193 = arith.xori %lt3A_190, %lt3A_192 : i1
          %and3A_194 = arith.andi %ne3A_193, %ne3A_188 : i1
          %add3A_195 = arith.addi %rem3A_186, %select_n3A_185 : i32
          %select_n3A_196 = arith.select %and3A_194, %add3A_195, %rem3A_186 : i32
          %mul3A_197 = arith.constant 16 : i32
          %mul3A_198 = arith.muli %select_n3A_196, %mul3A_197 : i32
          %get3A = arith.constant 0 : i32
          %get3A_199 = arith.index_cast %get3A : i32 to index
          %get3A_200 = arith.index_cast %select_n3A_180 : i32 to index
          %get3A_201 = arith.index_cast %mul3A_198 : i32 to index
          %get3A_202 = tpu.vector_load %arg5[%get3A_199, %get3A_200, %get3A_201] {strides = array<i32>} : memref<16x8x256xf32, #tpu.memory_space<vmem>>, vector<1x1x16xf32>,
          %get3A_203 = vector.shape_cast %get3A_202 : vector<1x1x16xf32> to vector<16xf32>
          %get3A_204 = arith.constant 1 : i32
          %get3A_205 = arith.index_cast %get3A_204 : i32 to index
          %get3A_206 = arith.index_cast %select_n3A_180 : i32 to index
          %get3A_207 = arith.index_cast %mul3A_198 : i32 to index
          %get3A_208 = tpu.vector_load %arg5[%get3A_205, %get3A_206, %get3A_207] {strides = array<i32>} : memref<16x8x256xf32, #tpu.memory_space<vmem>>, vector<1x1x16xf32>,
          %get3A_209 = vector.shape_cast %get3A_208 : vector<1x1x16xf32> to vector<16xf32>
          %add3A_210 = arith.addf %get3A_203, %get3A_209 : vector<16xf32>
          %get3A_211 = arith.constant 2 : i32
          %get3A_212 = arith.index_cast %get3A_211 : i32 to index
          %get3A_213 = arith.index_cast %select_n3A_180 : i32 to index
          %get3A_214 = arith.index_cast %mul3A_198 : i32 to index
          %get3A_215 = tpu.vector_load %arg5[%get3A_212, %get3A_213, %get3A_214] {strides = array<i32>} : memref<16x8x256xf32, #tpu.memory_space<vmem>>, vector<1x1x16xf32>,
          %get3A_216 = vector.shape_cast %get3A_215 : vector<1x1x16xf32> to vector<16xf32>
          %add3A_217 = arith.addf %add3A_210, %get3A_216 : vector<16xf32>
          %get3A_218 = arith.constant 3 : i32
          %get3A_219 = arith.index_cast %get3A_218 : i32 to index
          %get3A_220 = arith.index_cast %select_n3A_180 : i32 to index
          %get3A_221 = arith.index_cast %mul3A_198 : i32 to index
          %get3A_222 = tpu.vector_load %arg5[%get3A_219, %get3A_220, %get3A_221] {strides = array<i32>} : memref<16x8x256xf32, #tpu.memory_space<vmem>>, vector<1x1x16xf32>,
          %get3A_223 = vector.shape_cast %get3A_222 : vector<1x1x16xf32> to vector<16xf32>
          %add3A_224 = arith.addf %add3A_217, %get3A_223 : vector<16xf32>
          %get3A_225 = arith.constant 4 : i32
          %get3A_226 = arith.index_cast %get3A_225 : i32 to index
          %get3A_227 = arith.index_cast %select_n3A_180 : i32 to index
          %get3A_228 = arith.index_cast %mul3A_198 : i32 to index
          %get3A_229 = tpu.vector_load %arg5[%get3A_226, %get3A_227, %get3A_228] {strides = array<i32>} : memref<16x8x256xf32, #tpu.memory_space<vmem>>, vector<1x1x16xf32>,
          %get3A_230 = vector.shape_cast %get3A_229 : vector<1x1x16xf32> to vector<16xf32>
          %add3A_231 = arith.addf %add3A_224, %get3A_230 : vector<16xf32>
          %get3A_232 = arith.constant 5 : i32
          %get3A_233 = arith.index_cast %get3A_232 : i32 to index
          %get3A_234 = arith.index_cast %select_n3A_180 : i32 to index
          %get3A_235 = arith.index_cast %mul3A_198 : i32 to index
          %get3A_236 = tpu.vector_load %arg5[%get3A_233, %get3A_234, %get3A_235] {strides = array<i32>} : memref<16x8x256xf32, #tpu.memory_space<vmem>>, vector<1x1x16xf32>,
          %get3A_237 = vector.shape_cast %get3A_236 : vector<1x1x16xf32> to vector<16xf32>
          %add3A_238 = arith.addf %add3A_231, %get3A_237 : vector<16xf32>
          %get3A_239 = arith.constant 6 : i32
          %get3A_240 = arith.index_cast %get3A_239 : i32 to index
          %get3A_241 = arith.index_cast %select_n3A_180 : i32 to index
          %get3A_242 = arith.index_cast %mul3A_198 : i32 to index
          %get3A_243 = tpu.vector_load %arg5[%get3A_240, %get3A_241, %get3A_242] {strides = array<i32>} : memref<16x8x256xf32, #tpu.memory_space<vmem>>, vector<1x1x16xf32>,
          %get3A_244 = vector.shape_cast %get3A_243 : vector<1x1x16xf32> to vector<16xf32>
          %add3A_245 = arith.addf %add3A_238, %get3A_244 : vector<16xf32>
          %get3A_246 = arith.constant 7 : i32
          %get3A_247 = arith.index_cast %get3A_246 : i32 to index
          %get3A_248 = arith.index_cast %select_n3A_180 : i32 to index
          %get3A_249 = arith.index_cast %mul3A_198 : i32 to index
          %get3A_250 = tpu.vector_load %arg5[%get3A_247, %get3A_248, %get3A_249] {strides = array<i32>} : memref<16x8x256xf32, #tpu.memory_space<vmem>>, vector<1x1x16xf32>,
          %get3A_251 = vector.shape_cast %get3A_250 : vector<1x1x16xf32> to vector<16xf32>
          %add3A_252 = arith.addf %add3A_245, %get3A_251 : vector<16xf32>
          %get3A_253 = arith.constant 8 : i32
          %get3A_254 = arith.index_cast %get3A_253 : i32 to index
          %get3A_255 = arith.index_cast %select_n3A_180 : i32 to index
          %get3A_256 = arith.index_cast %mul3A_198 : i32 to index
          %get3A_257 = tpu.vector_load %arg5[%get3A_254, %get3A_255, %get3A_256] {strides = array<i32>} : memref<16x8x256xf32, #tpu.memory_space<vmem>>, vector<1x1x16xf32>,
          %get3A_258 = vector.shape_cast %get3A_257 : vector<1x1x16xf32> to vector<16xf32>
          %add3A_259 = arith.addf %add3A_252, %get3A_258 : vector<16xf32>
          %get3A_260 = arith.constant 9 : i32
          %get3A_261 = arith.index_cast %get3A_260 : i32 to index
          %get3A_262 = arith.index_cast %select_n3A_180 : i32 to index
          %get3A_263 = arith.index_cast %mul3A_198 : i32 to index
          %get3A_264 = tpu.vector_load %arg5[%get3A_261, %get3A_262, %get3A_263] {strides = array<i32>} : memref<16x8x256xf32, #tpu.memory_space<vmem>>, vector<1x1x16xf32>,
          %get3A_265 = vector.shape_cast %get3A_264 : vector<1x1x16xf32> to vector<16xf32>
          %add3A_266 = arith.addf %add3A_259, %get3A_265 : vector<16xf32>
          %get3A_267 = arith.constant 10 : i32
          %get3A_268 = arith.index_cast %get3A_267 : i32 to index
          %get3A_269 = arith.index_cast %select_n3A_180 : i32 to index
          %get3A_270 = arith.index_cast %mul3A_198 : i32 to index
          %get3A_271 = tpu.vector_load %arg5[%get3A_268, %get3A_269, %get3A_270] {strides = array<i32>} : memref<16x8x256xf32, #tpu.memory_space<vmem>>, vector<1x1x16xf32>,
          %get3A_272 = vector.shape_cast %get3A_271 : vector<1x1x16xf32> to vector<16xf32>
          %add3A_273 = arith.addf %add3A_266, %get3A_272 : vector<16xf32>
          %get3A_274 = arith.constant 11 : i32
          %get3A_275 = arith.index_cast %get3A_274 : i32 to index
          %get3A_276 = arith.index_cast %select_n3A_180 : i32 to index
          %get3A_277 = arith.index_cast %mul3A_198 : i32 to index
          %get3A_278 = tpu.vector_load %arg5[%get3A_275, %get3A_276, %get3A_277] {strides = array<i32>} : memref<16x8x256xf32, #tpu.memory_space<vmem>>, vector<1x1x16xf32>,
          %get3A_279 = vector.shape_cast %get3A_278 : vector<1x1x16xf32> to vector<16xf32>
          %add3A_280 = arith.addf %add3A_273, %get3A_279 : vector<16xf32>
          %get3A_281 = arith.constant 12 : i32
          %get3A_282 = arith.index_cast %get3A_281 : i32 to index
          %get3A_283 = arith.index_cast %select_n3A_180 : i32 to index
          %get3A_284 = arith.index_cast %mul3A_198 : i32 to index
          %get3A_285 = tpu.vector_load %arg5[%get3A_282, %get3A_283, %get3A_284] {strides = array<i32>} : memref<16x8x256xf32, #tpu.memory_space<vmem>>, vector<1x1x16xf32>,
          %get3A_286 = vector.shape_cast %get3A_285 : vector<1x1x16xf32> to vector<16xf32>
          %add3A_287 = arith.addf %add3A_280, %get3A_286 : vector<16xf32>
          %get3A_288 = arith.constant 13 : i32
          %get3A_289 = arith.index_cast %get3A_288 : i32 to index
          %get3A_290 = arith.index_cast %select_n3A_180 : i32 to index
          %get3A_291 = arith.index_cast %mul3A_198 : i32 to index
          %get3A_292 = tpu.vector_load %arg5[%get3A_289, %get3A_290, %get3A_291] {strides = array<i32>} : memref<16x8x256xf32, #tpu.memory_space<vmem>>, vector<1x1x16xf32>,
          %get3A_293 = vector.shape_cast %get3A_292 : vector<1x1x16xf32> to vector<16xf32>
          %add3A_294 = arith.addf %add3A_287, %get3A_293 : vector<16xf32>
          %get3A_295 = arith.constant 14 : i32
          %get3A_296 = arith.index_cast %get3A_295 : i32 to index
          %get3A_297 = arith.index_cast %select_n3A_180 : i32 to index
          %get3A_298 = arith.index_cast %mul3A_198 : i32 to index
          %get3A_299 = tpu.vector_load %arg5[%get3A_296, %get3A_297, %get3A_298] {strides = array<i32>} : memref<16x8x256xf32, #tpu.memory_space<vmem>>, vector<1x1x16xf32>,
          %get3A_300 = vector.shape_cast %get3A_299 : vector<1x1x16xf32> to vector<16xf32>
          %add3A_301 = arith.addf %add3A_294, %get3A_300 : vector<16xf32>
          %get3A_302 = arith.constant 15 : i32
          %get3A_303 = arith.index_cast %get3A_302 : i32 to index
          %get3A_304 = arith.index_cast %select_n3A_180 : i32 to index
          %get3A_305 = arith.index_cast %mul3A_198 : i32 to index
          %get3A_306 = tpu.vector_load %arg5[%get3A_303, %get3A_304, %get3A_305] {strides = array<i32>} : memref<16x8x256xf32, #tpu.memory_space<vmem>>, vector<1x1x16xf32>,
          %get3A_307 = vector.shape_cast %get3A_306 : vector<1x1x16xf32> to vector<16xf32>
          %add3A_308 = arith.addf %add3A_301, %get3A_307 : vector<16xf32>
          %swap3A = arith.index_cast %select_n3A_180 : i32 to index
          %swap3A_309 = arith.index_cast %mul3A_198 : i32 to index
          %swap3A_310 = tpu.vector_load %arg7[%swap3A, %swap3A_309] {strides = array<i32>} : memref<8x256xf32, #tpu.memory_space<vmem>>, vector<1x16xf32>,
          %swap3A_311 = vector.shape_cast %swap3A_310 : vector<1x16xf32> to vector<16xf32>
          %swap3A_312 = vector.shape_cast %add3A_308 : vector<16xf32> to vector<1x16xf32>
          tpu.vector_store %arg7[%swap3A, %swap3A_309], %swap3A_312 {strides = array<i32>} : memref<8x256xf32, #tpu.memory_space<vmem>>, vector<1x16xf32>,
          %scan3A_313 = arith.constant 1 : i32
          %scan3A_314 = arith.addi %scan3A_156, %scan3A_313 : i32
          %jit3A_315 = arith.constant 16 : i32
          %div3A_316 = arith.divsi %scan3A_314, %jit3A_315 : i32
          %sign3A_317 = arith.constant 0 : i32
          %sign3A_318 = arith.cmpi sgt, %scan3A_314, %sign3A_317 : i32
          %sign3A_319 = arith.extui %sign3A_318 : i1 to i32
          %sign3A_320 = arith.constant 0 : i32
          %sign3A_321 = arith.cmpi slt, %scan3A_314, %sign3A_320 : i32
          %sign3A_322 = arith.extui %sign3A_321 : i1 to i32
          %sign3A_323 = arith.subi %sign3A_319, %sign3A_322 : i32
          %sign3A_324 = arith.constant 0 : i32
          %sign3A_325 = arith.cmpi sgt, %jit3A_315, %sign3A_324 : i32
          %sign3A_326 = arith.extui %sign3A_325 : i1 to i32
          %sign3A_327 = arith.constant 0 : i32
          %sign3A_328 = arith.cmpi slt, %jit3A_315, %sign3A_327 : i32
          %sign3A_329 = arith.extui %sign3A_328 : i1 to i32
          %sign3A_330 = arith.subi %sign3A_326, %sign3A_329 : i32
          %ne3A_331 = arith.cmpi ne, %sign3A_323, %sign3A_330 : i32
          %rem3A_332 = arith.remsi %scan3A_314, %jit3A_315 : i32
          %ne3A_333 = arith.constant 0 : i32
          %ne3A_334 = arith.cmpi ne, %rem3A_332, %ne3A_333 : i32
          %and3A_335 = arith.andi %ne3A_331, %ne3A_334 : i1
          %sub3A_336 = arith.constant 1 : i32
          %sub3A_337 = arith.subi %div3A_316, %sub3A_336 : i32
          %select_n3A_338 = arith.select %and3A_335, %sub3A_337, %div3A_316 : i32
          %jit3A_339 = arith.constant 16 : i32
          %eq3A_340 = arith.constant 0 : i32
          %eq3A_341 = arith.cmpi eq, %jit3A_339, %eq3A_340 : i32
          %jit3A_342 = arith.constant 1 : i32
          %select_n3A_343 = arith.select %eq3A_341, %jit3A_342, %jit3A_339 : i32
          %rem3A_344 = arith.remsi %scan3A_314, %select_n3A_343 : i32
          %ne3A_345 = arith.constant 0 : i32
          %ne3A_346 = arith.cmpi ne, %rem3A_344, %ne3A_345 : i32
          %lt3A_347 = arith.constant 0 : i32
          %lt3A_348 = arith.cmpi slt, %rem3A_344, %lt3A_347 : i32
          %lt3A_349 = arith.constant 0 : i32
          %lt3A_350 = arith.cmpi slt, %select_n3A_343, %lt3A_349 : i32
          %ne3A_351 = arith.xori %lt3A_348, %lt3A_350 : i1
          %and3A_352 = arith.andi %ne3A_351, %ne3A_346 : i1
          %add3A_353 = arith.addi %rem3A_344, %select_n3A_343 : i32
          %select_n3A_354 = arith.select %and3A_352, %add3A_353, %rem3A_344 : i32
          %mul3A_355 = arith.constant 16 : i32
          %mul3A_356 = arith.muli %select_n3A_354, %mul3A_355 : i32
          %get3A_357 = arith.constant 0 : i32
          %get3A_358 = arith.index_cast %get3A_357 : i32 to index
          %get3A_359 = arith.index_cast %select_n3A_338 : i32 to index
          %get3A_360 = arith.index_cast %mul3A_356 : i32 to index
          %get3A_361 = tpu.vector_load %arg5[%get3A_358, %get3A_359, %get3A_360] {strides = array<i32>} : memref<16x8x256xf32, #tpu.memory_space<vmem>>, vector<1x1x16xf32>,
          %get3A_362 = vector.shape_cast %get3A_361 : vector<1x1x16xf32> to vector<16xf32>
          %get3A_363 = arith.constant 1 : i32
          %get3A_364 = arith.index_cast %get3A_363 : i32 to index
          %get3A_365 = arith.index_cast %select_n3A_338 : i32 to index
          %get3A_366 = arith.index_cast %mul3A_356 : i32 to index
          %get3A_367 = tpu.vector_load %arg5[%get3A_364, %get3A_365, %get3A_366] {strides = array<i32>} : memref<16x8x256xf32, #tpu.memory_space<vmem>>, vector<1x1x16xf32>,
          %get3A_368 = vector.shape_cast %get3A_367 : vector<1x1x16xf32> to vector<16xf32>
          %add3A_369 = arith.addf %get3A_362, %get3A_368 : vector<16xf32>
          %get3A_370 = arith.constant 2 : i32
          %get3A_371 = arith.index_cast %get3A_370 : i32 to index
          %get3A_372 = arith.index_cast %select_n3A_338 : i32 to index
          %get3A_373 = arith.index_cast %mul3A_356 : i32 to index
          %get3A_374 = tpu.vector_load %arg5[%get3A_371, %get3A_372, %get3A_373] {strides = array<i32>} : memref<16x8x256xf32, #tpu.memory_space<vmem>>, vector<1x1x16xf32>,
          %get3A_375 = vector.shape_cast %get3A_374 : vector<1x1x16xf32> to vector<16xf32>
          %add3A_376 = arith.addf %add3A_369, %get3A_375 : vector<16xf32>
          %get3A_377 = arith.constant 3 : i32
          %get3A_378 = arith.index_cast %get3A_377 : i32 to index
          %get3A_379 = arith.index_cast %select_n3A_338 : i32 to index
          %get3A_380 = arith.index_cast %mul3A_356 : i32 to index
          %get3A_381 = tpu.vector_load %arg5[%get3A_378, %get3A_379, %get3A_380] {strides = array<i32>} : memref<16x8x256xf32, #tpu.memory_space<vmem>>, vector<1x1x16xf32>,
          %get3A_382 = vector.shape_cast %get3A_381 : vector<1x1x16xf32> to vector<16xf32>
          %add3A_383 = arith.addf %add3A_376, %get3A_382 : vector<16xf32>
          %get3A_384 = arith.constant 4 : i32
          %get3A_385 = arith.index_cast %get3A_384 : i32 to index
          %get3A_386 = arith.index_cast %select_n3A_338 : i32 to index
          %get3A_387 = arith.index_cast %mul3A_356 : i32 to index
          %get3A_388 = tpu.vector_load %arg5[%get3A_385, %get3A_386, %get3A_387] {strides = array<i32>} : memref<16x8x256xf32, #tpu.memory_space<vmem>>, vector<1x1x16xf32>,
          %get3A_389 = vector.shape_cast %get3A_388 : vector<1x1x16xf32> to vector<16xf32>
          %add3A_390 = arith.addf %add3A_383, %get3A_389 : vector<16xf32>
          %get3A_391 = arith.constant 5 : i32
          %get3A_392 = arith.index_cast %get3A_391 : i32 to index
          %get3A_393 = arith.index_cast %select_n3A_338 : i32 to index
          %get3A_394 = arith.index_cast %mul3A_356 : i32 to index
          %get3A_395 = tpu.vector_load %arg5[%get3A_392, %get3A_393, %get3A_394] {strides = array<i32>} : memref<16x8x256xf32, #tpu.memory_space<vmem>>, vector<1x1x16xf32>,
          %get3A_396 = vector.shape_cast %get3A_395 : vector<1x1x16xf32> to vector<16xf32>
          %add3A_397 = arith.addf %add3A_390, %get3A_396 : vector<16xf32>
          %get3A_398 = arith.constant 6 : i32
          %get3A_399 = arith.index_cast %get3A_398 : i32 to index
          %get3A_400 = arith.index_cast %select_n3A_338 : i32 to index
          %get3A_401 = arith.index_cast %mul3A_356 : i32 to index
          %get3A_402 = tpu.vector_load %arg5[%get3A_399, %get3A_400, %get3A_401] {strides = array<i32>} : memref<16x8x256xf32, #tpu.memory_space<vmem>>, vector<1x1x16xf32>,
          %get3A_403 = vector.shape_cast %get3A_402 : vector<1x1x16xf32> to vector<16xf32>
          %add3A_404 = arith.addf %add3A_397, %get3A_403 : vector<16xf32>
          %get3A_405 = arith.constant 7 : i32
          %get3A_406 = arith.index_cast %get3A_405 : i32 to index
          %get3A_407 = arith.index_cast %select_n3A_338 : i32 to index
          %get3A_408 = arith.index_cast %mul3A_356 : i32 to index
          %get3A_409 = tpu.vector_load %arg5[%get3A_406, %get3A_407, %get3A_408] {strides = array<i32>} : memref<16x8x256xf32, #tpu.memory_space<vmem>>, vector<1x1x16xf32>,
          %get3A_410 = vector.shape_cast %get3A_409 : vector<1x1x16xf32> to vector<16xf32>
          %add3A_411 = arith.addf %add3A_404, %get3A_410 : vector<16xf32>
          %get3A_412 = arith.constant 8 : i32
          %get3A_413 = arith.index_cast %get3A_412 : i32 to index
          %get3A_414 = arith.index_cast %select_n3A_338 : i32 to index
          %get3A_415 = arith.index_cast %mul3A_356 : i32 to index
          %get3A_416 = tpu.vector_load %arg5[%get3A_413, %get3A_414, %get3A_415] {strides = array<i32>} : memref<16x8x256xf32, #tpu.memory_space<vmem>>, vector<1x1x16xf32>,
          %get3A_417 = vector.shape_cast %get3A_416 : vector<1x1x16xf32> to vector<16xf32>
          %add3A_418 = arith.addf %add3A_411, %get3A_417 : vector<16xf32>
          %get3A_419 = arith.constant 9 : i32
          %get3A_420 = arith.index_cast %get3A_419 : i32 to index
          %get3A_421 = arith.index_cast %select_n3A_338 : i32 to index
          %get3A_422 = arith.index_cast %mul3A_356 : i32 to index
          %get3A_423 = tpu.vector_load %arg5[%get3A_420, %get3A_421, %get3A_422] {strides = array<i32>} : memref<16x8x256xf32, #tpu.memory_space<vmem>>, vector<1x1x16xf32>,
          %get3A_424 = vector.shape_cast %get3A_423 : vector<1x1x16xf32> to vector<16xf32>
          %add3A_425 = arith.addf %add3A_418, %get3A_424 : vector<16xf32>
          %get3A_426 = arith.constant 10 : i32
          %get3A_427 = arith.index_cast %get3A_426 : i32 to index
          %get3A_428 = arith.index_cast %select_n3A_338 : i32 to index
          %get3A_429 = arith.index_cast %mul3A_356 : i32 to index
          %get3A_430 = tpu.vector_load %arg5[%get3A_427, %get3A_428, %get3A_429] {strides = array<i32>} : memref<16x8x256xf32, #tpu.memory_space<vmem>>, vector<1x1x16xf32>,
          %get3A_431 = vector.shape_cast %get3A_430 : vector<1x1x16xf32> to vector<16xf32>
          %add3A_432 = arith.addf %add3A_425, %get3A_431 : vector<16xf32>
          %get3A_433 = arith.constant 11 : i32
          %get3A_434 = arith.index_cast %get3A_433 : i32 to index
          %get3A_435 = arith.index_cast %select_n3A_338 : i32 to index
          %get3A_436 = arith.index_cast %mul3A_356 : i32 to index
          %get3A_437 = tpu.vector_load %arg5[%get3A_434, %get3A_435, %get3A_436] {strides = array<i32>} : memref<16x8x256xf32, #tpu.memory_space<vmem>>, vector<1x1x16xf32>,
          %get3A_438 = vector.shape_cast %get3A_437 : vector<1x1x16xf32> to vector<16xf32>
          %add3A_439 = arith.addf %add3A_432, %get3A_438 : vector<16xf32>
          %get3A_440 = arith.constant 12 : i32
          %get3A_441 = arith.index_cast %get3A_440 : i32 to index
          %get3A_442 = arith.index_cast %select_n3A_338 : i32 to index
          %get3A_443 = arith.index_cast %mul3A_356 : i32 to index
          %get3A_444 = tpu.vector_load %arg5[%get3A_441, %get3A_442, %get3A_443] {strides = array<i32>} : memref<16x8x256xf32, #tpu.memory_space<vmem>>, vector<1x1x16xf32>,
          %get3A_445 = vector.shape_cast %get3A_444 : vector<1x1x16xf32> to vector<16xf32>
          %add3A_446 = arith.addf %add3A_439, %get3A_445 : vector<16xf32>
          %get3A_447 = arith.constant 13 : i32
          %get3A_448 = arith.index_cast %get3A_447 : i32 to index
          %get3A_449 = arith.index_cast %select_n3A_338 : i32 to index
          %get3A_450 = arith.index_cast %mul3A_356 : i32 to index
          %get3A_451 = tpu.vector_load %arg5[%get3A_448, %get3A_449, %get3A_450] {strides = array<i32>} : memref<16x8x256xf32, #tpu.memory_space<vmem>>, vector<1x1x16xf32>,
          %get3A_452 = vector.shape_cast %get3A_451 : vector<1x1x16xf32> to vector<16xf32>
          %add3A_453 = arith.addf %add3A_446, %get3A_452 : vector<16xf32>
          %get3A_454 = arith.constant 14 : i32
          %get3A_455 = arith.index_cast %get3A_454 : i32 to index
          %get3A_456 = arith.index_cast %select_n3A_338 : i32 to index
          %get3A_457 = arith.index_cast %mul3A_356 : i32 to index
          %get3A_458 = tpu.vector_load %arg5[%get3A_455, %get3A_456, %get3A_457] {strides = array<i32>} : memref<16x8x256xf32, #tpu.memory_space<vmem>>, vector<1x1x16xf32>,
          %get3A_459 = vector.shape_cast %get3A_458 : vector<1x1x16xf32> to vector<16xf32>
          %add3A_460 = arith.addf %add3A_453, %get3A_459 : vector<16xf32>
          %get3A_461 = arith.constant 15 : i32
          %get3A_462 = arith.index_cast %get3A_461 : i32 to index
          %get3A_463 = arith.index_cast %select_n3A_338 : i32 to index
          %get3A_464 = arith.index_cast %mul3A_356 : i32 to index
          %get3A_465 = tpu.vector_load %arg5[%get3A_462, %get3A_463, %get3A_464] {strides = array<i32>} : memref<16x8x256xf32, #tpu.memory_space<vmem>>, vector<1x1x16xf32>,
          %get3A_466 = vector.shape_cast %get3A_465 : vector<1x1x16xf32> to vector<16xf32>
          %add3A_467 = arith.addf %add3A_460, %get3A_466 : vector<16xf32>
          %swap3A_468 = arith.index_cast %select_n3A_338 : i32 to index
          %swap3A_469 = arith.index_cast %mul3A_356 : i32 to index
          %swap3A_470 = tpu.vector_load %arg7[%swap3A_468, %swap3A_469] {strides = array<i32>} : memref<8x256xf32, #tpu.memory_space<vmem>>, vector<1x16xf32>,
          %swap3A_471 = vector.shape_cast %swap3A_470 : vector<1x16xf32> to vector<16xf32>
          %swap3A_472 = vector.shape_cast %add3A_467 : vector<16xf32> to vector<1x16xf32>
          tpu.vector_store %arg7[%swap3A_468, %swap3A_469], %swap3A_472 {strides = array<i32>} : memref<8x256xf32, #tpu.memory_space<vmem>>, vector<1x16xf32>,
          %scan3A_473 = arith.constant 2 : i32
          %scan3A_474 = arith.addi %scan3A_156, %scan3A_473 : i32
          %jit3A_475 = arith.constant 16 : i32
          %div3A_476 = arith.divsi %scan3A_474, %jit3A_475 : i32
          %sign3A_477 = arith.constant 0 : i32
          %sign3A_478 = arith.cmpi sgt, %scan3A_474, %sign3A_477 : i32
          %sign3A_479 = arith.extui %sign3A_478 : i1 to i32
          %sign3A_480 = arith.constant 0 : i32
          %sign3A_481 = arith.cmpi slt, %scan3A_474, %sign3A_480 : i32
          %sign3A_482 = arith.extui %sign3A_481 : i1 to i32
          %sign3A_483 = arith.subi %sign3A_479, %sign3A_482 : i32
          %sign3A_484 = arith.constant 0 : i32
          %sign3A_485 = arith.cmpi sgt, %jit3A_475, %sign3A_484 : i32
          %sign3A_486 = arith.extui %sign3A_485 : i1 to i32
          %sign3A_487 = arith.constant 0 : i32
          %sign3A_488 = arith.cmpi slt, %jit3A_475, %sign3A_487 : i32
          %sign3A_489 = arith.extui %sign3A_488 : i1 to i32
          %sign3A_490 = arith.subi %sign3A_486, %sign3A_489 : i32
          %ne3A_491 = arith.cmpi ne, %sign3A_483, %sign3A_490 : i32
          %rem3A_492 = arith.remsi %scan3A_474, %jit3A_475 : i32
          %ne3A_493 = arith.constant 0 : i32
          %ne3A_494 = arith.cmpi ne, %rem3A_492, %ne3A_493 : i32
          %and3A_495 = arith.andi %ne3A_491, %ne3A_494 : i1
          %sub3A_496 = arith.constant 1 : i32
          %sub3A_497 = arith.subi %div3A_476, %sub3A_496 : i32
          %select_n3A_498 = arith.select %and3A_495, %sub3A_497, %div3A_476 : i32
          %jit3A_499 = arith.constant 16 : i32
          %eq3A_500 = arith.constant 0 : i32
          %eq3A_501 = arith.cmpi eq, %jit3A_499, %eq3A_500 : i32
          %jit3A_502 = arith.constant 1 : i32
          %select_n3A_503 = arith.select %eq3A_501, %jit3A_502, %jit3A_499 : i32
          %rem3A_504 = arith.remsi %scan3A_474, %select_n3A_503 : i32
          %ne3A_505 = arith.constant 0 : i32
          %ne3A_506 = arith.cmpi ne, %rem3A_504, %ne3A_505 : i32
          %lt3A_507 = arith.constant 0 : i32
          %lt3A_508 = arith.cmpi slt, %rem3A_504, %lt3A_507 : i32
          %lt3A_509 = arith.constant 0 : i32
          %lt3A_510 = arith.cmpi slt, %select_n3A_503, %lt3A_509 : i32
          %ne3A_511 = arith.xori %lt3A_508, %lt3A_510 : i1
          %and3A_512 = arith.andi %ne3A_511, %ne3A_506 : i1
          %add3A_513 = arith.addi %rem3A_504, %select_n3A_503 : i32
          %select_n3A_514 = arith.select %and3A_512, %add3A_513, %rem3A_504 : i32
          %mul3A_515 = arith.constant 16 : i32
          %mul3A_516 = arith.muli %select_n3A_514, %mul3A_515 : i32
          %get3A_517 = arith.constant 0 : i32
          %get3A_518 = arith.index_cast %get3A_517 : i32 to index
          %get3A_519 = arith.index_cast %select_n3A_498 : i32 to index
          %get3A_520 = arith.index_cast %mul3A_516 : i32 to index
          %get3A_521 = tpu.vector_load %arg5[%get3A_518, %get3A_519, %get3A_520] {strides = array<i32>} : memref<16x8x256xf32, #tpu.memory_space<vmem>>, vector<1x1x16xf32>,
          %get3A_522 = vector.shape_cast %get3A_521 : vector<1x1x16xf32> to vector<16xf32>
          %get3A_523 = arith.constant 1 : i32
          %get3A_524 = arith.index_cast %get3A_523 : i32 to index
          %get3A_525 = arith.index_cast %select_n3A_498 : i32 to index
          %get3A_526 = arith.index_cast %mul3A_516 : i32 to index
          %get3A_527 = tpu.vector_load %arg5[%get3A_524, %get3A_525, %get3A_526] {strides = array<i32>} : memref<16x8x256xf32, #tpu.memory_space<vmem>>, vector<1x1x16xf32>,
          %get3A_528 = vector.shape_cast %get3A_527 : vector<1x1x16xf32> to vector<16xf32>
          %add3A_529 = arith.addf %get3A_522, %get3A_528 : vector<16xf32>
          %get3A_530 = arith.constant 2 : i32
          %get3A_531 = arith.index_cast %get3A_530 : i32 to index
          %get3A_532 = arith.index_cast %select_n3A_498 : i32 to index
          %get3A_533 = arith.index_cast %mul3A_516 : i32 to index
          %get3A_534 = tpu.vector_load %arg5[%get3A_531, %get3A_532, %get3A_533] {strides = array<i32>} : memref<16x8x256xf32, #tpu.memory_space<vmem>>, vector<1x1x16xf32>,
          %get3A_535 = vector.shape_cast %get3A_534 : vector<1x1x16xf32> to vector<16xf32>
          %add3A_536 = arith.addf %add3A_529, %get3A_535 : vector<16xf32>
          %get3A_537 = arith.constant 3 : i32
          %get3A_538 = arith.index_cast %get3A_537 : i32 to index
          %get3A_539 = arith.index_cast %select_n3A_498 : i32 to index
          %get3A_540 = arith.index_cast %mul3A_516 : i32 to index
          %get3A_541 = tpu.vector_load %arg5[%get3A_538, %get3A_539, %get3A_540] {strides = array<i32>} : memref<16x8x256xf32, #tpu.memory_space<vmem>>, vector<1x1x16xf32>,
          %get3A_542 = vector.shape_cast %get3A_541 : vector<1x1x16xf32> to vector<16xf32>
          %add3A_543 = arith.addf %add3A_536, %get3A_542 : vector<16xf32>
          %get3A_544 = arith.constant 4 : i32
          %get3A_545 = arith.index_cast %get3A_544 : i32 to index
          %get3A_546 = arith.index_cast %select_n3A_498 : i32 to index
          %get3A_547 = arith.index_cast %mul3A_516 : i32 to index
          %get3A_548 = tpu.vector_load %arg5[%get3A_545, %get3A_546, %get3A_547] {strides = array<i32>} : memref<16x8x256xf32, #tpu.memory_space<vmem>>, vector<1x1x16xf32>,
          %get3A_549 = vector.shape_cast %get3A_548 : vector<1x1x16xf32> to vector<16xf32>
          %add3A_550 = arith.addf %add3A_543, %get3A_549 : vector<16xf32>
          %get3A_551 = arith.constant 5 : i32
          %get3A_552 = arith.index_cast %get3A_551 : i32 to index
          %get3A_553 = arith.index_cast %select_n3A_498 : i32 to index
          %get3A_554 = arith.index_cast %mul3A_516 : i32 to index
          %get3A_555 = tpu.vector_load %arg5[%get3A_552, %get3A_553, %get3A_554] {strides = array<i32>} : memref<16x8x256xf32, #tpu.memory_space<vmem>>, vector<1x1x16xf32>,
          %get3A_556 = vector.shape_cast %get3A_555 : vector<1x1x16xf32> to vector<16xf32>
          %add3A_557 = arith.addf %add3A_550, %get3A_556 : vector<16xf32>
          %get3A_558 = arith.constant 6 : i32
          %get3A_559 = arith.index_cast %get3A_558 : i32 to index
          %get3A_560 = arith.index_cast %select_n3A_498 : i32 to index
          %get3A_561 = arith.index_cast %mul3A_516 : i32 to index
          %get3A_562 = tpu.vector_load %arg5[%get3A_559, %get3A_560, %get3A_561] {strides = array<i32>} : memref<16x8x256xf32, #tpu.memory_space<vmem>>, vector<1x1x16xf32>,
          %get3A_563 = vector.shape_cast %get3A_562 : vector<1x1x16xf32> to vector<16xf32>
          %add3A_564 = arith.addf %add3A_557, %get3A_563 : vector<16xf32>
          %get3A_565 = arith.constant 7 : i32
          %get3A_566 = arith.index_cast %get3A_565 : i32 to index
          %get3A_567 = arith.index_cast %select_n3A_498 : i32 to index
          %get3A_568 = arith.index_cast %mul3A_516 : i32 to index
          %get3A_569 = tpu.vector_load %arg5[%get3A_566, %get3A_567, %get3A_568] {strides = array<i32>} : memref<16x8x256xf32, #tpu.memory_space<vmem>>, vector<1x1x16xf32>,
          %get3A_570 = vector.shape_cast %get3A_569 : vector<1x1x16xf32> to vector<16xf32>
          %add3A_571 = arith.addf %add3A_564, %get3A_570 : vector<16xf32>
          %get3A_572 = arith.constant 8 : i32
          %get3A_573 = arith.index_cast %get3A_572 : i32 to index
          %get3A_574 = arith.index_cast %select_n3A_498 : i32 to index
          %get3A_575 = arith.index_cast %mul3A_516 : i32 to index
          %get3A_576 = tpu.vector_load %arg5[%get3A_573, %get3A_574, %get3A_575] {strides = array<i32>} : memref<16x8x256xf32, #tpu.memory_space<vmem>>, vector<1x1x16xf32>,
          %get3A_577 = vector.shape_cast %get3A_576 : vector<1x1x16xf32> to vector<16xf32>
          %add3A_578 = arith.addf %add3A_571, %get3A_577 : vector<16xf32>
          %get3A_579 = arith.constant 9 : i32
          %get3A_580 = arith.index_cast %get3A_579 : i32 to index
          %get3A_581 = arith.index_cast %select_n3A_498 : i32 to index
          %get3A_582 = arith.index_cast %mul3A_516 : i32 to index
          %get3A_583 = tpu.vector_load %arg5[%get3A_580, %get3A_581, %get3A_582] {strides = array<i32>} : memref<16x8x256xf32, #tpu.memory_space<vmem>>, vector<1x1x16xf32>,
          %get3A_584 = vector.shape_cast %get3A_583 : vector<1x1x16xf32> to vector<16xf32>
          %add3A_585 = arith.addf %add3A_578, %get3A_584 : vector<16xf32>
          %get3A_586 = arith.constant 10 : i32
          %get3A_587 = arith.index_cast %get3A_586 : i32 to index
          %get3A_588 = arith.index_cast %select_n3A_498 : i32 to index
          %get3A_589 = arith.index_cast %mul3A_516 : i32 to index
          %get3A_590 = tpu.vector_load %arg5[%get3A_587, %get3A_588, %get3A_589] {strides = array<i32>} : memref<16x8x256xf32, #tpu.memory_space<vmem>>, vector<1x1x16xf32>,
          %get3A_591 = vector.shape_cast %get3A_590 : vector<1x1x16xf32> to vector<16xf32>
          %add3A_592 = arith.addf %add3A_585, %get3A_591 : vector<16xf32>
          %get3A_593 = arith.constant 11 : i32
          %get3A_594 = arith.index_cast %get3A_593 : i32 to index
          %get3A_595 = arith.index_cast %select_n3A_498 : i32 to index
          %get3A_596 = arith.index_cast %mul3A_516 : i32 to index
          %get3A_597 = tpu.vector_load %arg5[%get3A_594, %get3A_595, %get3A_596] {strides = array<i32>} : memref<16x8x256xf32, #tpu.memory_space<vmem>>, vector<1x1x16xf32>,
          %get3A_598 = vector.shape_cast %get3A_597 : vector<1x1x16xf32> to vector<16xf32>
          %add3A_599 = arith.addf %add3A_592, %get3A_598 : vector<16xf32>
          %get3A_600 = arith.constant 12 : i32
          %get3A_601 = arith.index_cast %get3A_600 : i32 to index
          %get3A_602 = arith.index_cast %select_n3A_498 : i32 to index
          %get3A_603 = arith.index_cast %mul3A_516 : i32 to index
          %get3A_604 = tpu.vector_load %arg5[%get3A_601, %get3A_602, %get3A_603] {strides = array<i32>} : memref<16x8x256xf32, #tpu.memory_space<vmem>>, vector<1x1x16xf32>,
          %get3A_605 = vector.shape_cast %get3A_604 : vector<1x1x16xf32> to vector<16xf32>
          %add3A_606 = arith.addf %add3A_599, %get3A_605 : vector<16xf32>
          %get3A_607 = arith.constant 13 : i32
          %get3A_608 = arith.index_cast %get3A_607 : i32 to index
          %get3A_609 = arith.index_cast %select_n3A_498 : i32 to index
          %get3A_610 = arith.index_cast %mul3A_516 : i32 to index
          %get3A_611 = tpu.vector_load %arg5[%get3A_608, %get3A_609, %get3A_610] {strides = array<i32>} : memref<16x8x256xf32, #tpu.memory_space<vmem>>, vector<1x1x16xf32>,
          %get3A_612 = vector.shape_cast %get3A_611 : vector<1x1x16xf32> to vector<16xf32>
          %add3A_613 = arith.addf %add3A_606, %get3A_612 : vector<16xf32>
          %get3A_614 = arith.constant 14 : i32
          %get3A_615 = arith.index_cast %get3A_614 : i32 to index
          %get3A_616 = arith.index_cast %select_n3A_498 : i32 to index
          %get3A_617 = arith.index_cast %mul3A_516 : i32 to index
          %get3A_618 = tpu.vector_load %arg5[%get3A_615, %get3A_616, %get3A_617] {strides = array<i32>} : memref<16x8x256xf32, #tpu.memory_space<vmem>>, vector<1x1x16xf32>,
          %get3A_619 = vector.shape_cast %get3A_618 : vector<1x1x16xf32> to vector<16xf32>
          %add3A_620 = arith.addf %add3A_613, %get3A_619 : vector<16xf32>
          %get3A_621 = arith.constant 15 : i32
          %get3A_622 = arith.index_cast %get3A_621 : i32 to index
          %get3A_623 = arith.index_cast %select_n3A_498 : i32 to index
          %get3A_624 = arith.index_cast %mul3A_516 : i32 to index
          %get3A_625 = tpu.vector_load %arg5[%get3A_622, %get3A_623, %get3A_624] {strides = array<i32>} : memref<16x8x256xf32, #tpu.memory_space<vmem>>, vector<1x1x16xf32>,
          %get3A_626 = vector.shape_cast %get3A_625 : vector<1x1x16xf32> to vector<16xf32>
          %add3A_627 = arith.addf %add3A_620, %get3A_626 : vector<16xf32>
          %swap3A_628 = arith.index_cast %select_n3A_498 : i32 to index
          %swap3A_629 = arith.index_cast %mul3A_516 : i32 to index
          %swap3A_630 = tpu.vector_load %arg7[%swap3A_628, %swap3A_629] {strides = array<i32>} : memref<8x256xf32, #tpu.memory_space<vmem>>, vector<1x16xf32>,
          %swap3A_631 = vector.shape_cast %swap3A_630 : vector<1x16xf32> to vector<16xf32>
          %swap3A_632 = vector.shape_cast %add3A_627 : vector<16xf32> to vector<1x16xf32>
          tpu.vector_store %arg7[%swap3A_628, %swap3A_629], %swap3A_632 {strides = array<i32>} : memref<8x256xf32, #tpu.memory_space<vmem>>, vector<1x16xf32>,
          %scan3A_633 = arith.constant 3 : i32
          %scan3A_634 = arith.addi %scan3A_156, %scan3A_633 : i32
          %jit3A_635 = arith.constant 16 : i32
          %div3A_636 = arith.divsi %scan3A_634, %jit3A_635 : i32
          %sign3A_637 = arith.constant 0 : i32
          %sign3A_638 = arith.cmpi sgt, %scan3A_634, %sign3A_637 : i32
          %sign3A_639 = arith.extui %sign3A_638 : i1 to i32
          %sign3A_640 = arith.constant 0 : i32
          %sign3A_641 = arith.cmpi slt, %scan3A_634, %sign3A_640 : i32
          %sign3A_642 = arith.extui %sign3A_641 : i1 to i32
          %sign3A_643 = arith.subi %sign3A_639, %sign3A_642 : i32
          %sign3A_644 = arith.constant 0 : i32
          %sign3A_645 = arith.cmpi sgt, %jit3A_635, %sign3A_644 : i32
          %sign3A_646 = arith.extui %sign3A_645 : i1 to i32
          %sign3A_647 = arith.constant 0 : i32
          %sign3A_648 = arith.cmpi slt, %jit3A_635, %sign3A_647 : i32
          %sign3A_649 = arith.extui %sign3A_648 : i1 to i32
          %sign3A_650 = arith.subi %sign3A_646, %sign3A_649 : i32
          %ne3A_651 = arith.cmpi ne, %sign3A_643, %sign3A_650 : i32
          %rem3A_652 = arith.remsi %scan3A_634, %jit3A_635 : i32
          %ne3A_653 = arith.constant 0 : i32
          %ne3A_654 = arith.cmpi ne, %rem3A_652, %ne3A_653 : i32
          %and3A_655 = arith.andi %ne3A_651, %ne3A_654 : i1
          %sub3A_656 = arith.constant 1 : i32
          %sub3A_657 = arith.subi %div3A_636, %sub3A_656 : i32
          %select_n3A_658 = arith.select %and3A_655, %sub3A_657, %div3A_636 : i32
          %jit3A_659 = arith.constant 16 : i32
          %eq3A_660 = arith.constant 0 : i32
          %eq3A_661 = arith.cmpi eq, %jit3A_659, %eq3A_660 : i32
          %jit3A_662 = arith.constant 1 : i32
          %select_n3A_663 = arith.select %eq3A_661, %jit3A_662, %jit3A_659 : i32
          %rem3A_664 = arith.remsi %scan3A_634, %select_n3A_663 : i32
          %ne3A_665 = arith.constant 0 : i32
          %ne3A_666 = arith.cmpi ne, %rem3A_664, %ne3A_665 : i32
          %lt3A_667 = arith.constant 0 : i32
          %lt3A_668 = arith.cmpi slt, %rem3A_664, %lt3A_667 : i32
          %lt3A_669 = arith.constant 0 : i32
          %lt3A_670 = arith.cmpi slt, %select_n3A_663, %lt3A_669 : i32
          %ne3A_671 = arith.xori %lt3A_668, %lt3A_670 : i1
          %and3A_672 = arith.andi %ne3A_671, %ne3A_666 : i1
          %add3A_673 = arith.addi %rem3A_664, %select_n3A_663 : i32
          %select_n3A_674 = arith.select %and3A_672, %add3A_673, %rem3A_664 : i32
          %mul3A_675 = arith.constant 16 : i32
          %mul3A_676 = arith.muli %select_n3A_674, %mul3A_675 : i32
          %get3A_677 = arith.constant 0 : i32
          %get3A_678 = arith.index_cast %get3A_677 : i32 to index
          %get3A_679 = arith.index_cast %select_n3A_658 : i32 to index
          %get3A_680 = arith.index_cast %mul3A_676 : i32 to index
          %get3A_681 = tpu.vector_load %arg5[%get3A_678, %get3A_679, %get3A_680] {strides = array<i32>} : memref<16x8x256xf32, #tpu.memory_space<vmem>>, vector<1x1x16xf32>,
          %get3A_682 = vector.shape_cast %get3A_681 : vector<1x1x16xf32> to vector<16xf32>
          %get3A_683 = arith.constant 1 : i32
          %get3A_684 = arith.index_cast %get3A_683 : i32 to index
          %get3A_685 = arith.index_cast %select_n3A_658 : i32 to index
          %get3A_686 = arith.index_cast %mul3A_676 : i32 to index
          %get3A_687 = tpu.vector_load %arg5[%get3A_684, %get3A_685, %get3A_686] {strides = array<i32>} : memref<16x8x256xf32, #tpu.memory_space<vmem>>, vector<1x1x16xf32>,
          %get3A_688 = vector.shape_cast %get3A_687 : vector<1x1x16xf32> to vector<16xf32>
          %add3A_689 = arith.addf %get3A_682, %get3A_688 : vector<16xf32>
          %get3A_690 = arith.constant 2 : i32
          %get3A_691 = arith.index_cast %get3A_690 : i32 to index
          %get3A_692 = arith.index_cast %select_n3A_658 : i32 to index
          %get3A_693 = arith.index_cast %mul3A_676 : i32 to index
          %get3A_694 = tpu.vector_load %arg5[%get3A_691, %get3A_692, %get3A_693] {strides = array<i32>} : memref<16x8x256xf32, #tpu.memory_space<vmem>>, vector<1x1x16xf32>,
          %get3A_695 = vector.shape_cast %get3A_694 : vector<1x1x16xf32> to vector<16xf32>
          %add3A_696 = arith.addf %add3A_689, %get3A_695 : vector<16xf32>
          %get3A_697 = arith.constant 3 : i32
          %get3A_698 = arith.index_cast %get3A_697 : i32 to index
          %get3A_699 = arith.index_cast %select_n3A_658 : i32 to index
          %get3A_700 = arith.index_cast %mul3A_676 : i32 to index
          %get3A_701 = tpu.vector_load %arg5[%get3A_698, %get3A_699, %get3A_700] {strides = array<i32>} : memref<16x8x256xf32, #tpu.memory_space<vmem>>, vector<1x1x16xf32>,
          %get3A_702 = vector.shape_cast %get3A_701 : vector<1x1x16xf32> to vector<16xf32>
          %add3A_703 = arith.addf %add3A_696, %get3A_702 : vector<16xf32>
          %get3A_704 = arith.constant 4 : i32
          %get3A_705 = arith.index_cast %get3A_704 : i32 to index
          %get3A_706 = arith.index_cast %select_n3A_658 : i32 to index
          %get3A_707 = arith.index_cast %mul3A_676 : i32 to index
          %get3A_708 = tpu.vector_load %arg5[%get3A_705, %get3A_706, %get3A_707] {strides = array<i32>} : memref<16x8x256xf32, #tpu.memory_space<vmem>>, vector<1x1x16xf32>,
          %get3A_709 = vector.shape_cast %get3A_708 : vector<1x1x16xf32> to vector<16xf32>
          %add3A_710 = arith.addf %add3A_703, %get3A_709 : vector<16xf32>
          %get3A_711 = arith.constant 5 : i32
          %get3A_712 = arith.index_cast %get3A_711 : i32 to index
          %get3A_713 = arith.index_cast %select_n3A_658 : i32 to index
          %get3A_714 = arith.index_cast %mul3A_676 : i32 to index
          %get3A_715 = tpu.vector_load %arg5[%get3A_712, %get3A_713, %get3A_714] {strides = array<i32>} : memref<16x8x256xf32, #tpu.memory_space<vmem>>, vector<1x1x16xf32>,
          %get3A_716 = vector.shape_cast %get3A_715 : vector<1x1x16xf32> to vector<16xf32>
          %add3A_717 = arith.addf %add3A_710, %get3A_716 : vector<16xf32>
          %get3A_718 = arith.constant 6 : i32
          %get3A_719 = arith.index_cast %get3A_718 : i32 to index
          %get3A_720 = arith.index_cast %select_n3A_658 : i32 to index
          %get3A_721 = arith.index_cast %mul3A_676 : i32 to index
          %get3A_722 = tpu.vector_load %arg5[%get3A_719, %get3A_720, %get3A_721] {strides = array<i32>} : memref<16x8x256xf32, #tpu.memory_space<vmem>>, vector<1x1x16xf32>,
          %get3A_723 = vector.shape_cast %get3A_722 : vector<1x1x16xf32> to vector<16xf32>
          %add3A_724 = arith.addf %add3A_717, %get3A_723 : vector<16xf32>
          %get3A_725 = arith.constant 7 : i32
          %get3A_726 = arith.index_cast %get3A_725 : i32 to index
          %get3A_727 = arith.index_cast %select_n3A_658 : i32 to index
          %get3A_728 = arith.index_cast %mul3A_676 : i32 to index
          %get3A_729 = tpu.vector_load %arg5[%get3A_726, %get3A_727, %get3A_728] {strides = array<i32>} : memref<16x8x256xf32, #tpu.memory_space<vmem>>, vector<1x1x16xf32>,
          %get3A_730 = vector.shape_cast %get3A_729 : vector<1x1x16xf32> to vector<16xf32>
          %add3A_731 = arith.addf %add3A_724, %get3A_730 : vector<16xf32>
          %get3A_732 = arith.constant 8 : i32
          %get3A_733 = arith.index_cast %get3A_732 : i32 to index
          %get3A_734 = arith.index_cast %select_n3A_658 : i32 to index
          %get3A_735 = arith.index_cast %mul3A_676 : i32 to index
          %get3A_736 = tpu.vector_load %arg5[%get3A_733, %get3A_734, %get3A_735] {strides = array<i32>} : memref<16x8x256xf32, #tpu.memory_space<vmem>>, vector<1x1x16xf32>,
          %get3A_737 = vector.shape_cast %get3A_736 : vector<1x1x16xf32> to vector<16xf32>
          %add3A_738 = arith.addf %add3A_731, %get3A_737 : vector<16xf32>
          %get3A_739 = arith.constant 9 : i32
          %get3A_740 = arith.index_cast %get3A_739 : i32 to index
          %get3A_741 = arith.index_cast %select_n3A_658 : i32 to index
          %get3A_742 = arith.index_cast %mul3A_676 : i32 to index
          %get3A_743 = tpu.vector_load %arg5[%get3A_740, %get3A_741, %get3A_742] {strides = array<i32>} : memref<16x8x256xf32, #tpu.memory_space<vmem>>, vector<1x1x16xf32>,
          %get3A_744 = vector.shape_cast %get3A_743 : vector<1x1x16xf32> to vector<16xf32>
          %add3A_745 = arith.addf %add3A_738, %get3A_744 : vector<16xf32>
          %get3A_746 = arith.constant 10 : i32
          %get3A_747 = arith.index_cast %get3A_746 : i32 to index
          %get3A_748 = arith.index_cast %select_n3A_658 : i32 to index
          %get3A_749 = arith.index_cast %mul3A_676 : i32 to index
          %get3A_750 = tpu.vector_load %arg5[%get3A_747, %get3A_748, %get3A_749] {strides = array<i32>} : memref<16x8x256xf32, #tpu.memory_space<vmem>>, vector<1x1x16xf32>,
          %get3A_751 = vector.shape_cast %get3A_750 : vector<1x1x16xf32> to vector<16xf32>
          %add3A_752 = arith.addf %add3A_745, %get3A_751 : vector<16xf32>
          %get3A_753 = arith.constant 11 : i32
          %get3A_754 = arith.index_cast %get3A_753 : i32 to index
          %get3A_755 = arith.index_cast %select_n3A_658 : i32 to index
          %get3A_756 = arith.index_cast %mul3A_676 : i32 to index
          %get3A_757 = tpu.vector_load %arg5[%get3A_754, %get3A_755, %get3A_756] {strides = array<i32>} : memref<16x8x256xf32, #tpu.memory_space<vmem>>, vector<1x1x16xf32>,
          %get3A_758 = vector.shape_cast %get3A_757 : vector<1x1x16xf32> to vector<16xf32>
          %add3A_759 = arith.addf %add3A_752, %get3A_758 : vector<16xf32>
          %get3A_760 = arith.constant 12 : i32
          %get3A_761 = arith.index_cast %get3A_760 : i32 to index
          %get3A_762 = arith.index_cast %select_n3A_658 : i32 to index
          %get3A_763 = arith.index_cast %mul3A_676 : i32 to index
          %get3A_764 = tpu.vector_load %arg5[%get3A_761, %get3A_762, %get3A_763] {strides = array<i32>} : memref<16x8x256xf32, #tpu.memory_space<vmem>>, vector<1x1x16xf32>,
          %get3A_765 = vector.shape_cast %get3A_764 : vector<1x1x16xf32> to vector<16xf32>
          %add3A_766 = arith.addf %add3A_759, %get3A_765 : vector<16xf32>
          %get3A_767 = arith.constant 13 : i32
          %get3A_768 = arith.index_cast %get3A_767 : i32 to index
          %get3A_769 = arith.index_cast %select_n3A_658 : i32 to index
          %get3A_770 = arith.index_cast %mul3A_676 : i32 to index
          %get3A_771 = tpu.vector_load %arg5[%get3A_768, %get3A_769, %get3A_770] {strides = array<i32>} : memref<16x8x256xf32, #tpu.memory_space<vmem>>, vector<1x1x16xf32>,
          %get3A_772 = vector.shape_cast %get3A_771 : vector<1x1x16xf32> to vector<16xf32>
          %add3A_773 = arith.addf %add3A_766, %get3A_772 : vector<16xf32>
          %get3A_774 = arith.constant 14 : i32
          %get3A_775 = arith.index_cast %get3A_774 : i32 to index
          %get3A_776 = arith.index_cast %select_n3A_658 : i32 to index
          %get3A_777 = arith.index_cast %mul3A_676 : i32 to index
          %get3A_778 = tpu.vector_load %arg5[%get3A_775, %get3A_776, %get3A_777] {strides = array<i32>} : memref<16x8x256xf32, #tpu.memory_space<vmem>>, vector<1x1x16xf32>,
          %get3A_779 = vector.shape_cast %get3A_778 : vector<1x1x16xf32> to vector<16xf32>
          %add3A_780 = arith.addf %add3A_773, %get3A_779 : vector<16xf32>
          %get3A_781 = arith.constant 15 : i32
          %get3A_782 = arith.index_cast %get3A_781 : i32 to index
          %get3A_783 = arith.index_cast %select_n3A_658 : i32 to index
          %get3A_784 = arith.index_cast %mul3A_676 : i32 to index
          %get3A_785 = tpu.vector_load %arg5[%get3A_782, %get3A_783, %get3A_784] {strides = array<i32>} : memref<16x8x256xf32, #tpu.memory_space<vmem>>, vector<1x1x16xf32>,
          %get3A_786 = vector.shape_cast %get3A_785 : vector<1x1x16xf32> to vector<16xf32>
          %add3A_787 = arith.addf %add3A_780, %get3A_786 : vector<16xf32>
          %swap3A_788 = arith.index_cast %select_n3A_658 : i32 to index
          %swap3A_789 = arith.index_cast %mul3A_676 : i32 to index
          %swap3A_790 = tpu.vector_load %arg7[%swap3A_788, %swap3A_789] {strides = array<i32>} : memref<8x256xf32, #tpu.memory_space<vmem>>, vector<1x16xf32>,
          %swap3A_791 = vector.shape_cast %swap3A_790 : vector<1x16xf32> to vector<16xf32>
          %swap3A_792 = vector.shape_cast %add3A_787 : vector<16xf32> to vector<1x16xf32>
          tpu.vector_store %arg7[%swap3A_788, %swap3A_789], %swap3A_792 {strides = array<i32>} : memref<8x256xf32, #tpu.memory_space<vmem>>, vector<1x16xf32>,
        }
        %scan3A_142 = arith.constant 128 : i32
        %add3A_143 = arith.constant 2 : i32
        %add3A_144 = arith.addi %while3A_87, %add3A_143 : i32
        %lt3A_145 = arith.cmpi slt, %add3A_144, %sub3A_47 : i32
        %convert_element_type3A_146 = arith.extui %lt3A_145 : i1 to i32
        %cond3A_147 = arith.constant 0 : i32
        %cond3A_148 = arith.cmpi ne, %convert_element_type3A_146, %cond3A_147 : i32
        scf.if %cond3A_148 {
          %add3A_156 = arith.constant 2 : i32
          %add3A_157 = arith.addi %while3A_87, %add3A_156 : i32
          %add3A_158 = arith.addi %select_n3A, %add3A_157 : i32
          %mul3A_159 = arith.constant 8 : i32
          %mul3A_160 = arith.muli %add3A_158, %mul3A_159 : i32
          %dma_start3A_161 = arith.constant 0 : i32
          %dma_start3A_162 = arith.constant 0 : i32
          %dma_start3A_163 = tpu.memref_slice %arg2[%dma_start3A_161, %mul3A_160, %dma_start3A_162] : memref<16x10000x256xf32, #tpu.memory_space<hbm>> -> memref<16x8x256xf32, #tpu.memory_space<hbm>>
          %dma_start3A_164 = arith.constant 0 : i32
          %dma_start3A_165 = arith.constant 0 : i32
          %dma_start3A_166 = tpu.memref_slice %arg2[%dma_start3A_164, %mul3A_160, %dma_start3A_165] : memref<16x10000x256xf32, #tpu.memory_space<hbm>> -> memref<16x8x256xf32, #tpu.memory_space<hbm>>
          tpu.enqueue_dma source(%dma_start3A_166 : memref<16x8x256xf32, #tpu.memory_space<hbm>>) target(%arg5 : memref<16x8x256xf32, #tpu.memory_space<vmem>>) target_semaphore(%arg9 : memref<!tpu.dma_semaphore, #tpu.memory_space<semaphore_mem>>)
        } else {
        }
        %add3A_149 = arith.addi %select_n3A, %while3A_87 : i32
        %mul3A_150 = arith.constant 8 : i32
        %mul3A_151 = arith.muli %add3A_149, %mul3A_150 : i32
        %dma_start3A_152 = arith.constant 0 : i32
        %dma_start3A_153 = tpu.memref_slice %arg3[%mul3A_151, %dma_start3A_152] : memref<2400x256xf32, #tpu.memory_space<hbm>> -> memref<8x256xf32, #tpu.memory_space<hbm>>
        %dma_start3A_154 = arith.constant 0 : i32
        %dma_start3A_155 = tpu.memref_slice %arg3[%mul3A_151, %dma_start3A_154] : memref<2400x256xf32, #tpu.memory_space<hbm>> -> memref<8x256xf32, #tpu.memory_space<hbm>>
        tpu.enqueue_dma source(%arg7 : memref<8x256xf32, #tpu.memory_space<vmem>>) target(%dma_start3A_155 : memref<8x256xf32, #tpu.memory_space<hbm>>) target_semaphore(%arg11 : memref<!tpu.dma_semaphore, #tpu.memory_space<semaphore_mem>>)
      } else {
      }
    }
    %while3A_75 = arith.constant 1 : i32
    scf.for %while3A_87 = %while3A_73 to %while3A_69 step %while3A_75  : i32 {
      %jit3A_88 = arith.constant 2 : i32
      %eq3A = arith.constant 0 : i32
      %eq3A_89 = arith.cmpi eq, %jit3A_88, %eq3A : i32
      %jit3A_90 = arith.constant 1 : i32
      %select_n3A_91 = arith.select %eq3A_89, %jit3A_90, %jit3A_88 : i32
      %rem3A_92 = arith.remsi %while3A_87, %select_n3A_91 : i32
      %ne3A_93 = arith.constant 0 : i32
      %ne3A_94 = arith.cmpi ne, %rem3A_92, %ne3A_93 : i32
      %lt3A = arith.constant 0 : i32
      %lt3A_95 = arith.cmpi slt, %rem3A_92, %lt3A : i32
      %lt3A_96 = arith.constant 0 : i32
      %lt3A_97 = arith.cmpi slt, %select_n3A_91, %lt3A_96 : i32
      %ne3A_98 = arith.xori %lt3A_95, %lt3A_97 : i1
      %and3A_99 = arith.andi %ne3A_98, %ne3A_94 : i1
      %add3A_100 = arith.addi %rem3A_92, %select_n3A_91 : i32
      %select_n3A_101 = arith.select %and3A_99, %add3A_100, %rem3A_92 : i32
      %eq3A_102 = arith.constant 0 : i32
      %eq3A_103 = arith.cmpi eq, %select_n3A_101, %eq3A_102 : i32
      %convert_element_type3A = arith.extui %eq3A_103 : i1 to i32
      %cond3A = arith.constant 0 : i32
      %cond3A_104 = arith.cmpi ne, %convert_element_type3A, %cond3A : i32
      scf.if %cond3A_104 {
        %dma_wait3A_126 = arith.constant 0 : i32
        %dma_wait3A_127 = arith.constant 0 : i32
        %dma_wait3A_128 = arith.constant 0 : i32
        %dma_wait3A_129 = tpu.memref_slice %arg2[%dma_wait3A_126, %dma_wait3A_127, %dma_wait3A_128] : memref<16x10000x256xf32, #tpu.memory_space<hbm>> -> memref<16x8x256xf32, #tpu.memory_space<hbm>>
        %dma_wait3A_130 = arith.constant 0 : i32
        %dma_wait3A_131 = arith.constant 0 : i32
        %dma_wait3A_132 = arith.constant 0 : i32
        %dma_wait3A_133 = tpu.memref_slice %arg2[%dma_wait3A_130, %dma_wait3A_131, %dma_wait3A_132] : memref<16x10000x256xf32, #tpu.memory_space<hbm>> -> memref<16x8x256xf32, #tpu.memory_space<hbm>>
        tpu.wait_dma2 semaphore(%arg8 : memref<!tpu.dma_semaphore, #tpu.memory_space<semaphore_mem>>) src(%dma_wait3A_133 : memref<16x8x256xf32, #tpu.memory_space<hbm>>) dst(%arg4 : memref<16x8x256xf32, #tpu.memory_space<vmem>>)
        %ge3A = arith.constant 2 : i32
        %ge3A_134 = arith.cmpi sge, %while3A_87, %ge3A : i32
        %convert_element_type3A_135 = arith.extui %ge3A_134 : i1 to i32
        %cond3A_136 = arith.constant 0 : i32
        %cond3A_137 = arith.cmpi ne, %convert_element_type3A_135, %cond3A_136 : i32
        scf.if %cond3A_137 {
          %dma_wait3A_156 = arith.constant 0 : i32
          %dma_wait3A_157 = arith.constant 0 : i32
          %dma_wait3A_158 = tpu.memref_slice %arg3[%dma_wait3A_156, %dma_wait3A_157] : memref<2400x256xf32, #tpu.memory_space<hbm>> -> memref<8x256xf32, #tpu.memory_space<hbm>>
          %dma_wait3A_159 = arith.constant 0 : i32
          %dma_wait3A_160 = arith.constant 0 : i32
          %dma_wait3A_161 = tpu.memref_slice %arg3[%dma_wait3A_159, %dma_wait3A_160] : memref<2400x256xf32, #tpu.memory_space<hbm>> -> memref<8x256xf32, #tpu.memory_space<hbm>>
          tpu.wait_dma2 semaphore(%arg10 : memref<!tpu.dma_semaphore, #tpu.memory_space<semaphore_mem>>) src(%arg6 : memref<8x256xf32, #tpu.memory_space<vmem>>) dst(%dma_wait3A_161 : memref<8x256xf32, #tpu.memory_space<hbm>>)
        } else {
        }
        %scan3A = arith.constant 0 : i32
        %scan3A_138 = arith.constant 0 : i32
        %scan3A_139 = arith.constant 128 : i32
        %scan3A_140 = arith.addi %scan3A_138, %scan3A_139 : i32
        %scan3A_141 = arith.constant 4 : i32
        scf.for %scan3A_156 = %scan3A_138 to %scan3A_140 step %scan3A_141  : i32 {
          %jit3A_157 = arith.constant 16 : i32
          %div3A_158 = arith.divsi %scan3A_156, %jit3A_157 : i32
          %sign3A_159 = arith.constant 0 : i32
          %sign3A_160 = arith.cmpi sgt, %scan3A_156, %sign3A_159 : i32
          %sign3A_161 = arith.extui %sign3A_160 : i1 to i32
          %sign3A_162 = arith.constant 0 : i32
          %sign3A_163 = arith.cmpi slt, %scan3A_156, %sign3A_162 : i32
          %sign3A_164 = arith.extui %sign3A_163 : i1 to i32
          %sign3A_165 = arith.subi %sign3A_161, %sign3A_164 : i32
          %sign3A_166 = arith.constant 0 : i32
          %sign3A_167 = arith.cmpi sgt, %jit3A_157, %sign3A_166 : i32
          %sign3A_168 = arith.extui %sign3A_167 : i1 to i32
          %sign3A_169 = arith.constant 0 : i32
          %sign3A_170 = arith.cmpi slt, %jit3A_157, %sign3A_169 : i32
          %sign3A_171 = arith.extui %sign3A_170 : i1 to i32
          %sign3A_172 = arith.subi %sign3A_168, %sign3A_171 : i32
          %ne3A_173 = arith.cmpi ne, %sign3A_165, %sign3A_172 : i32
          %rem3A_174 = arith.remsi %scan3A_156, %jit3A_157 : i32
          %ne3A_175 = arith.constant 0 : i32
          %ne3A_176 = arith.cmpi ne, %rem3A_174, %ne3A_175 : i32
          %and3A_177 = arith.andi %ne3A_173, %ne3A_176 : i1
          %sub3A_178 = arith.constant 1 : i32
          %sub3A_179 = arith.subi %div3A_158, %sub3A_178 : i32
          %select_n3A_180 = arith.select %and3A_177, %sub3A_179, %div3A_158 : i32
          %jit3A_181 = arith.constant 16 : i32
          %eq3A_182 = arith.constant 0 : i32
          %eq3A_183 = arith.cmpi eq, %jit3A_181, %eq3A_182 : i32
          %jit3A_184 = arith.constant 1 : i32
          %select_n3A_185 = arith.select %eq3A_183, %jit3A_184, %jit3A_181 : i32
          %rem3A_186 = arith.remsi %scan3A_156, %select_n3A_185 : i32
          %ne3A_187 = arith.constant 0 : i32
          %ne3A_188 = arith.cmpi ne, %rem3A_186, %ne3A_187 : i32
          %lt3A_189 = arith.constant 0 : i32
          %lt3A_190 = arith.cmpi slt, %rem3A_186, %lt3A_189 : i32
          %lt3A_191 = arith.constant 0 : i32
          %lt3A_192 = arith.cmpi slt, %select_n3A_185, %lt3A_191 : i32
          %ne3A_193 = arith.xori %lt3A_190, %lt3A_192 : i1
          %and3A_194 = arith.andi %ne3A_193, %ne3A_188 : i1
          %add3A_195 = arith.addi %rem3A_186, %select_n3A_185 : i32
          %select_n3A_196 = arith.select %and3A_194, %add3A_195, %rem3A_186 : i32
          %mul3A_197 = arith.constant 16 : i32
          %mul3A_198 = arith.muli %select_n3A_196, %mul3A_197 : i32
          %get3A = arith.constant 0 : i32
          %get3A_199 = arith.index_cast %get3A : i32 to index
          %get3A_200 = arith.index_cast %select_n3A_180 : i32 to index
          %get3A_201 = arith.index_cast %mul3A_198 : i32 to index
          %get3A_202 = tpu.vector_load %arg4[%get3A_199, %get3A_200, %get3A_201] {strides = array<i32>} : memref<16x8x256xf32, #tpu.memory_space<vmem>>, vector<1x1x16xf32>,
          %get3A_203 = vector.shape_cast %get3A_202 : vector<1x1x16xf32> to vector<16xf32>
          %get3A_204 = arith.constant 1 : i32
          %get3A_205 = arith.index_cast %get3A_204 : i32 to index
          %get3A_206 = arith.index_cast %select_n3A_180 : i32 to index
          %get3A_207 = arith.index_cast %mul3A_198 : i32 to index
          %get3A_208 = tpu.vector_load %arg4[%get3A_205, %get3A_206, %get3A_207] {strides = array<i32>} : memref<16x8x256xf32, #tpu.memory_space<vmem>>, vector<1x1x16xf32>,
          %get3A_209 = vector.shape_cast %get3A_208 : vector<1x1x16xf32> to vector<16xf32>
          %add3A_210 = arith.addf %get3A_203, %get3A_209 : vector<16xf32>
          %get3A_211 = arith.constant 2 : i32
          %get3A_212 = arith.index_cast %get3A_211 : i32 to index
          %get3A_213 = arith.index_cast %select_n3A_180 : i32 to index
          %get3A_214 = arith.index_cast %mul3A_198 : i32 to index
          %get3A_215 = tpu.vector_load %arg4[%get3A_212, %get3A_213, %get3A_214] {strides = array<i32>} : memref<16x8x256xf32, #tpu.memory_space<vmem>>, vector<1x1x16xf32>,
          %get3A_216 = vector.shape_cast %get3A_215 : vector<1x1x16xf32> to vector<16xf32>
          %add3A_217 = arith.addf %add3A_210, %get3A_216 : vector<16xf32>
          %get3A_218 = arith.constant 3 : i32
          %get3A_219 = arith.index_cast %get3A_218 : i32 to index
          %get3A_220 = arith.index_cast %select_n3A_180 : i32 to index
          %get3A_221 = arith.index_cast %mul3A_198 : i32 to index
          %get3A_222 = tpu.vector_load %arg4[%get3A_219, %get3A_220, %get3A_221] {strides = array<i32>} : memref<16x8x256xf32, #tpu.memory_space<vmem>>, vector<1x1x16xf32>,
          %get3A_223 = vector.shape_cast %get3A_222 : vector<1x1x16xf32> to vector<16xf32>
          %add3A_224 = arith.addf %add3A_217, %get3A_223 : vector<16xf32>
          %get3A_225 = arith.constant 4 : i32
          %get3A_226 = arith.index_cast %get3A_225 : i32 to index
          %get3A_227 = arith.index_cast %select_n3A_180 : i32 to index
          %get3A_228 = arith.index_cast %mul3A_198 : i32 to index
          %get3A_229 = tpu.vector_load %arg4[%get3A_226, %get3A_227, %get3A_228] {strides = array<i32>} : memref<16x8x256xf32, #tpu.memory_space<vmem>>, vector<1x1x16xf32>,
          %get3A_230 = vector.shape_cast %get3A_229 : vector<1x1x16xf32> to vector<16xf32>
          %add3A_231 = arith.addf %add3A_224, %get3A_230 : vector<16xf32>
          %get3A_232 = arith.constant 5 : i32
          %get3A_233 = arith.index_cast %get3A_232 : i32 to index
          %get3A_234 = arith.index_cast %select_n3A_180 : i32 to index
          %get3A_235 = arith.index_cast %mul3A_198 : i32 to index
          %get3A_236 = tpu.vector_load %arg4[%get3A_233, %get3A_234, %get3A_235] {strides = array<i32>} : memref<16x8x256xf32, #tpu.memory_space<vmem>>, vector<1x1x16xf32>,
          %get3A_237 = vector.shape_cast %get3A_236 : vector<1x1x16xf32> to vector<16xf32>
          %add3A_238 = arith.addf %add3A_231, %get3A_237 : vector<16xf32>
          %get3A_239 = arith.constant 6 : i32
          %get3A_240 = arith.index_cast %get3A_239 : i32 to index
          %get3A_241 = arith.index_cast %select_n3A_180 : i32 to index
          %get3A_242 = arith.index_cast %mul3A_198 : i32 to index
          %get3A_243 = tpu.vector_load %arg4[%get3A_240, %get3A_241, %get3A_242] {strides = array<i32>} : memref<16x8x256xf32, #tpu.memory_space<vmem>>, vector<1x1x16xf32>,
          %get3A_244 = vector.shape_cast %get3A_243 : vector<1x1x16xf32> to vector<16xf32>
          %add3A_245 = arith.addf %add3A_238, %get3A_244 : vector<16xf32>
          %get3A_246 = arith.constant 7 : i32
          %get3A_247 = arith.index_cast %get3A_246 : i32 to index
          %get3A_248 = arith.index_cast %select_n3A_180 : i32 to index
          %get3A_249 = arith.index_cast %mul3A_198 : i32 to index
          %get3A_250 = tpu.vector_load %arg4[%get3A_247, %get3A_248, %get3A_249] {strides = array<i32>} : memref<16x8x256xf32, #tpu.memory_space<vmem>>, vector<1x1x16xf32>,
          %get3A_251 = vector.shape_cast %get3A_250 : vector<1x1x16xf32> to vector<16xf32>
          %add3A_252 = arith.addf %add3A_245, %get3A_251 : vector<16xf32>
          %get3A_253 = arith.constant 8 : i32
          %get3A_254 = arith.index_cast %get3A_253 : i32 to index
          %get3A_255 = arith.index_cast %select_n3A_180 : i32 to index
          %get3A_256 = arith.index_cast %mul3A_198 : i32 to index
          %get3A_257 = tpu.vector_load %arg4[%get3A_254, %get3A_255, %get3A_256] {strides = array<i32>} : memref<16x8x256xf32, #tpu.memory_space<vmem>>, vector<1x1x16xf32>,
          %get3A_258 = vector.shape_cast %get3A_257 : vector<1x1x16xf32> to vector<16xf32>
          %add3A_259 = arith.addf %add3A_252, %get3A_258 : vector<16xf32>
          %get3A_260 = arith.constant 9 : i32
          %get3A_261 = arith.index_cast %get3A_260 : i32 to index
          %get3A_262 = arith.index_cast %select_n3A_180 : i32 to index
          %get3A_263 = arith.index_cast %mul3A_198 : i32 to index
          %get3A_264 = tpu.vector_load %arg4[%get3A_261, %get3A_262, %get3A_263] {strides = array<i32>} : memref<16x8x256xf32, #tpu.memory_space<vmem>>, vector<1x1x16xf32>,
          %get3A_265 = vector.shape_cast %get3A_264 : vector<1x1x16xf32> to vector<16xf32>
          %add3A_266 = arith.addf %add3A_259, %get3A_265 : vector<16xf32>
          %get3A_267 = arith.constant 10 : i32
          %get3A_268 = arith.index_cast %get3A_267 : i32 to index
          %get3A_269 = arith.index_cast %select_n3A_180 : i32 to index
          %get3A_270 = arith.index_cast %mul3A_198 : i32 to index
          %get3A_271 = tpu.vector_load %arg4[%get3A_268, %get3A_269, %get3A_270] {strides = array<i32>} : memref<16x8x256xf32, #tpu.memory_space<vmem>>, vector<1x1x16xf32>,
          %get3A_272 = vector.shape_cast %get3A_271 : vector<1x1x16xf32> to vector<16xf32>
          %add3A_273 = arith.addf %add3A_266, %get3A_272 : vector<16xf32>
          %get3A_274 = arith.constant 11 : i32
          %get3A_275 = arith.index_cast %get3A_274 : i32 to index
          %get3A_276 = arith.index_cast %select_n3A_180 : i32 to index
          %get3A_277 = arith.index_cast %mul3A_198 : i32 to index
          %get3A_278 = tpu.vector_load %arg4[%get3A_275, %get3A_276, %get3A_277] {strides = array<i32>} : memref<16x8x256xf32, #tpu.memory_space<vmem>>, vector<1x1x16xf32>,
          %get3A_279 = vector.shape_cast %get3A_278 : vector<1x1x16xf32> to vector<16xf32>
          %add3A_280 = arith.addf %add3A_273, %get3A_279 : vector<16xf32>
          %get3A_281 = arith.constant 12 : i32
          %get3A_282 = arith.index_cast %get3A_281 : i32 to index
          %get3A_283 = arith.index_cast %select_n3A_180 : i32 to index
          %get3A_284 = arith.index_cast %mul3A_198 : i32 to index
          %get3A_285 = tpu.vector_load %arg4[%get3A_282, %get3A_283, %get3A_284] {strides = array<i32>} : memref<16x8x256xf32, #tpu.memory_space<vmem>>, vector<1x1x16xf32>,
          %get3A_286 = vector.shape_cast %get3A_285 : vector<1x1x16xf32> to vector<16xf32>
          %add3A_287 = arith.addf %add3A_280, %get3A_286 : vector<16xf32>
          %get3A_288 = arith.constant 13 : i32
          %get3A_289 = arith.index_cast %get3A_288 : i32 to index
          %get3A_290 = arith.index_cast %select_n3A_180 : i32 to index
          %get3A_291 = arith.index_cast %mul3A_198 : i32 to index
          %get3A_292 = tpu.vector_load %arg4[%get3A_289, %get3A_290, %get3A_291] {strides = array<i32>} : memref<16x8x256xf32, #tpu.memory_space<vmem>>, vector<1x1x16xf32>,
          %get3A_293 = vector.shape_cast %get3A_292 : vector<1x1x16xf32> to vector<16xf32>
          %add3A_294 = arith.addf %add3A_287, %get3A_293 : vector<16xf32>
          %get3A_295 = arith.constant 14 : i32
          %get3A_296 = arith.index_cast %get3A_295 : i32 to index
          %get3A_297 = arith.index_cast %select_n3A_180 : i32 to index
          %get3A_298 = arith.index_cast %mul3A_198 : i32 to index
          %get3A_299 = tpu.vector_load %arg4[%get3A_296, %get3A_297, %get3A_298] {strides = array<i32>} : memref<16x8x256xf32, #tpu.memory_space<vmem>>, vector<1x1x16xf32>,
          %get3A_300 = vector.shape_cast %get3A_299 : vector<1x1x16xf32> to vector<16xf32>
          %add3A_301 = arith.addf %add3A_294, %get3A_300 : vector<16xf32>
          %get3A_302 = arith.constant 15 : i32
          %get3A_303 = arith.index_cast %get3A_302 : i32 to index
          %get3A_304 = arith.index_cast %select_n3A_180 : i32 to index
          %get3A_305 = arith.index_cast %mul3A_198 : i32 to index
          %get3A_306 = tpu.vector_load %arg4[%get3A_303, %get3A_304, %get3A_305] {strides = array<i32>} : memref<16x8x256xf32, #tpu.memory_space<vmem>>, vector<1x1x16xf32>,
          %get3A_307 = vector.shape_cast %get3A_306 : vector<1x1x16xf32> to vector<16xf32>
          %add3A_308 = arith.addf %add3A_301, %get3A_307 : vector<16xf32>
          %swap3A = arith.index_cast %select_n3A_180 : i32 to index
          %swap3A_309 = arith.index_cast %mul3A_198 : i32 to index
          %swap3A_310 = tpu.vector_load %arg6[%swap3A, %swap3A_309] {strides = array<i32>} : memref<8x256xf32, #tpu.memory_space<vmem>>, vector<1x16xf32>,
          %swap3A_311 = vector.shape_cast %swap3A_310 : vector<1x16xf32> to vector<16xf32>
          %swap3A_312 = vector.shape_cast %add3A_308 : vector<16xf32> to vector<1x16xf32>
          tpu.vector_store %arg6[%swap3A, %swap3A_309], %swap3A_312 {strides = array<i32>} : memref<8x256xf32, #tpu.memory_space<vmem>>, vector<1x16xf32>,
          %scan3A_313 = arith.constant 1 : i32
          %scan3A_314 = arith.addi %scan3A_156, %scan3A_313 : i32
          %jit3A_315 = arith.constant 16 : i32
          %div3A_316 = arith.divsi %scan3A_314, %jit3A_315 : i32
          %sign3A_317 = arith.constant 0 : i32
          %sign3A_318 = arith.cmpi sgt, %scan3A_314, %sign3A_317 : i32
          %sign3A_319 = arith.extui %sign3A_318 : i1 to i32
          %sign3A_320 = arith.constant 0 : i32
          %sign3A_321 = arith.cmpi slt, %scan3A_314, %sign3A_320 : i32
          %sign3A_322 = arith.extui %sign3A_321 : i1 to i32
          %sign3A_323 = arith.subi %sign3A_319, %sign3A_322 : i32
          %sign3A_324 = arith.constant 0 : i32
          %sign3A_325 = arith.cmpi sgt, %jit3A_315, %sign3A_324 : i32
          %sign3A_326 = arith.extui %sign3A_325 : i1 to i32
          %sign3A_327 = arith.constant 0 : i32
          %sign3A_328 = arith.cmpi slt, %jit3A_315, %sign3A_327 : i32
          %sign3A_329 = arith.extui %sign3A_328 : i1 to i32
          %sign3A_330 = arith.subi %sign3A_326, %sign3A_329 : i32
          %ne3A_331 = arith.cmpi ne, %sign3A_323, %sign3A_330 : i32
          %rem3A_332 = arith.remsi %scan3A_314, %jit3A_315 : i32
          %ne3A_333 = arith.constant 0 : i32
          %ne3A_334 = arith.cmpi ne, %rem3A_332, %ne3A_333 : i32
          %and3A_335 = arith.andi %ne3A_331, %ne3A_334 : i1
          %sub3A_336 = arith.constant 1 : i32
          %sub3A_337 = arith.subi %div3A_316, %sub3A_336 : i32
          %select_n3A_338 = arith.select %and3A_335, %sub3A_337, %div3A_316 : i32
          %jit3A_339 = arith.constant 16 : i32
          %eq3A_340 = arith.constant 0 : i32
          %eq3A_341 = arith.cmpi eq, %jit3A_339, %eq3A_340 : i32
          %jit3A_342 = arith.constant 1 : i32
          %select_n3A_343 = arith.select %eq3A_341, %jit3A_342, %jit3A_339 : i32
          %rem3A_344 = arith.remsi %scan3A_314, %select_n3A_343 : i32
          %ne3A_345 = arith.constant 0 : i32
          %ne3A_346 = arith.cmpi ne, %rem3A_344, %ne3A_345 : i32
          %lt3A_347 = arith.constant 0 : i32
          %lt3A_348 = arith.cmpi slt, %rem3A_344, %lt3A_347 : i32
          %lt3A_349 = arith.constant 0 : i32
          %lt3A_350 = arith.cmpi slt, %select_n3A_343, %lt3A_349 : i32
          %ne3A_351 = arith.xori %lt3A_348, %lt3A_350 : i1
          %and3A_352 = arith.andi %ne3A_351, %ne3A_346 : i1
          %add3A_353 = arith.addi %rem3A_344, %select_n3A_343 : i32
          %select_n3A_354 = arith.select %and3A_352, %add3A_353, %rem3A_344 : i32
          %mul3A_355 = arith.constant 16 : i32
          %mul3A_356 = arith.muli %select_n3A_354, %mul3A_355 : i32
          %get3A_357 = arith.constant 0 : i32
          %get3A_358 = arith.index_cast %get3A_357 : i32 to index
          %get3A_359 = arith.index_cast %select_n3A_338 : i32 to index
          %get3A_360 = arith.index_cast %mul3A_356 : i32 to index
          %get3A_361 = tpu.vector_load %arg4[%get3A_358, %get3A_359, %get3A_360] {strides = array<i32>} : memref<16x8x256xf32, #tpu.memory_space<vmem>>, vector<1x1x16xf32>,
          %get3A_362 = vector.shape_cast %get3A_361 : vector<1x1x16xf32> to vector<16xf32>
          %get3A_363 = arith.constant 1 : i32
          %get3A_364 = arith.index_cast %get3A_363 : i32 to index
          %get3A_365 = arith.index_cast %select_n3A_338 : i32 to index
          %get3A_366 = arith.index_cast %mul3A_356 : i32 to index
          %get3A_367 = tpu.vector_load %arg4[%get3A_364, %get3A_365, %get3A_366] {strides = array<i32>} : memref<16x8x256xf32, #tpu.memory_space<vmem>>, vector<1x1x16xf32>,
          %get3A_368 = vector.shape_cast %get3A_367 : vector<1x1x16xf32> to vector<16xf32>
          %add3A_369 = arith.addf %get3A_362, %get3A_368 : vector<16xf32>
          %get3A_370 = arith.constant 2 : i32
          %get3A_371 = arith.index_cast %get3A_370 : i32 to index
          %get3A_372 = arith.index_cast %select_n3A_338 : i32 to index
          %get3A_373 = arith.index_cast %mul3A_356 : i32 to index
          %get3A_374 = tpu.vector_load %arg4[%get3A_371, %get3A_372, %get3A_373] {strides = array<i32>} : memref<16x8x256xf32, #tpu.memory_space<vmem>>, vector<1x1x16xf32>,
          %get3A_375 = vector.shape_cast %get3A_374 : vector<1x1x16xf32> to vector<16xf32>
          %add3A_376 = arith.addf %add3A_369, %get3A_375 : vector<16xf32>
          %get3A_377 = arith.constant 3 : i32
          %get3A_378 = arith.index_cast %get3A_377 : i32 to index
          %get3A_379 = arith.index_cast %select_n3A_338 : i32 to index
          %get3A_380 = arith.index_cast %mul3A_356 : i32 to index
          %get3A_381 = tpu.vector_load %arg4[%get3A_378, %get3A_379, %get3A_380] {strides = array<i32>} : memref<16x8x256xf32, #tpu.memory_space<vmem>>, vector<1x1x16xf32>,
          %get3A_382 = vector.shape_cast %get3A_381 : vector<1x1x16xf32> to vector<16xf32>
          %add3A_383 = arith.addf %add3A_376, %get3A_382 : vector<16xf32>
          %get3A_384 = arith.constant 4 : i32
          %get3A_385 = arith.index_cast %get3A_384 : i32 to index
          %get3A_386 = arith.index_cast %select_n3A_338 : i32 to index
          %get3A_387 = arith.index_cast %mul3A_356 : i32 to index
          %get3A_388 = tpu.vector_load %arg4[%get3A_385, %get3A_386, %get3A_387] {strides = array<i32>} : memref<16x8x256xf32, #tpu.memory_space<vmem>>, vector<1x1x16xf32>,
          %get3A_389 = vector.shape_cast %get3A_388 : vector<1x1x16xf32> to vector<16xf32>
          %add3A_390 = arith.addf %add3A_383, %get3A_389 : vector<16xf32>
          %get3A_391 = arith.constant 5 : i32
          %get3A_392 = arith.index_cast %get3A_391 : i32 to index
          %get3A_393 = arith.index_cast %select_n3A_338 : i32 to index
          %get3A_394 = arith.index_cast %mul3A_356 : i32 to index
          %get3A_395 = tpu.vector_load %arg4[%get3A_392, %get3A_393, %get3A_394] {strides = array<i32>} : memref<16x8x256xf32, #tpu.memory_space<vmem>>, vector<1x1x16xf32>,
          %get3A_396 = vector.shape_cast %get3A_395 : vector<1x1x16xf32> to vector<16xf32>
          %add3A_397 = arith.addf %add3A_390, %get3A_396 : vector<16xf32>
          %get3A_398 = arith.constant 6 : i32
          %get3A_399 = arith.index_cast %get3A_398 : i32 to index
          %get3A_400 = arith.index_cast %select_n3A_338 : i32 to index
          %get3A_401 = arith.index_cast %mul3A_356 : i32 to index
          %get3A_402 = tpu.vector_load %arg4[%get3A_399, %get3A_400, %get3A_401] {strides = array<i32>} : memref<16x8x256xf32, #tpu.memory_space<vmem>>, vector<1x1x16xf32>,
          %get3A_403 = vector.shape_cast %get3A_402 : vector<1x1x16xf32> to vector<16xf32>
          %add3A_404 = arith.addf %add3A_397, %get3A_403 : vector<16xf32>
          %get3A_405 = arith.constant 7 : i32
          %get3A_406 = arith.index_cast %get3A_405 : i32 to index
          %get3A_407 = arith.index_cast %select_n3A_338 : i32 to index
          %get3A_408 = arith.index_cast %mul3A_356 : i32 to index
          %get3A_409 = tpu.vector_load %arg4[%get3A_406, %get3A_407, %get3A_408] {strides = array<i32>} : memref<16x8x256xf32, #tpu.memory_space<vmem>>, vector<1x1x16xf32>,
          %get3A_410 = vector.shape_cast %get3A_409 : vector<1x1x16xf32> to vector<16xf32>
          %add3A_411 = arith.addf %add3A_404, %get3A_410 : vector<16xf32>
          %get3A_412 = arith.constant 8 : i32
          %get3A_413 = arith.index_cast %get3A_412 : i32 to index
          %get3A_414 = arith.index_cast %select_n3A_338 : i32 to index
          %get3A_415 = arith.index_cast %mul3A_356 : i32 to index
          %get3A_416 = tpu.vector_load %arg4[%get3A_413, %get3A_414, %get3A_415] {strides = array<i32>} : memref<16x8x256xf32, #tpu.memory_space<vmem>>, vector<1x1x16xf32>,
          %get3A_417 = vector.shape_cast %get3A_416 : vector<1x1x16xf32> to vector<16xf32>
          %add3A_418 = arith.addf %add3A_411, %get3A_417 : vector<16xf32>
          %get3A_419 = arith.constant 9 : i32
          %get3A_420 = arith.index_cast %get3A_419 : i32 to index
          %get3A_421 = arith.index_cast %select_n3A_338 : i32 to index
          %get3A_422 = arith.index_cast %mul3A_356 : i32 to index
          %get3A_423 = tpu.vector_load %arg4[%get3A_420, %get3A_421, %get3A_422] {strides = array<i32>} : memref<16x8x256xf32, #tpu.memory_space<vmem>>, vector<1x1x16xf32>,
          %get3A_424 = vector.shape_cast %get3A_423 : vector<1x1x16xf32> to vector<16xf32>
          %add3A_425 = arith.addf %add3A_418, %get3A_424 : vector<16xf32>
          %get3A_426 = arith.constant 10 : i32
          %get3A_427 = arith.index_cast %get3A_426 : i32 to index
          %get3A_428 = arith.index_cast %select_n3A_338 : i32 to index
          %get3A_429 = arith.index_cast %mul3A_356 : i32 to index
          %get3A_430 = tpu.vector_load %arg4[%get3A_427, %get3A_428, %get3A_429] {strides = array<i32>} : memref<16x8x256xf32, #tpu.memory_space<vmem>>, vector<1x1x16xf32>,
          %get3A_431 = vector.shape_cast %get3A_430 : vector<1x1x16xf32> to vector<16xf32>
          %add3A_432 = arith.addf %add3A_425, %get3A_431 : vector<16xf32>
          %get3A_433 = arith.constant 11 : i32
          %get3A_434 = arith.index_cast %get3A_433 : i32 to index
          %get3A_435 = arith.index_cast %select_n3A_338 : i32 to index
          %get3A_436 = arith.index_cast %mul3A_356 : i32 to index
          %get3A_437 = tpu.vector_load %arg4[%get3A_434, %get3A_435, %get3A_436] {strides = array<i32>} : memref<16x8x256xf32, #tpu.memory_space<vmem>>, vector<1x1x16xf32>,
          %get3A_438 = vector.shape_cast %get3A_437 : vector<1x1x16xf32> to vector<16xf32>
          %add3A_439 = arith.addf %add3A_432, %get3A_438 : vector<16xf32>
          %get3A_440 = arith.constant 12 : i32
          %get3A_441 = arith.index_cast %get3A_440 : i32 to index
          %get3A_442 = arith.index_cast %select_n3A_338 : i32 to index
          %get3A_443 = arith.index_cast %mul3A_356 : i32 to index
          %get3A_444 = tpu.vector_load %arg4[%get3A_441, %get3A_442, %get3A_443] {strides = array<i32>} : memref<16x8x256xf32, #tpu.memory_space<vmem>>, vector<1x1x16xf32>,
          %get3A_445 = vector.shape_cast %get3A_444 : vector<1x1x16xf32> to vector<16xf32>
          %add3A_446 = arith.addf %add3A_439, %get3A_445 : vector<16xf32>
          %get3A_447 = arith.constant 13 : i32
          %get3A_448 = arith.index_cast %get3A_447 : i32 to index
          %get3A_449 = arith.index_cast %select_n3A_338 : i32 to index
          %get3A_450 = arith.index_cast %mul3A_356 : i32 to index
          %get3A_451 = tpu.vector_load %arg4[%get3A_448, %get3A_449, %get3A_450] {strides = array<i32>} : memref<16x8x256xf32, #tpu.memory_space<vmem>>, vector<1x1x16xf32>,
          %get3A_452 = vector.shape_cast %get3A_451 : vector<1x1x16xf32> to vector<16xf32>
          %add3A_453 = arith.addf %add3A_446, %get3A_452 : vector<16xf32>
          %get3A_454 = arith.constant 14 : i32
          %get3A_455 = arith.index_cast %get3A_454 : i32 to index
          %get3A_456 = arith.index_cast %select_n3A_338 : i32 to index
          %get3A_457 = arith.index_cast %mul3A_356 : i32 to index
          %get3A_458 = tpu.vector_load %arg4[%get3A_455, %get3A_456, %get3A_457] {strides = array<i32>} : memref<16x8x256xf32, #tpu.memory_space<vmem>>, vector<1x1x16xf32>,
          %get3A_459 = vector.shape_cast %get3A_458 : vector<1x1x16xf32> to vector<16xf32>
          %add3A_460 = arith.addf %add3A_453, %get3A_459 : vector<16xf32>
          %get3A_461 = arith.constant 15 : i32
          %get3A_462 = arith.index_cast %get3A_461 : i32 to index
          %get3A_463 = arith.index_cast %select_n3A_338 : i32 to index
          %get3A_464 = arith.index_cast %mul3A_356 : i32 to index
          %get3A_465 = tpu.vector_load %arg4[%get3A_462, %get3A_463, %get3A_464] {strides = array<i32>} : memref<16x8x256xf32, #tpu.memory_space<vmem>>, vector<1x1x16xf32>,
          %get3A_466 = vector.shape_cast %get3A_465 : vector<1x1x16xf32> to vector<16xf32>
          %add3A_467 = arith.addf %add3A_460, %get3A_466 : vector<16xf32>
          %swap3A_468 = arith.index_cast %select_n3A_338 : i32 to index
          %swap3A_469 = arith.index_cast %mul3A_356 : i32 to index
          %swap3A_470 = tpu.vector_load %arg6[%swap3A_468, %swap3A_469] {strides = array<i32>} : memref<8x256xf32, #tpu.memory_space<vmem>>, vector<1x16xf32>,
          %swap3A_471 = vector.shape_cast %swap3A_470 : vector<1x16xf32> to vector<16xf32>
          %swap3A_472 = vector.shape_cast %add3A_467 : vector<16xf32> to vector<1x16xf32>
          tpu.vector_store %arg6[%swap3A_468, %swap3A_469], %swap3A_472 {strides = array<i32>} : memref<8x256xf32, #tpu.memory_space<vmem>>, vector<1x16xf32>,
          %scan3A_473 = arith.constant 2 : i32
          %scan3A_474 = arith.addi %scan3A_156, %scan3A_473 : i32
          %jit3A_475 = arith.constant 16 : i32
          %div3A_476 = arith.divsi %scan3A_474, %jit3A_475 : i32
          %sign3A_477 = arith.constant 0 : i32
          %sign3A_478 = arith.cmpi sgt, %scan3A_474, %sign3A_477 : i32
          %sign3A_479 = arith.extui %sign3A_478 : i1 to i32
          %sign3A_480 = arith.constant 0 : i32
          %sign3A_481 = arith.cmpi slt, %scan3A_474, %sign3A_480 : i32
          %sign3A_482 = arith.extui %sign3A_481 : i1 to i32
          %sign3A_483 = arith.subi %sign3A_479, %sign3A_482 : i32
          %sign3A_484 = arith.constant 0 : i32
          %sign3A_485 = arith.cmpi sgt, %jit3A_475, %sign3A_484 : i32
          %sign3A_486 = arith.extui %sign3A_485 : i1 to i32
          %sign3A_487 = arith.constant 0 : i32
          %sign3A_488 = arith.cmpi slt, %jit3A_475, %sign3A_487 : i32
          %sign3A_489 = arith.extui %sign3A_488 : i1 to i32
          %sign3A_490 = arith.subi %sign3A_486, %sign3A_489 : i32
          %ne3A_491 = arith.cmpi ne, %sign3A_483, %sign3A_490 : i32
          %rem3A_492 = arith.remsi %scan3A_474, %jit3A_475 : i32
          %ne3A_493 = arith.constant 0 : i32
          %ne3A_494 = arith.cmpi ne, %rem3A_492, %ne3A_493 : i32
          %and3A_495 = arith.andi %ne3A_491, %ne3A_494 : i1
          %sub3A_496 = arith.constant 1 : i32
          %sub3A_497 = arith.subi %div3A_476, %sub3A_496 : i32
          %select_n3A_498 = arith.select %and3A_495, %sub3A_497, %div3A_476 : i32
          %jit3A_499 = arith.constant 16 : i32
          %eq3A_500 = arith.constant 0 : i32
          %eq3A_501 = arith.cmpi eq, %jit3A_499, %eq3A_500 : i32
          %jit3A_502 = arith.constant 1 : i32
          %select_n3A_503 = arith.select %eq3A_501, %jit3A_502, %jit3A_499 : i32
          %rem3A_504 = arith.remsi %scan3A_474, %select_n3A_503 : i32
          %ne3A_505 = arith.constant 0 : i32
          %ne3A_506 = arith.cmpi ne, %rem3A_504, %ne3A_505 : i32
          %lt3A_507 = arith.constant 0 : i32
          %lt3A_508 = arith.cmpi slt, %rem3A_504, %lt3A_507 : i32
          %lt3A_509 = arith.constant 0 : i32
          %lt3A_510 = arith.cmpi slt, %select_n3A_503, %lt3A_509 : i32
          %ne3A_511 = arith.xori %lt3A_508, %lt3A_510 : i1
          %and3A_512 = arith.andi %ne3A_511, %ne3A_506 : i1
          %add3A_513 = arith.addi %rem3A_504, %select_n3A_503 : i32
          %select_n3A_514 = arith.select %and3A_512, %add3A_513, %rem3A_504 : i32
          %mul3A_515 = arith.constant 16 : i32
          %mul3A_516 = arith.muli %select_n3A_514, %mul3A_515 : i32
          %get3A_517 = arith.constant 0 : i32
          %get3A_518 = arith.index_cast %get3A_517 : i32 to index
          %get3A_519 = arith.index_cast %select_n3A_498 : i32 to index
          %get3A_520 = arith.index_cast %mul3A_516 : i32 to index
          %get3A_521 = tpu.vector_load %arg4[%get3A_518, %get3A_519, %get3A_520] {strides = array<i32>} : memref<16x8x256xf32, #tpu.memory_space<vmem>>, vector<1x1x16xf32>,
          %get3A_522 = vector.shape_cast %get3A_521 : vector<1x1x16xf32> to vector<16xf32>
          %get3A_523 = arith.constant 1 : i32
          %get3A_524 = arith.index_cast %get3A_523 : i32 to index
          %get3A_525 = arith.index_cast %select_n3A_498 : i32 to index
          %get3A_526 = arith.index_cast %mul3A_516 : i32 to index
          %get3A_527 = tpu.vector_load %arg4[%get3A_524, %get3A_525, %get3A_526] {strides = array<i32>} : memref<16x8x256xf32, #tpu.memory_space<vmem>>, vector<1x1x16xf32>,
          %get3A_528 = vector.shape_cast %get3A_527 : vector<1x1x16xf32> to vector<16xf32>
          %add3A_529 = arith.addf %get3A_522, %get3A_528 : vector<16xf32>
          %get3A_530 = arith.constant 2 : i32
          %get3A_531 = arith.index_cast %get3A_530 : i32 to index
          %get3A_532 = arith.index_cast %select_n3A_498 : i32 to index
          %get3A_533 = arith.index_cast %mul3A_516 : i32 to index
          %get3A_534 = tpu.vector_load %arg4[%get3A_531, %get3A_532, %get3A_533] {strides = array<i32>} : memref<16x8x256xf32, #tpu.memory_space<vmem>>, vector<1x1x16xf32>,
          %get3A_535 = vector.shape_cast %get3A_534 : vector<1x1x16xf32> to vector<16xf32>
          %add3A_536 = arith.addf %add3A_529, %get3A_535 : vector<16xf32>
          %get3A_537 = arith.constant 3 : i32
          %get3A_538 = arith.index_cast %get3A_537 : i32 to index
          %get3A_539 = arith.index_cast %select_n3A_498 : i32 to index
          %get3A_540 = arith.index_cast %mul3A_516 : i32 to index
          %get3A_541 = tpu.vector_load %arg4[%get3A_538, %get3A_539, %get3A_540] {strides = array<i32>} : memref<16x8x256xf32, #tpu.memory_space<vmem>>, vector<1x1x16xf32>,
          %get3A_542 = vector.shape_cast %get3A_541 : vector<1x1x16xf32> to vector<16xf32>
          %add3A_543 = arith.addf %add3A_536, %get3A_542 : vector<16xf32>
          %get3A_544 = arith.constant 4 : i32
          %get3A_545 = arith.index_cast %get3A_544 : i32 to index
          %get3A_546 = arith.index_cast %select_n3A_498 : i32 to index
          %get3A_547 = arith.index_cast %mul3A_516 : i32 to index
          %get3A_548 = tpu.vector_load %arg4[%get3A_545, %get3A_546, %get3A_547] {strides = array<i32>} : memref<16x8x256xf32, #tpu.memory_space<vmem>>, vector<1x1x16xf32>,
          %get3A_549 = vector.shape_cast %get3A_548 : vector<1x1x16xf32> to vector<16xf32>
          %add3A_550 = arith.addf %add3A_543, %get3A_549 : vector<16xf32>
          %get3A_551 = arith.constant 5 : i32
          %get3A_552 = arith.index_cast %get3A_551 : i32 to index
          %get3A_553 = arith.index_cast %select_n3A_498 : i32 to index
          %get3A_554 = arith.index_cast %mul3A_516 : i32 to index
          %get3A_555 = tpu.vector_load %arg4[%get3A_552, %get3A_553, %get3A_554] {strides = array<i32>} : memref<16x8x256xf32, #tpu.memory_space<vmem>>, vector<1x1x16xf32>,
          %get3A_556 = vector.shape_cast %get3A_555 : vector<1x1x16xf32> to vector<16xf32>
          %add3A_557 = arith.addf %add3A_550, %get3A_556 : vector<16xf32>
          %get3A_558 = arith.constant 6 : i32
          %get3A_559 = arith.index_cast %get3A_558 : i32 to index
          %get3A_560 = arith.index_cast %select_n3A_498 : i32 to index
          %get3A_561 = arith.index_cast %mul3A_516 : i32 to index
          %get3A_562 = tpu.vector_load %arg4[%get3A_559, %get3A_560, %get3A_561] {strides = array<i32>} : memref<16x8x256xf32, #tpu.memory_space<vmem>>, vector<1x1x16xf32>,
          %get3A_563 = vector.shape_cast %get3A_562 : vector<1x1x16xf32> to vector<16xf32>
          %add3A_564 = arith.addf %add3A_557, %get3A_563 : vector<16xf32>
          %get3A_565 = arith.constant 7 : i32
          %get3A_566 = arith.index_cast %get3A_565 : i32 to index
          %get3A_567 = arith.index_cast %select_n3A_498 : i32 to index
          %get3A_568 = arith.index_cast %mul3A_516 : i32 to index
          %get3A_569 = tpu.vector_load %arg4[%get3A_566, %get3A_567, %get3A_568] {strides = array<i32>} : memref<16x8x256xf32, #tpu.memory_space<vmem>>, vector<1x1x16xf32>,
          %get3A_570 = vector.shape_cast %get3A_569 : vector<1x1x16xf32> to vector<16xf32>
          %add3A_571 = arith.addf %add3A_564, %get3A_570 : vector<16xf32>
          %get3A_572 = arith.constant 8 : i32
          %get3A_573 = arith.index_cast %get3A_572 : i32 to index
          %get3A_574 = arith.index_cast %select_n3A_498 : i32 to index
          %get3A_575 = arith.index_cast %mul3A_516 : i32 to index
          %get3A_576 = tpu.vector_load %arg4[%get3A_573, %get3A_574, %get3A_575] {strides = array<i32>} : memref<16x8x256xf32, #tpu.memory_space<vmem>>, vector<1x1x16xf32>,
          %get3A_577 = vector.shape_cast %get3A_576 : vector<1x1x16xf32> to vector<16xf32>
          %add3A_578 = arith.addf %add3A_571, %get3A_577 : vector<16xf32>
          %get3A_579 = arith.constant 9 : i32
          %get3A_580 = arith.index_cast %get3A_579 : i32 to index
          %get3A_581 = arith.index_cast %select_n3A_498 : i32 to index
          %get3A_582 = arith.index_cast %mul3A_516 : i32 to index
          %get3A_583 = tpu.vector_load %arg4[%get3A_580, %get3A_581, %get3A_582] {strides = array<i32>} : memref<16x8x256xf32, #tpu.memory_space<vmem>>, vector<1x1x16xf32>,
          %get3A_584 = vector.shape_cast %get3A_583 : vector<1x1x16xf32> to vector<16xf32>
          %add3A_585 = arith.addf %add3A_578, %get3A_584 : vector<16xf32>
          %get3A_586 = arith.constant 10 : i32
          %get3A_587 = arith.index_cast %get3A_586 : i32 to index
          %get3A_588 = arith.index_cast %select_n3A_498 : i32 to index
          %get3A_589 = arith.index_cast %mul3A_516 : i32 to index
          %get3A_590 = tpu.vector_load %arg4[%get3A_587, %get3A_588, %get3A_589] {strides = array<i32>} : memref<16x8x256xf32, #tpu.memory_space<vmem>>, vector<1x1x16xf32>,
          %get3A_591 = vector.shape_cast %get3A_590 : vector<1x1x16xf32> to vector<16xf32>
          %add3A_592 = arith.addf %add3A_585, %get3A_591 : vector<16xf32>
          %get3A_593 = arith.constant 11 : i32
          %get3A_594 = arith.index_cast %get3A_593 : i32 to index
          %get3A_595 = arith.index_cast %select_n3A_498 : i32 to index
          %get3A_596 = arith.index_cast %mul3A_516 : i32 to index
          %get3A_597 = tpu.vector_load %arg4[%get3A_594, %get3A_595, %get3A_596] {strides = array<i32>} : memref<16x8x256xf32, #tpu.memory_space<vmem>>, vector<1x1x16xf32>,
          %get3A_598 = vector.shape_cast %get3A_597 : vector<1x1x16xf32> to vector<16xf32>
          %add3A_599 = arith.addf %add3A_592, %get3A_598 : vector<16xf32>
          %get3A_600 = arith.constant 12 : i32
          %get3A_601 = arith.index_cast %get3A_600 : i32 to index
          %get3A_602 = arith.index_cast %select_n3A_498 : i32 to index
          %get3A_603 = arith.index_cast %mul3A_516 : i32 to index
          %get3A_604 = tpu.vector_load %arg4[%get3A_601, %get3A_602, %get3A_603] {strides = array<i32>} : memref<16x8x256xf32, #tpu.memory_space<vmem>>, vector<1x1x16xf32>,
          %get3A_605 = vector.shape_cast %get3A_604 : vector<1x1x16xf32> to vector<16xf32>
          %add3A_606 = arith.addf %add3A_599, %get3A_605 : vector<16xf32>
          %get3A_607 = arith.constant 13 : i32
          %get3A_608 = arith.index_cast %get3A_607 : i32 to index
          %get3A_609 = arith.index_cast %select_n3A_498 : i32 to index
          %get3A_610 = arith.index_cast %mul3A_516 : i32 to index
          %get3A_611 = tpu.vector_load %arg4[%get3A_608, %get3A_609, %get3A_610] {strides = array<i32>} : memref<16x8x256xf32, #tpu.memory_space<vmem>>, vector<1x1x16xf32>,
          %get3A_612 = vector.shape_cast %get3A_611 : vector<1x1x16xf32> to vector<16xf32>
          %add3A_613 = arith.addf %add3A_606, %get3A_612 : vector<16xf32>
          %get3A_614 = arith.constant 14 : i32
          %get3A_615 = arith.index_cast %get3A_614 : i32 to index
          %get3A_616 = arith.index_cast %select_n3A_498 : i32 to index
          %get3A_617 = arith.index_cast %mul3A_516 : i32 to index
          %get3A_618 = tpu.vector_load %arg4[%get3A_615, %get3A_616, %get3A_617] {strides = array<i32>} : memref<16x8x256xf32, #tpu.memory_space<vmem>>, vector<1x1x16xf32>,
          %get3A_619 = vector.shape_cast %get3A_618 : vector<1x1x16xf32> to vector<16xf32>
          %add3A_620 = arith.addf %add3A_613, %get3A_619 : vector<16xf32>
          %get3A_621 = arith.constant 15 : i32
          %get3A_622 = arith.index_cast %get3A_621 : i32 to index
          %get3A_623 = arith.index_cast %select_n3A_498 : i32 to index
          %get3A_624 = arith.index_cast %mul3A_516 : i32 to index
          %get3A_625 = tpu.vector_load %arg4[%get3A_622, %get3A_623, %get3A_624] {strides = array<i32>} : memref<16x8x256xf32, #tpu.memory_space<vmem>>, vector<1x1x16xf32>,
          %get3A_626 = vector.shape_cast %get3A_625 : vector<1x1x16xf32> to vector<16xf32>
          %add3A_627 = arith.addf %add3A_620, %get3A_626 : vector<16xf32>
          %swap3A_628 = arith.index_cast %select_n3A_498 : i32 to index
          %swap3A_629 = arith.index_cast %mul3A_516 : i32 to index
          %swap3A_630 = tpu.vector_load %arg6[%swap3A_628, %swap3A_629] {strides = array<i32>} : memref<8x256xf32, #tpu.memory_space<vmem>>, vector<1x16xf32>,
          %swap3A_631 = vector.shape_cast %swap3A_630 : vector<1x16xf32> to vector<16xf32>
          %swap3A_632 = vector.shape_cast %add3A_627 : vector<16xf32> to vector<1x16xf32>
          tpu.vector_store %arg6[%swap3A_628, %swap3A_629], %swap3A_632 {strides = array<i32>} : memref<8x256xf32, #tpu.memory_space<vmem>>, vector<1x16xf32>,
          %scan3A_633 = arith.constant 3 : i32
          %scan3A_634 = arith.addi %scan3A_156, %scan3A_633 : i32
          %jit3A_635 = arith.constant 16 : i32
          %div3A_636 = arith.divsi %scan3A_634, %jit3A_635 : i32
          %sign3A_637 = arith.constant 0 : i32
          %sign3A_638 = arith.cmpi sgt, %scan3A_634, %sign3A_637 : i32
          %sign3A_639 = arith.extui %sign3A_638 : i1 to i32
          %sign3A_640 = arith.constant 0 : i32
          %sign3A_641 = arith.cmpi slt, %scan3A_634, %sign3A_640 : i32
          %sign3A_642 = arith.extui %sign3A_641 : i1 to i32
          %sign3A_643 = arith.subi %sign3A_639, %sign3A_642 : i32
          %sign3A_644 = arith.constant 0 : i32
          %sign3A_645 = arith.cmpi sgt, %jit3A_635, %sign3A_644 : i32
          %sign3A_646 = arith.extui %sign3A_645 : i1 to i32
          %sign3A_647 = arith.constant 0 : i32
          %sign3A_648 = arith.cmpi slt, %jit3A_635, %sign3A_647 : i32
          %sign3A_649 = arith.extui %sign3A_648 : i1 to i32
          %sign3A_650 = arith.subi %sign3A_646, %sign3A_649 : i32
          %ne3A_651 = arith.cmpi ne, %sign3A_643, %sign3A_650 : i32
          %rem3A_652 = arith.remsi %scan3A_634, %jit3A_635 : i32
          %ne3A_653 = arith.constant 0 : i32
          %ne3A_654 = arith.cmpi ne, %rem3A_652, %ne3A_653 : i32
          %and3A_655 = arith.andi %ne3A_651, %ne3A_654 : i1
          %sub3A_656 = arith.constant 1 : i32
          %sub3A_657 = arith.subi %div3A_636, %sub3A_656 : i32
          %select_n3A_658 = arith.select %and3A_655, %sub3A_657, %div3A_636 : i32
          %jit3A_659 = arith.constant 16 : i32
          %eq3A_660 = arith.constant 0 : i32
          %eq3A_661 = arith.cmpi eq, %jit3A_659, %eq3A_660 : i32
          %jit3A_662 = arith.constant 1 : i32
          %select_n3A_663 = arith.select %eq3A_661, %jit3A_662, %jit3A_659 : i32
          %rem3A_664 = arith.remsi %scan3A_634, %select_n3A_663 : i32
          %ne3A_665 = arith.constant 0 : i32
          %ne3A_666 = arith.cmpi ne, %rem3A_664, %ne3A_665 : i32
          %lt3A_667 = arith.constant 0 : i32
          %lt3A_668 = arith.cmpi slt, %rem3A_664, %lt3A_667 : i32
          %lt3A_669 = arith.constant 0 : i32
          %lt3A_670 = arith.cmpi slt, %select_n3A_663, %lt3A_669 : i32
          %ne3A_671 = arith.xori %lt3A_668, %lt3A_670 : i1
          %and3A_672 = arith.andi %ne3A_671, %ne3A_666 : i1
          %add3A_673 = arith.addi %rem3A_664, %select_n3A_663 : i32
          %select_n3A_674 = arith.select %and3A_672, %add3A_673, %rem3A_664 : i32
          %mul3A_675 = arith.constant 16 : i32
          %mul3A_676 = arith.muli %select_n3A_674, %mul3A_675 : i32
          %get3A_677 = arith.constant 0 : i32
          %get3A_678 = arith.index_cast %get3A_677 : i32 to index
          %get3A_679 = arith.index_cast %select_n3A_658 : i32 to index
          %get3A_680 = arith.index_cast %mul3A_676 : i32 to index
          %get3A_681 = tpu.vector_load %arg4[%get3A_678, %get3A_679, %get3A_680] {strides = array<i32>} : memref<16x8x256xf32, #tpu.memory_space<vmem>>, vector<1x1x16xf32>,
          %get3A_682 = vector.shape_cast %get3A_681 : vector<1x1x16xf32> to vector<16xf32>
          %get3A_683 = arith.constant 1 : i32
          %get3A_684 = arith.index_cast %get3A_683 : i32 to index
          %get3A_685 = arith.index_cast %select_n3A_658 : i32 to index
          %get3A_686 = arith.index_cast %mul3A_676 : i32 to index
          %get3A_687 = tpu.vector_load %arg4[%get3A_684, %get3A_685, %get3A_686] {strides = array<i32>} : memref<16x8x256xf32, #tpu.memory_space<vmem>>, vector<1x1x16xf32>,
          %get3A_688 = vector.shape_cast %get3A_687 : vector<1x1x16xf32> to vector<16xf32>
          %add3A_689 = arith.addf %get3A_682, %get3A_688 : vector<16xf32>
          %get3A_690 = arith.constant 2 : i32
          %get3A_691 = arith.index_cast %get3A_690 : i32 to index
          %get3A_692 = arith.index_cast %select_n3A_658 : i32 to index
          %get3A_693 = arith.index_cast %mul3A_676 : i32 to index
          %get3A_694 = tpu.vector_load %arg4[%get3A_691, %get3A_692, %get3A_693] {strides = array<i32>} : memref<16x8x256xf32, #tpu.memory_space<vmem>>, vector<1x1x16xf32>,
          %get3A_695 = vector.shape_cast %get3A_694 : vector<1x1x16xf32> to vector<16xf32>
          %add3A_696 = arith.addf %add3A_689, %get3A_695 : vector<16xf32>
          %get3A_697 = arith.constant 3 : i32
          %get3A_698 = arith.index_cast %get3A_697 : i32 to index
          %get3A_699 = arith.index_cast %select_n3A_658 : i32 to index
          %get3A_700 = arith.index_cast %mul3A_676 : i32 to index
          %get3A_701 = tpu.vector_load %arg4[%get3A_698, %get3A_699, %get3A_700] {strides = array<i32>} : memref<16x8x256xf32, #tpu.memory_space<vmem>>, vector<1x1x16xf32>,
          %get3A_702 = vector.shape_cast %get3A_701 : vector<1x1x16xf32> to vector<16xf32>
          %add3A_703 = arith.addf %add3A_696, %get3A_702 : vector<16xf32>
          %get3A_704 = arith.constant 4 : i32
          %get3A_705 = arith.index_cast %get3A_704 : i32 to index
          %get3A_706 = arith.index_cast %select_n3A_658 : i32 to index
          %get3A_707 = arith.index_cast %mul3A_676 : i32 to index
          %get3A_708 = tpu.vector_load %arg4[%get3A_705, %get3A_706, %get3A_707] {strides = array<i32>} : memref<16x8x256xf32, #tpu.memory_space<vmem>>, vector<1x1x16xf32>,
          %get3A_709 = vector.shape_cast %get3A_708 : vector<1x1x16xf32> to vector<16xf32>
          %add3A_710 = arith.addf %add3A_703, %get3A_709 : vector<16xf32>
          %get3A_711 = arith.constant 5 : i32
          %get3A_712 = arith.index_cast %get3A_711 : i32 to index
          %get3A_713 = arith.index_cast %select_n3A_658 : i32 to index
          %get3A_714 = arith.index_cast %mul3A_676 : i32 to index
          %get3A_715 = tpu.vector_load %arg4[%get3A_712, %get3A_713, %get3A_714] {strides = array<i32>} : memref<16x8x256xf32, #tpu.memory_space<vmem>>, vector<1x1x16xf32>,
          %get3A_716 = vector.shape_cast %get3A_715 : vector<1x1x16xf32> to vector<16xf32>
          %add3A_717 = arith.addf %add3A_710, %get3A_716 : vector<16xf32>
          %get3A_718 = arith.constant 6 : i32
          %get3A_719 = arith.index_cast %get3A_718 : i32 to index
          %get3A_720 = arith.index_cast %select_n3A_658 : i32 to index
          %get3A_721 = arith.index_cast %mul3A_676 : i32 to index
          %get3A_722 = tpu.vector_load %arg4[%get3A_719, %get3A_720, %get3A_721] {strides = array<i32>} : memref<16x8x256xf32, #tpu.memory_space<vmem>>, vector<1x1x16xf32>,
          %get3A_723 = vector.shape_cast %get3A_722 : vector<1x1x16xf32> to vector<16xf32>
          %add3A_724 = arith.addf %add3A_717, %get3A_723 : vector<16xf32>
          %get3A_725 = arith.constant 7 : i32
          %get3A_726 = arith.index_cast %get3A_725 : i32 to index
          %get3A_727 = arith.index_cast %select_n3A_658 : i32 to index
          %get3A_728 = arith.index_cast %mul3A_676 : i32 to index
          %get3A_729 = tpu.vector_load %arg4[%get3A_726, %get3A_727, %get3A_728] {strides = array<i32>} : memref<16x8x256xf32, #tpu.memory_space<vmem>>, vector<1x1x16xf32>,
          %get3A_730 = vector.shape_cast %get3A_729 : vector<1x1x16xf32> to vector<16xf32>
          %add3A_731 = arith.addf %add3A_724, %get3A_730 : vector<16xf32>
          %get3A_732 = arith.constant 8 : i32
          %get3A_733 = arith.index_cast %get3A_732 : i32 to index
          %get3A_734 = arith.index_cast %select_n3A_658 : i32 to index
          %get3A_735 = arith.index_cast %mul3A_676 : i32 to index
          %get3A_736 = tpu.vector_load %arg4[%get3A_733, %get3A_734, %get3A_735] {strides = array<i32>} : memref<16x8x256xf32, #tpu.memory_space<vmem>>, vector<1x1x16xf32>,
          %get3A_737 = vector.shape_cast %get3A_736 : vector<1x1x16xf32> to vector<16xf32>
          %add3A_738 = arith.addf %add3A_731, %get3A_737 : vector<16xf32>
          %get3A_739 = arith.constant 9 : i32
          %get3A_740 = arith.index_cast %get3A_739 : i32 to index
          %get3A_741 = arith.index_cast %select_n3A_658 : i32 to index
          %get3A_742 = arith.index_cast %mul3A_676 : i32 to index
          %get3A_743 = tpu.vector_load %arg4[%get3A_740, %get3A_741, %get3A_742] {strides = array<i32>} : memref<16x8x256xf32, #tpu.memory_space<vmem>>, vector<1x1x16xf32>,
          %get3A_744 = vector.shape_cast %get3A_743 : vector<1x1x16xf32> to vector<16xf32>
          %add3A_745 = arith.addf %add3A_738, %get3A_744 : vector<16xf32>
          %get3A_746 = arith.constant 10 : i32
          %get3A_747 = arith.index_cast %get3A_746 : i32 to index
          %get3A_748 = arith.index_cast %select_n3A_658 : i32 to index
          %get3A_749 = arith.index_cast %mul3A_676 : i32 to index
          %get3A_750 = tpu.vector_load %arg4[%get3A_747, %get3A_748, %get3A_749] {strides = array<i32>} : memref<16x8x256xf32, #tpu.memory_space<vmem>>, vector<1x1x16xf32>,
          %get3A_751 = vector.shape_cast %get3A_750 : vector<1x1x16xf32> to vector<16xf32>
          %add3A_752 = arith.addf %add3A_745, %get3A_751 : vector<16xf32>
          %get3A_753 = arith.constant 11 : i32
          %get3A_754 = arith.index_cast %get3A_753 : i32 to index
          %get3A_755 = arith.index_cast %select_n3A_658 : i32 to index
          %get3A_756 = arith.index_cast %mul3A_676 : i32 to index
          %get3A_757 = tpu.vector_load %arg4[%get3A_754, %get3A_755, %get3A_756] {strides = array<i32>} : memref<16x8x256xf32, #tpu.memory_space<vmem>>, vector<1x1x16xf32>,
          %get3A_758 = vector.shape_cast %get3A_757 : vector<1x1x16xf32> to vector<16xf32>
          %add3A_759 = arith.addf %add3A_752, %get3A_758 : vector<16xf32>
          %get3A_760 = arith.constant 12 : i32
          %get3A_761 = arith.index_cast %get3A_760 : i32 to index
          %get3A_762 = arith.index_cast %select_n3A_658 : i32 to index
          %get3A_763 = arith.index_cast %mul3A_676 : i32 to index
          %get3A_764 = tpu.vector_load %arg4[%get3A_761, %get3A_762, %get3A_763] {strides = array<i32>} : memref<16x8x256xf32, #tpu.memory_space<vmem>>, vector<1x1x16xf32>,
          %get3A_765 = vector.shape_cast %get3A_764 : vector<1x1x16xf32> to vector<16xf32>
          %add3A_766 = arith.addf %add3A_759, %get3A_765 : vector<16xf32>
          %get3A_767 = arith.constant 13 : i32
          %get3A_768 = arith.index_cast %get3A_767 : i32 to index
          %get3A_769 = arith.index_cast %select_n3A_658 : i32 to index
          %get3A_770 = arith.index_cast %mul3A_676 : i32 to index
          %get3A_771 = tpu.vector_load %arg4[%get3A_768, %get3A_769, %get3A_770] {strides = array<i32>} : memref<16x8x256xf32, #tpu.memory_space<vmem>>, vector<1x1x16xf32>,
          %get3A_772 = vector.shape_cast %get3A_771 : vector<1x1x16xf32> to vector<16xf32>
          %add3A_773 = arith.addf %add3A_766, %get3A_772 : vector<16xf32>
          %get3A_774 = arith.constant 14 : i32
          %get3A_775 = arith.index_cast %get3A_774 : i32 to index
          %get3A_776 = arith.index_cast %select_n3A_658 : i32 to index
          %get3A_777 = arith.index_cast %mul3A_676 : i32 to index
          %get3A_778 = tpu.vector_load %arg4[%get3A_775, %get3A_776, %get3A_777] {strides = array<i32>} : memref<16x8x256xf32, #tpu.memory_space<vmem>>, vector<1x1x16xf32>,
          %get3A_779 = vector.shape_cast %get3A_778 : vector<1x1x16xf32> to vector<16xf32>
          %add3A_780 = arith.addf %add3A_773, %get3A_779 : vector<16xf32>
          %get3A_781 = arith.constant 15 : i32
          %get3A_782 = arith.index_cast %get3A_781 : i32 to index
          %get3A_783 = arith.index_cast %select_n3A_658 : i32 to index
          %get3A_784 = arith.index_cast %mul3A_676 : i32 to index
          %get3A_785 = tpu.vector_load %arg4[%get3A_782, %get3A_783, %get3A_784] {strides = array<i32>} : memref<16x8x256xf32, #tpu.memory_space<vmem>>, vector<1x1x16xf32>,
          %get3A_786 = vector.shape_cast %get3A_785 : vector<1x1x16xf32> to vector<16xf32>
          %add3A_787 = arith.addf %add3A_780, %get3A_786 : vector<16xf32>
          %swap3A_788 = arith.index_cast %select_n3A_658 : i32 to index
          %swap3A_789 = arith.index_cast %mul3A_676 : i32 to index
          %swap3A_790 = tpu.vector_load %arg6[%swap3A_788, %swap3A_789] {strides = array<i32>} : memref<8x256xf32, #tpu.memory_space<vmem>>, vector<1x16xf32>,
          %swap3A_791 = vector.shape_cast %swap3A_790 : vector<1x16xf32> to vector<16xf32>
          %swap3A_792 = vector.shape_cast %add3A_787 : vector<16xf32> to vector<1x16xf32>
          tpu.vector_store %arg6[%swap3A_788, %swap3A_789], %swap3A_792 {strides = array<i32>} : memref<8x256xf32, #tpu.memory_space<vmem>>, vector<1x16xf32>,
        }
        %scan3A_142 = arith.constant 128 : i32
        %add3A_143 = arith.constant 2 : i32
        %add3A_144 = arith.addi %while3A_87, %add3A_143 : i32
        %lt3A_145 = arith.cmpi slt, %add3A_144, %sub3A_47 : i32
        %convert_element_type3A_146 = arith.extui %lt3A_145 : i1 to i32
        %cond3A_147 = arith.constant 0 : i32
        %cond3A_148 = arith.cmpi ne, %convert_element_type3A_146, %cond3A_147 : i32
        scf.if %cond3A_148 {
          %add3A_156 = arith.constant 2 : i32
          %add3A_157 = arith.addi %while3A_87, %add3A_156 : i32
          %add3A_158 = arith.addi %select_n3A, %add3A_157 : i32
          %mul3A_159 = arith.constant 8 : i32
          %mul3A_160 = arith.muli %add3A_158, %mul3A_159 : i32
          %dma_start3A_161 = arith.constant 0 : i32
          %dma_start3A_162 = arith.constant 0 : i32
          %dma_start3A_163 = tpu.memref_slice %arg2[%dma_start3A_161, %mul3A_160, %dma_start3A_162] : memref<16x10000x256xf32, #tpu.memory_space<hbm>> -> memref<16x8x256xf32, #tpu.memory_space<hbm>>
          %dma_start3A_164 = arith.constant 0 : i32
          %dma_start3A_165 = arith.constant 0 : i32
          %dma_start3A_166 = tpu.memref_slice %arg2[%dma_start3A_164, %mul3A_160, %dma_start3A_165] : memref<16x10000x256xf32, #tpu.memory_space<hbm>> -> memref<16x8x256xf32, #tpu.memory_space<hbm>>
          tpu.enqueue_dma source(%dma_start3A_166 : memref<16x8x256xf32, #tpu.memory_space<hbm>>) target(%arg4 : memref<16x8x256xf32, #tpu.memory_space<vmem>>) target_semaphore(%arg8 : memref<!tpu.dma_semaphore, #tpu.memory_space<semaphore_mem>>)
        } else {
        }
        %add3A_149 = arith.addi %select_n3A, %while3A_87 : i32
        %mul3A_150 = arith.constant 8 : i32
        %mul3A_151 = arith.muli %add3A_149, %mul3A_150 : i32
        %dma_start3A_152 = arith.constant 0 : i32
        %dma_start3A_153 = tpu.memref_slice %arg3[%mul3A_151, %dma_start3A_152] : memref<2400x256xf32, #tpu.memory_space<hbm>> -> memref<8x256xf32, #tpu.memory_space<hbm>>
        %dma_start3A_154 = arith.constant 0 : i32
        %dma_start3A_155 = tpu.memref_slice %arg3[%mul3A_151, %dma_start3A_154] : memref<2400x256xf32, #tpu.memory_space<hbm>> -> memref<8x256xf32, #tpu.memory_space<hbm>>
        tpu.enqueue_dma source(%arg6 : memref<8x256xf32, #tpu.memory_space<vmem>>) target(%dma_start3A_155 : memref<8x256xf32, #tpu.memory_space<hbm>>) target_semaphore(%arg10 : memref<!tpu.dma_semaphore, #tpu.memory_space<semaphore_mem>>)
      } else {
      }
      %jit3A_105 = arith.constant 2 : i32
      %eq3A_106 = arith.constant 0 : i32
      %eq3A_107 = arith.cmpi eq, %jit3A_105, %eq3A_106 : i32
      %jit3A_108 = arith.constant 1 : i32
      %select_n3A_109 = arith.select %eq3A_107, %jit3A_108, %jit3A_105 : i32
      %rem3A_110 = arith.remsi %while3A_87, %select_n3A_109 : i32
      %ne3A_111 = arith.constant 0 : i32
      %ne3A_112 = arith.cmpi ne, %rem3A_110, %ne3A_111 : i32
      %lt3A_113 = arith.constant 0 : i32
      %lt3A_114 = arith.cmpi slt, %rem3A_110, %lt3A_113 : i32
      %lt3A_115 = arith.constant 0 : i32
      %lt3A_116 = arith.cmpi slt, %select_n3A_109, %lt3A_115 : i32
      %ne3A_117 = arith.xori %lt3A_114, %lt3A_116 : i1
      %and3A_118 = arith.andi %ne3A_117, %ne3A_112 : i1
      %add3A_119 = arith.addi %rem3A_110, %select_n3A_109 : i32
      %select_n3A_120 = arith.select %and3A_118, %add3A_119, %rem3A_110 : i32
      %eq3A_121 = arith.constant 1 : i32
      %eq3A_122 = arith.cmpi eq, %select_n3A_120, %eq3A_121 : i32
      %convert_element_type3A_123 = arith.extui %eq3A_122 : i1 to i32
      %cond3A_124 = arith.constant 0 : i32
      %cond3A_125 = arith.cmpi ne, %convert_element_type3A_123, %cond3A_124 : i32
      scf.if %cond3A_125 {
        %dma_wait3A_126 = arith.constant 0 : i32
        %dma_wait3A_127 = arith.constant 0 : i32
        %dma_wait3A_128 = arith.constant 0 : i32
        %dma_wait3A_129 = tpu.memref_slice %arg2[%dma_wait3A_126, %dma_wait3A_127, %dma_wait3A_128] : memref<16x10000x256xf32, #tpu.memory_space<hbm>> -> memref<16x8x256xf32, #tpu.memory_space<hbm>>
        %dma_wait3A_130 = arith.constant 0 : i32
        %dma_wait3A_131 = arith.constant 0 : i32
        %dma_wait3A_132 = arith.constant 0 : i32
        %dma_wait3A_133 = tpu.memref_slice %arg2[%dma_wait3A_130, %dma_wait3A_131, %dma_wait3A_132] : memref<16x10000x256xf32, #tpu.memory_space<hbm>> -> memref<16x8x256xf32, #tpu.memory_space<hbm>>
        tpu.wait_dma2 semaphore(%arg9 : memref<!tpu.dma_semaphore, #tpu.memory_space<semaphore_mem>>) src(%dma_wait3A_133 : memref<16x8x256xf32, #tpu.memory_space<hbm>>) dst(%arg5 : memref<16x8x256xf32, #tpu.memory_space<vmem>>)
        %ge3A = arith.constant 2 : i32
        %ge3A_134 = arith.cmpi sge, %while3A_87, %ge3A : i32
        %convert_element_type3A_135 = arith.extui %ge3A_134 : i1 to i32
        %cond3A_136 = arith.constant 0 : i32
        %cond3A_137 = arith.cmpi ne, %convert_element_type3A_135, %cond3A_136 : i32
        scf.if %cond3A_137 {
          %dma_wait3A_156 = arith.constant 0 : i32
          %dma_wait3A_157 = arith.constant 0 : i32
          %dma_wait3A_158 = tpu.memref_slice %arg3[%dma_wait3A_156, %dma_wait3A_157] : memref<2400x256xf32, #tpu.memory_space<hbm>> -> memref<8x256xf32, #tpu.memory_space<hbm>>
          %dma_wait3A_159 = arith.constant 0 : i32
          %dma_wait3A_160 = arith.constant 0 : i32
          %dma_wait3A_161 = tpu.memref_slice %arg3[%dma_wait3A_159, %dma_wait3A_160] : memref<2400x256xf32, #tpu.memory_space<hbm>> -> memref<8x256xf32, #tpu.memory_space<hbm>>
          tpu.wait_dma2 semaphore(%arg11 : memref<!tpu.dma_semaphore, #tpu.memory_space<semaphore_mem>>) src(%arg7 : memref<8x256xf32, #tpu.memory_space<vmem>>) dst(%dma_wait3A_161 : memref<8x256xf32, #tpu.memory_space<hbm>>)
        } else {
        }
        %scan3A = arith.constant 0 : i32
        %scan3A_138 = arith.constant 0 : i32
        %scan3A_139 = arith.constant 128 : i32
        %scan3A_140 = arith.addi %scan3A_138, %scan3A_139 : i32
        %scan3A_141 = arith.constant 4 : i32
        scf.for %scan3A_156 = %scan3A_138 to %scan3A_140 step %scan3A_141  : i32 {
          %jit3A_157 = arith.constant 16 : i32
          %div3A_158 = arith.divsi %scan3A_156, %jit3A_157 : i32
          %sign3A_159 = arith.constant 0 : i32
          %sign3A_160 = arith.cmpi sgt, %scan3A_156, %sign3A_159 : i32
          %sign3A_161 = arith.extui %sign3A_160 : i1 to i32
          %sign3A_162 = arith.constant 0 : i32
          %sign3A_163 = arith.cmpi slt, %scan3A_156, %sign3A_162 : i32
          %sign3A_164 = arith.extui %sign3A_163 : i1 to i32
          %sign3A_165 = arith.subi %sign3A_161, %sign3A_164 : i32
          %sign3A_166 = arith.constant 0 : i32
          %sign3A_167 = arith.cmpi sgt, %jit3A_157, %sign3A_166 : i32
          %sign3A_168 = arith.extui %sign3A_167 : i1 to i32
          %sign3A_169 = arith.constant 0 : i32
          %sign3A_170 = arith.cmpi slt, %jit3A_157, %sign3A_169 : i32
          %sign3A_171 = arith.extui %sign3A_170 : i1 to i32
          %sign3A_172 = arith.subi %sign3A_168, %sign3A_171 : i32
          %ne3A_173 = arith.cmpi ne, %sign3A_165, %sign3A_172 : i32
          %rem3A_174 = arith.remsi %scan3A_156, %jit3A_157 : i32
          %ne3A_175 = arith.constant 0 : i32
          %ne3A_176 = arith.cmpi ne, %rem3A_174, %ne3A_175 : i32
          %and3A_177 = arith.andi %ne3A_173, %ne3A_176 : i1
          %sub3A_178 = arith.constant 1 : i32
          %sub3A_179 = arith.subi %div3A_158, %sub3A_178 : i32
          %select_n3A_180 = arith.select %and3A_177, %sub3A_179, %div3A_158 : i32
          %jit3A_181 = arith.constant 16 : i32
          %eq3A_182 = arith.constant 0 : i32
          %eq3A_183 = arith.cmpi eq, %jit3A_181, %eq3A_182 : i32
          %jit3A_184 = arith.constant 1 : i32
          %select_n3A_185 = arith.select %eq3A_183, %jit3A_184, %jit3A_181 : i32
          %rem3A_186 = arith.remsi %scan3A_156, %select_n3A_185 : i32
          %ne3A_187 = arith.constant 0 : i32
          %ne3A_188 = arith.cmpi ne, %rem3A_186, %ne3A_187 : i32
          %lt3A_189 = arith.constant 0 : i32
          %lt3A_190 = arith.cmpi slt, %rem3A_186, %lt3A_189 : i32
          %lt3A_191 = arith.constant 0 : i32
          %lt3A_192 = arith.cmpi slt, %select_n3A_185, %lt3A_191 : i32
          %ne3A_193 = arith.xori %lt3A_190, %lt3A_192 : i1
          %and3A_194 = arith.andi %ne3A_193, %ne3A_188 : i1
          %add3A_195 = arith.addi %rem3A_186, %select_n3A_185 : i32
          %select_n3A_196 = arith.select %and3A_194, %add3A_195, %rem3A_186 : i32
          %mul3A_197 = arith.constant 16 : i32
          %mul3A_198 = arith.muli %select_n3A_196, %mul3A_197 : i32
          %get3A = arith.constant 0 : i32
          %get3A_199 = arith.index_cast %get3A : i32 to index
          %get3A_200 = arith.index_cast %select_n3A_180 : i32 to index
          %get3A_201 = arith.index_cast %mul3A_198 : i32 to index
          %get3A_202 = tpu.vector_load %arg5[%get3A_199, %get3A_200, %get3A_201] {strides = array<i32>} : memref<16x8x256xf32, #tpu.memory_space<vmem>>, vector<1x1x16xf32>,
          %get3A_203 = vector.shape_cast %get3A_202 : vector<1x1x16xf32> to vector<16xf32>
          %get3A_204 = arith.constant 1 : i32
          %get3A_205 = arith.index_cast %get3A_204 : i32 to index
          %get3A_206 = arith.index_cast %select_n3A_180 : i32 to index
          %get3A_207 = arith.index_cast %mul3A_198 : i32 to index
          %get3A_208 = tpu.vector_load %arg5[%get3A_205, %get3A_206, %get3A_207] {strides = array<i32>} : memref<16x8x256xf32, #tpu.memory_space<vmem>>, vector<1x1x16xf32>,
          %get3A_209 = vector.shape_cast %get3A_208 : vector<1x1x16xf32> to vector<16xf32>
          %add3A_210 = arith.addf %get3A_203, %get3A_209 : vector<16xf32>
          %get3A_211 = arith.constant 2 : i32
          %get3A_212 = arith.index_cast %get3A_211 : i32 to index
          %get3A_213 = arith.index_cast %select_n3A_180 : i32 to index
          %get3A_214 = arith.index_cast %mul3A_198 : i32 to index
          %get3A_215 = tpu.vector_load %arg5[%get3A_212, %get3A_213, %get3A_214] {strides = array<i32>} : memref<16x8x256xf32, #tpu.memory_space<vmem>>, vector<1x1x16xf32>,
          %get3A_216 = vector.shape_cast %get3A_215 : vector<1x1x16xf32> to vector<16xf32>
          %add3A_217 = arith.addf %add3A_210, %get3A_216 : vector<16xf32>
          %get3A_218 = arith.constant 3 : i32
          %get3A_219 = arith.index_cast %get3A_218 : i32 to index
          %get3A_220 = arith.index_cast %select_n3A_180 : i32 to index
          %get3A_221 = arith.index_cast %mul3A_198 : i32 to index
          %get3A_222 = tpu.vector_load %arg5[%get3A_219, %get3A_220, %get3A_221] {strides = array<i32>} : memref<16x8x256xf32, #tpu.memory_space<vmem>>, vector<1x1x16xf32>,
          %get3A_223 = vector.shape_cast %get3A_222 : vector<1x1x16xf32> to vector<16xf32>
          %add3A_224 = arith.addf %add3A_217, %get3A_223 : vector<16xf32>
          %get3A_225 = arith.constant 4 : i32
          %get3A_226 = arith.index_cast %get3A_225 : i32 to index
          %get3A_227 = arith.index_cast %select_n3A_180 : i32 to index
          %get3A_228 = arith.index_cast %mul3A_198 : i32 to index
          %get3A_229 = tpu.vector_load %arg5[%get3A_226, %get3A_227, %get3A_228] {strides = array<i32>} : memref<16x8x256xf32, #tpu.memory_space<vmem>>, vector<1x1x16xf32>,
          %get3A_230 = vector.shape_cast %get3A_229 : vector<1x1x16xf32> to vector<16xf32>
          %add3A_231 = arith.addf %add3A_224, %get3A_230 : vector<16xf32>
          %get3A_232 = arith.constant 5 : i32
          %get3A_233 = arith.index_cast %get3A_232 : i32 to index
          %get3A_234 = arith.index_cast %select_n3A_180 : i32 to index
          %get3A_235 = arith.index_cast %mul3A_198 : i32 to index
          %get3A_236 = tpu.vector_load %arg5[%get3A_233, %get3A_234, %get3A_235] {strides = array<i32>} : memref<16x8x256xf32, #tpu.memory_space<vmem>>, vector<1x1x16xf32>,
          %get3A_237 = vector.shape_cast %get3A_236 : vector<1x1x16xf32> to vector<16xf32>
          %add3A_238 = arith.addf %add3A_231, %get3A_237 : vector<16xf32>
          %get3A_239 = arith.constant 6 : i32
          %get3A_240 = arith.index_cast %get3A_239 : i32 to index
          %get3A_241 = arith.index_cast %select_n3A_180 : i32 to index
          %get3A_242 = arith.index_cast %mul3A_198 : i32 to index
          %get3A_243 = tpu.vector_load %arg5[%get3A_240, %get3A_241, %get3A_242] {strides = array<i32>} : memref<16x8x256xf32, #tpu.memory_space<vmem>>, vector<1x1x16xf32>,
          %get3A_244 = vector.shape_cast %get3A_243 : vector<1x1x16xf32> to vector<16xf32>
          %add3A_245 = arith.addf %add3A_238, %get3A_244 : vector<16xf32>
          %get3A_246 = arith.constant 7 : i32
          %get3A_247 = arith.index_cast %get3A_246 : i32 to index
          %get3A_248 = arith.index_cast %select_n3A_180 : i32 to index
          %get3A_249 = arith.index_cast %mul3A_198 : i32 to index
          %get3A_250 = tpu.vector_load %arg5[%get3A_247, %get3A_248, %get3A_249] {strides = array<i32>} : memref<16x8x256xf32, #tpu.memory_space<vmem>>, vector<1x1x16xf32>,
          %get3A_251 = vector.shape_cast %get3A_250 : vector<1x1x16xf32> to vector<16xf32>
          %add3A_252 = arith.addf %add3A_245, %get3A_251 : vector<16xf32>
          %get3A_253 = arith.constant 8 : i32
          %get3A_254 = arith.index_cast %get3A_253 : i32 to index
          %get3A_255 = arith.index_cast %select_n3A_180 : i32 to index
          %get3A_256 = arith.index_cast %mul3A_198 : i32 to index
          %get3A_257 = tpu.vector_load %arg5[%get3A_254, %get3A_255, %get3A_256] {strides = array<i32>} : memref<16x8x256xf32, #tpu.memory_space<vmem>>, vector<1x1x16xf32>,
          %get3A_258 = vector.shape_cast %get3A_257 : vector<1x1x16xf32> to vector<16xf32>
          %add3A_259 = arith.addf %add3A_252, %get3A_258 : vector<16xf32>
          %get3A_260 = arith.constant 9 : i32
          %get3A_261 = arith.index_cast %get3A_260 : i32 to index
          %get3A_262 = arith.index_cast %select_n3A_180 : i32 to index
          %get3A_263 = arith.index_cast %mul3A_198 : i32 to index
          %get3A_264 = tpu.vector_load %arg5[%get3A_261, %get3A_262, %get3A_263] {strides = array<i32>} : memref<16x8x256xf32, #tpu.memory_space<vmem>>, vector<1x1x16xf32>,
          %get3A_265 = vector.shape_cast %get3A_264 : vector<1x1x16xf32> to vector<16xf32>
          %add3A_266 = arith.addf %add3A_259, %get3A_265 : vector<16xf32>
          %get3A_267 = arith.constant 10 : i32
          %get3A_268 = arith.index_cast %get3A_267 : i32 to index
          %get3A_269 = arith.index_cast %select_n3A_180 : i32 to index
          %get3A_270 = arith.index_cast %mul3A_198 : i32 to index
          %get3A_271 = tpu.vector_load %arg5[%get3A_268, %get3A_269, %get3A_270] {strides = array<i32>} : memref<16x8x256xf32, #tpu.memory_space<vmem>>, vector<1x1x16xf32>,
          %get3A_272 = vector.shape_cast %get3A_271 : vector<1x1x16xf32> to vector<16xf32>
          %add3A_273 = arith.addf %add3A_266, %get3A_272 : vector<16xf32>
          %get3A_274 = arith.constant 11 : i32
          %get3A_275 = arith.index_cast %get3A_274 : i32 to index
          %get3A_276 = arith.index_cast %select_n3A_180 : i32 to index
          %get3A_277 = arith.index_cast %mul3A_198 : i32 to index
          %get3A_278 = tpu.vector_load %arg5[%get3A_275, %get3A_276, %get3A_277] {strides = array<i32>} : memref<16x8x256xf32, #tpu.memory_space<vmem>>, vector<1x1x16xf32>,
          %get3A_279 = vector.shape_cast %get3A_278 : vector<1x1x16xf32> to vector<16xf32>
          %add3A_280 = arith.addf %add3A_273, %get3A_279 : vector<16xf32>
          %get3A_281 = arith.constant 12 : i32
          %get3A_282 = arith.index_cast %get3A_281 : i32 to index
          %get3A_283 = arith.index_cast %select_n3A_180 : i32 to index
          %get3A_284 = arith.index_cast %mul3A_198 : i32 to index
          %get3A_285 = tpu.vector_load %arg5[%get3A_282, %get3A_283, %get3A_284] {strides = array<i32>} : memref<16x8x256xf32, #tpu.memory_space<vmem>>, vector<1x1x16xf32>,
          %get3A_286 = vector.shape_cast %get3A_285 : vector<1x1x16xf32> to vector<16xf32>
          %add3A_287 = arith.addf %add3A_280, %get3A_286 : vector<16xf32>
          %get3A_288 = arith.constant 13 : i32
          %get3A_289 = arith.index_cast %get3A_288 : i32 to index
          %get3A_290 = arith.index_cast %select_n3A_180 : i32 to index
          %get3A_291 = arith.index_cast %mul3A_198 : i32 to index
          %get3A_292 = tpu.vector_load %arg5[%get3A_289, %get3A_290, %get3A_291] {strides = array<i32>} : memref<16x8x256xf32, #tpu.memory_space<vmem>>, vector<1x1x16xf32>,
          %get3A_293 = vector.shape_cast %get3A_292 : vector<1x1x16xf32> to vector<16xf32>
          %add3A_294 = arith.addf %add3A_287, %get3A_293 : vector<16xf32>
          %get3A_295 = arith.constant 14 : i32
          %get3A_296 = arith.index_cast %get3A_295 : i32 to index
          %get3A_297 = arith.index_cast %select_n3A_180 : i32 to index
          %get3A_298 = arith.index_cast %mul3A_198 : i32 to index
          %get3A_299 = tpu.vector_load %arg5[%get3A_296, %get3A_297, %get3A_298] {strides = array<i32>} : memref<16x8x256xf32, #tpu.memory_space<vmem>>, vector<1x1x16xf32>,
          %get3A_300 = vector.shape_cast %get3A_299 : vector<1x1x16xf32> to vector<16xf32>
          %add3A_301 = arith.addf %add3A_294, %get3A_300 : vector<16xf32>
          %get3A_302 = arith.constant 15 : i32
          %get3A_303 = arith.index_cast %get3A_302 : i32 to index
          %get3A_304 = arith.index_cast %select_n3A_180 : i32 to index
          %get3A_305 = arith.index_cast %mul3A_198 : i32 to index
          %get3A_306 = tpu.vector_load %arg5[%get3A_303, %get3A_304, %get3A_305] {strides = array<i32>} : memref<16x8x256xf32, #tpu.memory_space<vmem>>, vector<1x1x16xf32>,
          %get3A_307 = vector.shape_cast %get3A_306 : vector<1x1x16xf32> to vector<16xf32>
          %add3A_308 = arith.addf %add3A_301, %get3A_307 : vector<16xf32>
          %swap3A = arith.index_cast %select_n3A_180 : i32 to index
          %swap3A_309 = arith.index_cast %mul3A_198 : i32 to index
          %swap3A_310 = tpu.vector_load %arg7[%swap3A, %swap3A_309] {strides = array<i32>} : memref<8x256xf32, #tpu.memory_space<vmem>>, vector<1x16xf32>,
          %swap3A_311 = vector.shape_cast %swap3A_310 : vector<1x16xf32> to vector<16xf32>
          %swap3A_312 = vector.shape_cast %add3A_308 : vector<16xf32> to vector<1x16xf32>
          tpu.vector_store %arg7[%swap3A, %swap3A_309], %swap3A_312 {strides = array<i32>} : memref<8x256xf32, #tpu.memory_space<vmem>>, vector<1x16xf32>,
          %scan3A_313 = arith.constant 1 : i32
          %scan3A_314 = arith.addi %scan3A_156, %scan3A_313 : i32
          %jit3A_315 = arith.constant 16 : i32
          %div3A_316 = arith.divsi %scan3A_314, %jit3A_315 : i32
          %sign3A_317 = arith.constant 0 : i32
          %sign3A_318 = arith.cmpi sgt, %scan3A_314, %sign3A_317 : i32
          %sign3A_319 = arith.extui %sign3A_318 : i1 to i32
          %sign3A_320 = arith.constant 0 : i32
          %sign3A_321 = arith.cmpi slt, %scan3A_314, %sign3A_320 : i32
          %sign3A_322 = arith.extui %sign3A_321 : i1 to i32
          %sign3A_323 = arith.subi %sign3A_319, %sign3A_322 : i32
          %sign3A_324 = arith.constant 0 : i32
          %sign3A_325 = arith.cmpi sgt, %jit3A_315, %sign3A_324 : i32
          %sign3A_326 = arith.extui %sign3A_325 : i1 to i32
          %sign3A_327 = arith.constant 0 : i32
          %sign3A_328 = arith.cmpi slt, %jit3A_315, %sign3A_327 : i32
          %sign3A_329 = arith.extui %sign3A_328 : i1 to i32
          %sign3A_330 = arith.subi %sign3A_326, %sign3A_329 : i32
          %ne3A_331 = arith.cmpi ne, %sign3A_323, %sign3A_330 : i32
          %rem3A_332 = arith.remsi %scan3A_314, %jit3A_315 : i32
          %ne3A_333 = arith.constant 0 : i32
          %ne3A_334 = arith.cmpi ne, %rem3A_332, %ne3A_333 : i32
          %and3A_335 = arith.andi %ne3A_331, %ne3A_334 : i1
          %sub3A_336 = arith.constant 1 : i32
          %sub3A_337 = arith.subi %div3A_316, %sub3A_336 : i32
          %select_n3A_338 = arith.select %and3A_335, %sub3A_337, %div3A_316 : i32
          %jit3A_339 = arith.constant 16 : i32
          %eq3A_340 = arith.constant 0 : i32
          %eq3A_341 = arith.cmpi eq, %jit3A_339, %eq3A_340 : i32
          %jit3A_342 = arith.constant 1 : i32
          %select_n3A_343 = arith.select %eq3A_341, %jit3A_342, %jit3A_339 : i32
          %rem3A_344 = arith.remsi %scan3A_314, %select_n3A_343 : i32
          %ne3A_345 = arith.constant 0 : i32
          %ne3A_346 = arith.cmpi ne, %rem3A_344, %ne3A_345 : i32
          %lt3A_347 = arith.constant 0 : i32
          %lt3A_348 = arith.cmpi slt, %rem3A_344, %lt3A_347 : i32
          %lt3A_349 = arith.constant 0 : i32
          %lt3A_350 = arith.cmpi slt, %select_n3A_343, %lt3A_349 : i32
          %ne3A_351 = arith.xori %lt3A_348, %lt3A_350 : i1
          %and3A_352 = arith.andi %ne3A_351, %ne3A_346 : i1
          %add3A_353 = arith.addi %rem3A_344, %select_n3A_343 : i32
          %select_n3A_354 = arith.select %and3A_352, %add3A_353, %rem3A_344 : i32
          %mul3A_355 = arith.constant 16 : i32
          %mul3A_356 = arith.muli %select_n3A_354, %mul3A_355 : i32
          %get3A_357 = arith.constant 0 : i32
          %get3A_358 = arith.index_cast %get3A_357 : i32 to index
          %get3A_359 = arith.index_cast %select_n3A_338 : i32 to index
          %get3A_360 = arith.index_cast %mul3A_356 : i32 to index
          %get3A_361 = tpu.vector_load %arg5[%get3A_358, %get3A_359, %get3A_360] {strides = array<i32>} : memref<16x8x256xf32, #tpu.memory_space<vmem>>, vector<1x1x16xf32>,
          %get3A_362 = vector.shape_cast %get3A_361 : vector<1x1x16xf32> to vector<16xf32>
          %get3A_363 = arith.constant 1 : i32
          %get3A_364 = arith.index_cast %get3A_363 : i32 to index
          %get3A_365 = arith.index_cast %select_n3A_338 : i32 to index
          %get3A_366 = arith.index_cast %mul3A_356 : i32 to index
          %get3A_367 = tpu.vector_load %arg5[%get3A_364, %get3A_365, %get3A_366] {strides = array<i32>} : memref<16x8x256xf32, #tpu.memory_space<vmem>>, vector<1x1x16xf32>,
          %get3A_368 = vector.shape_cast %get3A_367 : vector<1x1x16xf32> to vector<16xf32>
          %add3A_369 = arith.addf %get3A_362, %get3A_368 : vector<16xf32>
          %get3A_370 = arith.constant 2 : i32
          %get3A_371 = arith.index_cast %get3A_370 : i32 to index
          %get3A_372 = arith.index_cast %select_n3A_338 : i32 to index
          %get3A_373 = arith.index_cast %mul3A_356 : i32 to index
          %get3A_374 = tpu.vector_load %arg5[%get3A_371, %get3A_372, %get3A_373] {strides = array<i32>} : memref<16x8x256xf32, #tpu.memory_space<vmem>>, vector<1x1x16xf32>,
          %get3A_375 = vector.shape_cast %get3A_374 : vector<1x1x16xf32> to vector<16xf32>
          %add3A_376 = arith.addf %add3A_369, %get3A_375 : vector<16xf32>
          %get3A_377 = arith.constant 3 : i32
          %get3A_378 = arith.index_cast %get3A_377 : i32 to index
          %get3A_379 = arith.index_cast %select_n3A_338 : i32 to index
          %get3A_380 = arith.index_cast %mul3A_356 : i32 to index
          %get3A_381 = tpu.vector_load %arg5[%get3A_378, %get3A_379, %get3A_380] {strides = array<i32>} : memref<16x8x256xf32, #tpu.memory_space<vmem>>, vector<1x1x16xf32>,
          %get3A_382 = vector.shape_cast %get3A_381 : vector<1x1x16xf32> to vector<16xf32>
          %add3A_383 = arith.addf %add3A_376, %get3A_382 : vector<16xf32>
          %get3A_384 = arith.constant 4 : i32
          %get3A_385 = arith.index_cast %get3A_384 : i32 to index
          %get3A_386 = arith.index_cast %select_n3A_338 : i32 to index
          %get3A_387 = arith.index_cast %mul3A_356 : i32 to index
          %get3A_388 = tpu.vector_load %arg5[%get3A_385, %get3A_386, %get3A_387] {strides = array<i32>} : memref<16x8x256xf32, #tpu.memory_space<vmem>>, vector<1x1x16xf32>,
          %get3A_389 = vector.shape_cast %get3A_388 : vector<1x1x16xf32> to vector<16xf32>
          %add3A_390 = arith.addf %add3A_383, %get3A_389 : vector<16xf32>
          %get3A_391 = arith.constant 5 : i32
          %get3A_392 = arith.index_cast %get3A_391 : i32 to index
          %get3A_393 = arith.index_cast %select_n3A_338 : i32 to index
          %get3A_394 = arith.index_cast %mul3A_356 : i32 to index
          %get3A_395 = tpu.vector_load %arg5[%get3A_392, %get3A_393, %get3A_394] {strides = array<i32>} : memref<16x8x256xf32, #tpu.memory_space<vmem>>, vector<1x1x16xf32>,
          %get3A_396 = vector.shape_cast %get3A_395 : vector<1x1x16xf32> to vector<16xf32>
          %add3A_397 = arith.addf %add3A_390, %get3A_396 : vector<16xf32>
          %get3A_398 = arith.constant 6 : i32
          %get3A_399 = arith.index_cast %get3A_398 : i32 to index
          %get3A_400 = arith.index_cast %select_n3A_338 : i32 to index
          %get3A_401 = arith.index_cast %mul3A_356 : i32 to index
          %get3A_402 = tpu.vector_load %arg5[%get3A_399, %get3A_400, %get3A_401] {strides = array<i32>} : memref<16x8x256xf32, #tpu.memory_space<vmem>>, vector<1x1x16xf32>,
          %get3A_403 = vector.shape_cast %get3A_402 : vector<1x1x16xf32> to vector<16xf32>
          %add3A_404 = arith.addf %add3A_397, %get3A_403 : vector<16xf32>
          %get3A_405 = arith.constant 7 : i32
          %get3A_406 = arith.index_cast %get3A_405 : i32 to index
          %get3A_407 = arith.index_cast %select_n3A_338 : i32 to index
          %get3A_408 = arith.index_cast %mul3A_356 : i32 to index
          %get3A_409 = tpu.vector_load %arg5[%get3A_406, %get3A_407, %get3A_408] {strides = array<i32>} : memref<16x8x256xf32, #tpu.memory_space<vmem>>, vector<1x1x16xf32>,
          %get3A_410 = vector.shape_cast %get3A_409 : vector<1x1x16xf32> to vector<16xf32>
          %add3A_411 = arith.addf %add3A_404, %get3A_410 : vector<16xf32>
          %get3A_412 = arith.constant 8 : i32
          %get3A_413 = arith.index_cast %get3A_412 : i32 to index
          %get3A_414 = arith.index_cast %select_n3A_338 : i32 to index
          %get3A_415 = arith.index_cast %mul3A_356 : i32 to index
          %get3A_416 = tpu.vector_load %arg5[%get3A_413, %get3A_414, %get3A_415] {strides = array<i32>} : memref<16x8x256xf32, #tpu.memory_space<vmem>>, vector<1x1x16xf32>,
          %get3A_417 = vector.shape_cast %get3A_416 : vector<1x1x16xf32> to vector<16xf32>
          %add3A_418 = arith.addf %add3A_411, %get3A_417 : vector<16xf32>
          %get3A_419 = arith.constant 9 : i32
          %get3A_420 = arith.index_cast %get3A_419 : i32 to index
          %get3A_421 = arith.index_cast %select_n3A_338 : i32 to index
          %get3A_422 = arith.index_cast %mul3A_356 : i32 to index
          %get3A_423 = tpu.vector_load %arg5[%get3A_420, %get3A_421, %get3A_422] {strides = array<i32>} : memref<16x8x256xf32, #tpu.memory_space<vmem>>, vector<1x1x16xf32>,
          %get3A_424 = vector.shape_cast %get3A_423 : vector<1x1x16xf32> to vector<16xf32>
          %add3A_425 = arith.addf %add3A_418, %get3A_424 : vector<16xf32>
          %get3A_426 = arith.constant 10 : i32
          %get3A_427 = arith.index_cast %get3A_426 : i32 to index
          %get3A_428 = arith.index_cast %select_n3A_338 : i32 to index
          %get3A_429 = arith.index_cast %mul3A_356 : i32 to index
          %get3A_430 = tpu.vector_load %arg5[%get3A_427, %get3A_428, %get3A_429] {strides = array<i32>} : memref<16x8x256xf32, #tpu.memory_space<vmem>>, vector<1x1x16xf32>,
          %get3A_431 = vector.shape_cast %get3A_430 : vector<1x1x16xf32> to vector<16xf32>
          %add3A_432 = arith.addf %add3A_425, %get3A_431 : vector<16xf32>
          %get3A_433 = arith.constant 11 : i32
          %get3A_434 = arith.index_cast %get3A_433 : i32 to index
          %get3A_435 = arith.index_cast %select_n3A_338 : i32 to index
          %get3A_436 = arith.index_cast %mul3A_356 : i32 to index
          %get3A_437 = tpu.vector_load %arg5[%get3A_434, %get3A_435, %get3A_436] {strides = array<i32>} : memref<16x8x256xf32, #tpu.memory_space<vmem>>, vector<1x1x16xf32>,
          %get3A_438 = vector.shape_cast %get3A_437 : vector<1x1x16xf32> to vector<16xf32>
          %add3A_439 = arith.addf %add3A_432, %get3A_438 : vector<16xf32>
          %get3A_440 = arith.constant 12 : i32
          %get3A_441 = arith.index_cast %get3A_440 : i32 to index
          %get3A_442 = arith.index_cast %select_n3A_338 : i32 to index
          %get3A_443 = arith.index_cast %mul3A_356 : i32 to index
          %get3A_444 = tpu.vector_load %arg5[%get3A_441, %get3A_442, %get3A_443] {strides = array<i32>} : memref<16x8x256xf32, #tpu.memory_space<vmem>>, vector<1x1x16xf32>,
          %get3A_445 = vector.shape_cast %get3A_444 : vector<1x1x16xf32> to vector<16xf32>
          %add3A_446 = arith.addf %add3A_439, %get3A_445 : vector<16xf32>
          %get3A_447 = arith.constant 13 : i32
          %get3A_448 = arith.index_cast %get3A_447 : i32 to index
          %get3A_449 = arith.index_cast %select_n3A_338 : i32 to index
          %get3A_450 = arith.index_cast %mul3A_356 : i32 to index
          %get3A_451 = tpu.vector_load %arg5[%get3A_448, %get3A_449, %get3A_450] {strides = array<i32>} : memref<16x8x256xf32, #tpu.memory_space<vmem>>, vector<1x1x16xf32>,
          %get3A_452 = vector.shape_cast %get3A_451 : vector<1x1x16xf32> to vector<16xf32>
          %add3A_453 = arith.addf %add3A_446, %get3A_452 : vector<16xf32>
          %get3A_454 = arith.constant 14 : i32
          %get3A_455 = arith.index_cast %get3A_454 : i32 to index
          %get3A_456 = arith.index_cast %select_n3A_338 : i32 to index
          %get3A_457 = arith.index_cast %mul3A_356 : i32 to index
          %get3A_458 = tpu.vector_load %arg5[%get3A_455, %get3A_456, %get3A_457] {strides = array<i32>} : memref<16x8x256xf32, #tpu.memory_space<vmem>>, vector<1x1x16xf32>,
          %get3A_459 = vector.shape_cast %get3A_458 : vector<1x1x16xf32> to vector<16xf32>
          %add3A_460 = arith.addf %add3A_453, %get3A_459 : vector<16xf32>
          %get3A_461 = arith.constant 15 : i32
          %get3A_462 = arith.index_cast %get3A_461 : i32 to index
          %get3A_463 = arith.index_cast %select_n3A_338 : i32 to index
          %get3A_464 = arith.index_cast %mul3A_356 : i32 to index
          %get3A_465 = tpu.vector_load %arg5[%get3A_462, %get3A_463, %get3A_464] {strides = array<i32>} : memref<16x8x256xf32, #tpu.memory_space<vmem>>, vector<1x1x16xf32>,
          %get3A_466 = vector.shape_cast %get3A_465 : vector<1x1x16xf32> to vector<16xf32>
          %add3A_467 = arith.addf %add3A_460, %get3A_466 : vector<16xf32>
          %swap3A_468 = arith.index_cast %select_n3A_338 : i32 to index
          %swap3A_469 = arith.index_cast %mul3A_356 : i32 to index
          %swap3A_470 = tpu.vector_load %arg7[%swap3A_468, %swap3A_469] {strides = array<i32>} : memref<8x256xf32, #tpu.memory_space<vmem>>, vector<1x16xf32>,
          %swap3A_471 = vector.shape_cast %swap3A_470 : vector<1x16xf32> to vector<16xf32>
          %swap3A_472 = vector.shape_cast %add3A_467 : vector<16xf32> to vector<1x16xf32>
          tpu.vector_store %arg7[%swap3A_468, %swap3A_469], %swap3A_472 {strides = array<i32>} : memref<8x256xf32, #tpu.memory_space<vmem>>, vector<1x16xf32>,
          %scan3A_473 = arith.constant 2 : i32
          %scan3A_474 = arith.addi %scan3A_156, %scan3A_473 : i32
          %jit3A_475 = arith.constant 16 : i32
          %div3A_476 = arith.divsi %scan3A_474, %jit3A_475 : i32
          %sign3A_477 = arith.constant 0 : i32
          %sign3A_478 = arith.cmpi sgt, %scan3A_474, %sign3A_477 : i32
          %sign3A_479 = arith.extui %sign3A_478 : i1 to i32
          %sign3A_480 = arith.constant 0 : i32
          %sign3A_481 = arith.cmpi slt, %scan3A_474, %sign3A_480 : i32
          %sign3A_482 = arith.extui %sign3A_481 : i1 to i32
          %sign3A_483 = arith.subi %sign3A_479, %sign3A_482 : i32
          %sign3A_484 = arith.constant 0 : i32
          %sign3A_485 = arith.cmpi sgt, %jit3A_475, %sign3A_484 : i32
          %sign3A_486 = arith.extui %sign3A_485 : i1 to i32
          %sign3A_487 = arith.constant 0 : i32
          %sign3A_488 = arith.cmpi slt, %jit3A_475, %sign3A_487 : i32
          %sign3A_489 = arith.extui %sign3A_488 : i1 to i32
          %sign3A_490 = arith.subi %sign3A_486, %sign3A_489 : i32
          %ne3A_491 = arith.cmpi ne, %sign3A_483, %sign3A_490 : i32
          %rem3A_492 = arith.remsi %scan3A_474, %jit3A_475 : i32
          %ne3A_493 = arith.constant 0 : i32
          %ne3A_494 = arith.cmpi ne, %rem3A_492, %ne3A_493 : i32
          %and3A_495 = arith.andi %ne3A_491, %ne3A_494 : i1
          %sub3A_496 = arith.constant 1 : i32
          %sub3A_497 = arith.subi %div3A_476, %sub3A_496 : i32
          %select_n3A_498 = arith.select %and3A_495, %sub3A_497, %div3A_476 : i32
          %jit3A_499 = arith.constant 16 : i32
          %eq3A_500 = arith.constant 0 : i32
          %eq3A_501 = arith.cmpi eq, %jit3A_499, %eq3A_500 : i32
          %jit3A_502 = arith.constant 1 : i32
          %select_n3A_503 = arith.select %eq3A_501, %jit3A_502, %jit3A_499 : i32
          %rem3A_504 = arith.remsi %scan3A_474, %select_n3A_503 : i32
          %ne3A_505 = arith.constant 0 : i32
          %ne3A_506 = arith.cmpi ne, %rem3A_504, %ne3A_505 : i32
          %lt3A_507 = arith.constant 0 : i32
          %lt3A_508 = arith.cmpi slt, %rem3A_504, %lt3A_507 : i32
          %lt3A_509 = arith.constant 0 : i32
          %lt3A_510 = arith.cmpi slt, %select_n3A_503, %lt3A_509 : i32
          %ne3A_511 = arith.xori %lt3A_508, %lt3A_510 : i1
          %and3A_512 = arith.andi %ne3A_511, %ne3A_506 : i1
          %add3A_513 = arith.addi %rem3A_504, %select_n3A_503 : i32
          %select_n3A_514 = arith.select %and3A_512, %add3A_513, %rem3A_504 : i32
          %mul3A_515 = arith.constant 16 : i32
          %mul3A_516 = arith.muli %select_n3A_514, %mul3A_515 : i32
          %get3A_517 = arith.constant 0 : i32
          %get3A_518 = arith.index_cast %get3A_517 : i32 to index
          %get3A_519 = arith.index_cast %select_n3A_498 : i32 to index
          %get3A_520 = arith.index_cast %mul3A_516 : i32 to index
          %get3A_521 = tpu.vector_load %arg5[%get3A_518, %get3A_519, %get3A_520] {strides = array<i32>} : memref<16x8x256xf32, #tpu.memory_space<vmem>>, vector<1x1x16xf32>,
          %get3A_522 = vector.shape_cast %get3A_521 : vector<1x1x16xf32> to vector<16xf32>
          %get3A_523 = arith.constant 1 : i32
          %get3A_524 = arith.index_cast %get3A_523 : i32 to index
          %get3A_525 = arith.index_cast %select_n3A_498 : i32 to index
          %get3A_526 = arith.index_cast %mul3A_516 : i32 to index
          %get3A_527 = tpu.vector_load %arg5[%get3A_524, %get3A_525, %get3A_526] {strides = array<i32>} : memref<16x8x256xf32, #tpu.memory_space<vmem>>, vector<1x1x16xf32>,
          %get3A_528 = vector.shape_cast %get3A_527 : vector<1x1x16xf32> to vector<16xf32>
          %add3A_529 = arith.addf %get3A_522, %get3A_528 : vector<16xf32>
          %get3A_530 = arith.constant 2 : i32
          %get3A_531 = arith.index_cast %get3A_530 : i32 to index
          %get3A_532 = arith.index_cast %select_n3A_498 : i32 to index
          %get3A_533 = arith.index_cast %mul3A_516 : i32 to index
          %get3A_534 = tpu.vector_load %arg5[%get3A_531, %get3A_532, %get3A_533] {strides = array<i32>} : memref<16x8x256xf32, #tpu.memory_space<vmem>>, vector<1x1x16xf32>,
          %get3A_535 = vector.shape_cast %get3A_534 : vector<1x1x16xf32> to vector<16xf32>
          %add3A_536 = arith.addf %add3A_529, %get3A_535 : vector<16xf32>
          %get3A_537 = arith.constant 3 : i32
          %get3A_538 = arith.index_cast %get3A_537 : i32 to index
          %get3A_539 = arith.index_cast %select_n3A_498 : i32 to index
          %get3A_540 = arith.index_cast %mul3A_516 : i32 to index
          %get3A_541 = tpu.vector_load %arg5[%get3A_538, %get3A_539, %get3A_540] {strides = array<i32>} : memref<16x8x256xf32, #tpu.memory_space<vmem>>, vector<1x1x16xf32>,
          %get3A_542 = vector.shape_cast %get3A_541 : vector<1x1x16xf32> to vector<16xf32>
          %add3A_543 = arith.addf %add3A_536, %get3A_542 : vector<16xf32>
          %get3A_544 = arith.constant 4 : i32
          %get3A_545 = arith.index_cast %get3A_544 : i32 to index
          %get3A_546 = arith.index_cast %select_n3A_498 : i32 to index
          %get3A_547 = arith.index_cast %mul3A_516 : i32 to index
          %get3A_548 = tpu.vector_load %arg5[%get3A_545, %get3A_546, %get3A_547] {strides = array<i32>} : memref<16x8x256xf32, #tpu.memory_space<vmem>>, vector<1x1x16xf32>,
          %get3A_549 = vector.shape_cast %get3A_548 : vector<1x1x16xf32> to vector<16xf32>
          %add3A_550 = arith.addf %add3A_543, %get3A_549 : vector<16xf32>
          %get3A_551 = arith.constant 5 : i32
          %get3A_552 = arith.index_cast %get3A_551 : i32 to index
          %get3A_553 = arith.index_cast %select_n3A_498 : i32 to index
          %get3A_554 = arith.index_cast %mul3A_516 : i32 to index
          %get3A_555 = tpu.vector_load %arg5[%get3A_552, %get3A_553, %get3A_554] {strides = array<i32>} : memref<16x8x256xf32, #tpu.memory_space<vmem>>, vector<1x1x16xf32>,
          %get3A_556 = vector.shape_cast %get3A_555 : vector<1x1x16xf32> to vector<16xf32>
          %add3A_557 = arith.addf %add3A_550, %get3A_556 : vector<16xf32>
          %get3A_558 = arith.constant 6 : i32
          %get3A_559 = arith.index_cast %get3A_558 : i32 to index
          %get3A_560 = arith.index_cast %select_n3A_498 : i32 to index
          %get3A_561 = arith.index_cast %mul3A_516 : i32 to index
          %get3A_562 = tpu.vector_load %arg5[%get3A_559, %get3A_560, %get3A_561] {strides = array<i32>} : memref<16x8x256xf32, #tpu.memory_space<vmem>>, vector<1x1x16xf32>,
          %get3A_563 = vector.shape_cast %get3A_562 : vector<1x1x16xf32> to vector<16xf32>
          %add3A_564 = arith.addf %add3A_557, %get3A_563 : vector<16xf32>
          %get3A_565 = arith.constant 7 : i32
          %get3A_566 = arith.index_cast %get3A_565 : i32 to index
          %get3A_567 = arith.index_cast %select_n3A_498 : i32 to index
          %get3A_568 = arith.index_cast %mul3A_516 : i32 to index
          %get3A_569 = tpu.vector_load %arg5[%get3A_566, %get3A_567, %get3A_568] {strides = array<i32>} : memref<16x8x256xf32, #tpu.memory_space<vmem>>, vector<1x1x16xf32>,
          %get3A_570 = vector.shape_cast %get3A_569 : vector<1x1x16xf32> to vector<16xf32>
          %add3A_571 = arith.addf %add3A_564, %get3A_570 : vector<16xf32>
          %get3A_572 = arith.constant 8 : i32
          %get3A_573 = arith.index_cast %get3A_572 : i32 to index
          %get3A_574 = arith.index_cast %select_n3A_498 : i32 to index
          %get3A_575 = arith.index_cast %mul3A_516 : i32 to index
          %get3A_576 = tpu.vector_load %arg5[%get3A_573, %get3A_574, %get3A_575] {strides = array<i32>} : memref<16x8x256xf32, #tpu.memory_space<vmem>>, vector<1x1x16xf32>,
          %get3A_577 = vector.shape_cast %get3A_576 : vector<1x1x16xf32> to vector<16xf32>
          %add3A_578 = arith.addf %add3A_571, %get3A_577 : vector<16xf32>
          %get3A_579 = arith.constant 9 : i32
          %get3A_580 = arith.index_cast %get3A_579 : i32 to index
          %get3A_581 = arith.index_cast %select_n3A_498 : i32 to index
          %get3A_582 = arith.index_cast %mul3A_516 : i32 to index
          %get3A_583 = tpu.vector_load %arg5[%get3A_580, %get3A_581, %get3A_582] {strides = array<i32>} : memref<16x8x256xf32, #tpu.memory_space<vmem>>, vector<1x1x16xf32>,
          %get3A_584 = vector.shape_cast %get3A_583 : vector<1x1x16xf32> to vector<16xf32>
          %add3A_585 = arith.addf %add3A_578, %get3A_584 : vector<16xf32>
          %get3A_586 = arith.constant 10 : i32
          %get3A_587 = arith.index_cast %get3A_586 : i32 to index
          %get3A_588 = arith.index_cast %select_n3A_498 : i32 to index
          %get3A_589 = arith.index_cast %mul3A_516 : i32 to index
          %get3A_590 = tpu.vector_load %arg5[%get3A_587, %get3A_588, %get3A_589] {strides = array<i32>} : memref<16x8x256xf32, #tpu.memory_space<vmem>>, vector<1x1x16xf32>,
          %get3A_591 = vector.shape_cast %get3A_590 : vector<1x1x16xf32> to vector<16xf32>
          %add3A_592 = arith.addf %add3A_585, %get3A_591 : vector<16xf32>
          %get3A_593 = arith.constant 11 : i32
          %get3A_594 = arith.index_cast %get3A_593 : i32 to index
          %get3A_595 = arith.index_cast %select_n3A_498 : i32 to index
          %get3A_596 = arith.index_cast %mul3A_516 : i32 to index
          %get3A_597 = tpu.vector_load %arg5[%get3A_594, %get3A_595, %get3A_596] {strides = array<i32>} : memref<16x8x256xf32, #tpu.memory_space<vmem>>, vector<1x1x16xf32>,
          %get3A_598 = vector.shape_cast %get3A_597 : vector<1x1x16xf32> to vector<16xf32>
          %add3A_599 = arith.addf %add3A_592, %get3A_598 : vector<16xf32>
          %get3A_600 = arith.constant 12 : i32
          %get3A_601 = arith.index_cast %get3A_600 : i32 to index
          %get3A_602 = arith.index_cast %select_n3A_498 : i32 to index
          %get3A_603 = arith.index_cast %mul3A_516 : i32 to index
          %get3A_604 = tpu.vector_load %arg5[%get3A_601, %get3A_602, %get3A_603] {strides = array<i32>} : memref<16x8x256xf32, #tpu.memory_space<vmem>>, vector<1x1x16xf32>,
          %get3A_605 = vector.shape_cast %get3A_604 : vector<1x1x16xf32> to vector<16xf32>
          %add3A_606 = arith.addf %add3A_599, %get3A_605 : vector<16xf32>
          %get3A_607 = arith.constant 13 : i32
          %get3A_608 = arith.index_cast %get3A_607 : i32 to index
          %get3A_609 = arith.index_cast %select_n3A_498 : i32 to index
          %get3A_610 = arith.index_cast %mul3A_516 : i32 to index
          %get3A_611 = tpu.vector_load %arg5[%get3A_608, %get3A_609, %get3A_610] {strides = array<i32>} : memref<16x8x256xf32, #tpu.memory_space<vmem>>, vector<1x1x16xf32>,
          %get3A_612 = vector.shape_cast %get3A_611 : vector<1x1x16xf32> to vector<16xf32>
          %add3A_613 = arith.addf %add3A_606, %get3A_612 : vector<16xf32>
          %get3A_614 = arith.constant 14 : i32
          %get3A_615 = arith.index_cast %get3A_614 : i32 to index
          %get3A_616 = arith.index_cast %select_n3A_498 : i32 to index
          %get3A_617 = arith.index_cast %mul3A_516 : i32 to index
          %get3A_618 = tpu.vector_load %arg5[%get3A_615, %get3A_616, %get3A_617] {strides = array<i32>} : memref<16x8x256xf32, #tpu.memory_space<vmem>>, vector<1x1x16xf32>,
          %get3A_619 = vector.shape_cast %get3A_618 : vector<1x1x16xf32> to vector<16xf32>
          %add3A_620 = arith.addf %add3A_613, %get3A_619 : vector<16xf32>
          %get3A_621 = arith.constant 15 : i32
          %get3A_622 = arith.index_cast %get3A_621 : i32 to index
          %get3A_623 = arith.index_cast %select_n3A_498 : i32 to index
          %get3A_624 = arith.index_cast %mul3A_516 : i32 to index
          %get3A_625 = tpu.vector_load %arg5[%get3A_622, %get3A_623, %get3A_624] {strides = array<i32>} : memref<16x8x256xf32, #tpu.memory_space<vmem>>, vector<1x1x16xf32>,
          %get3A_626 = vector.shape_cast %get3A_625 : vector<1x1x16xf32> to vector<16xf32>
          %add3A_627 = arith.addf %add3A_620, %get3A_626 : vector<16xf32>
          %swap3A_628 = arith.index_cast %select_n3A_498 : i32 to index
          %swap3A_629 = arith.index_cast %mul3A_516 : i32 to index
          %swap3A_630 = tpu.vector_load %arg7[%swap3A_628, %swap3A_629] {strides = array<i32>} : memref<8x256xf32, #tpu.memory_space<vmem>>, vector<1x16xf32>,
          %swap3A_631 = vector.shape_cast %swap3A_630 : vector<1x16xf32> to vector<16xf32>
          %swap3A_632 = vector.shape_cast %add3A_627 : vector<16xf32> to vector<1x16xf32>
          tpu.vector_store %arg7[%swap3A_628, %swap3A_629], %swap3A_632 {strides = array<i32>} : memref<8x256xf32, #tpu.memory_space<vmem>>, vector<1x16xf32>,
          %scan3A_633 = arith.constant 3 : i32
          %scan3A_634 = arith.addi %scan3A_156, %scan3A_633 : i32
          %jit3A_635 = arith.constant 16 : i32
          %div3A_636 = arith.divsi %scan3A_634, %jit3A_635 : i32
          %sign3A_637 = arith.constant 0 : i32
          %sign3A_638 = arith.cmpi sgt, %scan3A_634, %sign3A_637 : i32
          %sign3A_639 = arith.extui %sign3A_638 : i1 to i32
          %sign3A_640 = arith.constant 0 : i32
          %sign3A_641 = arith.cmpi slt, %scan3A_634, %sign3A_640 : i32
          %sign3A_642 = arith.extui %sign3A_641 : i1 to i32
          %sign3A_643 = arith.subi %sign3A_639, %sign3A_642 : i32
          %sign3A_644 = arith.constant 0 : i32
          %sign3A_645 = arith.cmpi sgt, %jit3A_635, %sign3A_644 : i32
          %sign3A_646 = arith.extui %sign3A_645 : i1 to i32
          %sign3A_647 = arith.constant 0 : i32
          %sign3A_648 = arith.cmpi slt, %jit3A_635, %sign3A_647 : i32
          %sign3A_649 = arith.extui %sign3A_648 : i1 to i32
          %sign3A_650 = arith.subi %sign3A_646, %sign3A_649 : i32
          %ne3A_651 = arith.cmpi ne, %sign3A_643, %sign3A_650 : i32
          %rem3A_652 = arith.remsi %scan3A_634, %jit3A_635 : i32
          %ne3A_653 = arith.constant 0 : i32
          %ne3A_654 = arith.cmpi ne, %rem3A_652, %ne3A_653 : i32
          %and3A_655 = arith.andi %ne3A_651, %ne3A_654 : i1
          %sub3A_656 = arith.constant 1 : i32
          %sub3A_657 = arith.subi %div3A_636, %sub3A_656 : i32
          %select_n3A_658 = arith.select %and3A_655, %sub3A_657, %div3A_636 : i32
          %jit3A_659 = arith.constant 16 : i32
          %eq3A_660 = arith.constant 0 : i32
          %eq3A_661 = arith.cmpi eq, %jit3A_659, %eq3A_660 : i32
          %jit3A_662 = arith.constant 1 : i32
          %select_n3A_663 = arith.select %eq3A_661, %jit3A_662, %jit3A_659 : i32
          %rem3A_664 = arith.remsi %scan3A_634, %select_n3A_663 : i32
          %ne3A_665 = arith.constant 0 : i32
          %ne3A_666 = arith.cmpi ne, %rem3A_664, %ne3A_665 : i32
          %lt3A_667 = arith.constant 0 : i32
          %lt3A_668 = arith.cmpi slt, %rem3A_664, %lt3A_667 : i32
          %lt3A_669 = arith.constant 0 : i32
          %lt3A_670 = arith.cmpi slt, %select_n3A_663, %lt3A_669 : i32
          %ne3A_671 = arith.xori %lt3A_668, %lt3A_670 : i1
          %and3A_672 = arith.andi %ne3A_671, %ne3A_666 : i1
          %add3A_673 = arith.addi %rem3A_664, %select_n3A_663 : i32
          %select_n3A_674 = arith.select %and3A_672, %add3A_673, %rem3A_664 : i32
          %mul3A_675 = arith.constant 16 : i32
          %mul3A_676 = arith.muli %select_n3A_674, %mul3A_675 : i32
          %get3A_677 = arith.constant 0 : i32
          %get3A_678 = arith.index_cast %get3A_677 : i32 to index
          %get3A_679 = arith.index_cast %select_n3A_658 : i32 to index
          %get3A_680 = arith.index_cast %mul3A_676 : i32 to index
          %get3A_681 = tpu.vector_load %arg5[%get3A_678, %get3A_679, %get3A_680] {strides = array<i32>} : memref<16x8x256xf32, #tpu.memory_space<vmem>>, vector<1x1x16xf32>,
          %get3A_682 = vector.shape_cast %get3A_681 : vector<1x1x16xf32> to vector<16xf32>
          %get3A_683 = arith.constant 1 : i32
          %get3A_684 = arith.index_cast %get3A_683 : i32 to index
          %get3A_685 = arith.index_cast %select_n3A_658 : i32 to index
          %get3A_686 = arith.index_cast %mul3A_676 : i32 to index
          %get3A_687 = tpu.vector_load %arg5[%get3A_684, %get3A_685, %get3A_686] {strides = array<i32>} : memref<16x8x256xf32, #tpu.memory_space<vmem>>, vector<1x1x16xf32>,
          %get3A_688 = vector.shape_cast %get3A_687 : vector<1x1x16xf32> to vector<16xf32>
          %add3A_689 = arith.addf %get3A_682, %get3A_688 : vector<16xf32>
          %get3A_690 = arith.constant 2 : i32
          %get3A_691 = arith.index_cast %get3A_690 : i32 to index
          %get3A_692 = arith.index_cast %select_n3A_658 : i32 to index
          %get3A_693 = arith.index_cast %mul3A_676 : i32 to index
          %get3A_694 = tpu.vector_load %arg5[%get3A_691, %get3A_692, %get3A_693] {strides = array<i32>} : memref<16x8x256xf32, #tpu.memory_space<vmem>>, vector<1x1x16xf32>,
          %get3A_695 = vector.shape_cast %get3A_694 : vector<1x1x16xf32> to vector<16xf32>
          %add3A_696 = arith.addf %add3A_689, %get3A_695 : vector<16xf32>
          %get3A_697 = arith.constant 3 : i32
          %get3A_698 = arith.index_cast %get3A_697 : i32 to index
          %get3A_699 = arith.index_cast %select_n3A_658 : i32 to index
          %get3A_700 = arith.index_cast %mul3A_676 : i32 to index
          %get3A_701 = tpu.vector_load %arg5[%get3A_698, %get3A_699, %get3A_700] {strides = array<i32>} : memref<16x8x256xf32, #tpu.memory_space<vmem>>, vector<1x1x16xf32>,
          %get3A_702 = vector.shape_cast %get3A_701 : vector<1x1x16xf32> to vector<16xf32>
          %add3A_703 = arith.addf %add3A_696, %get3A_702 : vector<16xf32>
          %get3A_704 = arith.constant 4 : i32
          %get3A_705 = arith.index_cast %get3A_704 : i32 to index
          %get3A_706 = arith.index_cast %select_n3A_658 : i32 to index
          %get3A_707 = arith.index_cast %mul3A_676 : i32 to index
          %get3A_708 = tpu.vector_load %arg5[%get3A_705, %get3A_706, %get3A_707] {strides = array<i32>} : memref<16x8x256xf32, #tpu.memory_space<vmem>>, vector<1x1x16xf32>,
          %get3A_709 = vector.shape_cast %get3A_708 : vector<1x1x16xf32> to vector<16xf32>
          %add3A_710 = arith.addf %add3A_703, %get3A_709 : vector<16xf32>
          %get3A_711 = arith.constant 5 : i32
          %get3A_712 = arith.index_cast %get3A_711 : i32 to index
          %get3A_713 = arith.index_cast %select_n3A_658 : i32 to index
          %get3A_714 = arith.index_cast %mul3A_676 : i32 to index
          %get3A_715 = tpu.vector_load %arg5[%get3A_712, %get3A_713, %get3A_714] {strides = array<i32>} : memref<16x8x256xf32, #tpu.memory_space<vmem>>, vector<1x1x16xf32>,
          %get3A_716 = vector.shape_cast %get3A_715 : vector<1x1x16xf32> to vector<16xf32>
          %add3A_717 = arith.addf %add3A_710, %get3A_716 : vector<16xf32>
          %get3A_718 = arith.constant 6 : i32
          %get3A_719 = arith.index_cast %get3A_718 : i32 to index
          %get3A_720 = arith.index_cast %select_n3A_658 : i32 to index
          %get3A_721 = arith.index_cast %mul3A_676 : i32 to index
          %get3A_722 = tpu.vector_load %arg5[%get3A_719, %get3A_720, %get3A_721] {strides = array<i32>} : memref<16x8x256xf32, #tpu.memory_space<vmem>>, vector<1x1x16xf32>,
          %get3A_723 = vector.shape_cast %get3A_722 : vector<1x1x16xf32> to vector<16xf32>
          %add3A_724 = arith.addf %add3A_717, %get3A_723 : vector<16xf32>
          %get3A_725 = arith.constant 7 : i32
          %get3A_726 = arith.index_cast %get3A_725 : i32 to index
          %get3A_727 = arith.index_cast %select_n3A_658 : i32 to index
          %get3A_728 = arith.index_cast %mul3A_676 : i32 to index
          %get3A_729 = tpu.vector_load %arg5[%get3A_726, %get3A_727, %get3A_728] {strides = array<i32>} : memref<16x8x256xf32, #tpu.memory_space<vmem>>, vector<1x1x16xf32>,
          %get3A_730 = vector.shape_cast %get3A_729 : vector<1x1x16xf32> to vector<16xf32>
          %add3A_731 = arith.addf %add3A_724, %get3A_730 : vector<16xf32>
          %get3A_732 = arith.constant 8 : i32
          %get3A_733 = arith.index_cast %get3A_732 : i32 to index
          %get3A_734 = arith.index_cast %select_n3A_658 : i32 to index
          %get3A_735 = arith.index_cast %mul3A_676 : i32 to index
          %get3A_736 = tpu.vector_load %arg5[%get3A_733, %get3A_734, %get3A_735] {strides = array<i32>} : memref<16x8x256xf32, #tpu.memory_space<vmem>>, vector<1x1x16xf32>,
          %get3A_737 = vector.shape_cast %get3A_736 : vector<1x1x16xf32> to vector<16xf32>
          %add3A_738 = arith.addf %add3A_731, %get3A_737 : vector<16xf32>
          %get3A_739 = arith.constant 9 : i32
          %get3A_740 = arith.index_cast %get3A_739 : i32 to index
          %get3A_741 = arith.index_cast %select_n3A_658 : i32 to index
          %get3A_742 = arith.index_cast %mul3A_676 : i32 to index
          %get3A_743 = tpu.vector_load %arg5[%get3A_740, %get3A_741, %get3A_742] {strides = array<i32>} : memref<16x8x256xf32, #tpu.memory_space<vmem>>, vector<1x1x16xf32>,
          %get3A_744 = vector.shape_cast %get3A_743 : vector<1x1x16xf32> to vector<16xf32>
          %add3A_745 = arith.addf %add3A_738, %get3A_744 : vector<16xf32>
          %get3A_746 = arith.constant 10 : i32
          %get3A_747 = arith.index_cast %get3A_746 : i32 to index
          %get3A_748 = arith.index_cast %select_n3A_658 : i32 to index
          %get3A_749 = arith.index_cast %mul3A_676 : i32 to index
          %get3A_750 = tpu.vector_load %arg5[%get3A_747, %get3A_748, %get3A_749] {strides = array<i32>} : memref<16x8x256xf32, #tpu.memory_space<vmem>>, vector<1x1x16xf32>,
          %get3A_751 = vector.shape_cast %get3A_750 : vector<1x1x16xf32> to vector<16xf32>
          %add3A_752 = arith.addf %add3A_745, %get3A_751 : vector<16xf32>
          %get3A_753 = arith.constant 11 : i32
          %get3A_754 = arith.index_cast %get3A_753 : i32 to index
          %get3A_755 = arith.index_cast %select_n3A_658 : i32 to index
          %get3A_756 = arith.index_cast %mul3A_676 : i32 to index
          %get3A_757 = tpu.vector_load %arg5[%get3A_754, %get3A_755, %get3A_756] {strides = array<i32>} : memref<16x8x256xf32, #tpu.memory_space<vmem>>, vector<1x1x16xf32>,
          %get3A_758 = vector.shape_cast %get3A_757 : vector<1x1x16xf32> to vector<16xf32>
          %add3A_759 = arith.addf %add3A_752, %get3A_758 : vector<16xf32>
          %get3A_760 = arith.constant 12 : i32
          %get3A_761 = arith.index_cast %get3A_760 : i32 to index
          %get3A_762 = arith.index_cast %select_n3A_658 : i32 to index
          %get3A_763 = arith.index_cast %mul3A_676 : i32 to index
          %get3A_764 = tpu.vector_load %arg5[%get3A_761, %get3A_762, %get3A_763] {strides = array<i32>} : memref<16x8x256xf32, #tpu.memory_space<vmem>>, vector<1x1x16xf32>,
          %get3A_765 = vector.shape_cast %get3A_764 : vector<1x1x16xf32> to vector<16xf32>
          %add3A_766 = arith.addf %add3A_759, %get3A_765 : vector<16xf32>
          %get3A_767 = arith.constant 13 : i32
          %get3A_768 = arith.index_cast %get3A_767 : i32 to index
          %get3A_769 = arith.index_cast %select_n3A_658 : i32 to index
          %get3A_770 = arith.index_cast %mul3A_676 : i32 to index
          %get3A_771 = tpu.vector_load %arg5[%get3A_768, %get3A_769, %get3A_770] {strides = array<i32>} : memref<16x8x256xf32, #tpu.memory_space<vmem>>, vector<1x1x16xf32>,
          %get3A_772 = vector.shape_cast %get3A_771 : vector<1x1x16xf32> to vector<16xf32>
          %add3A_773 = arith.addf %add3A_766, %get3A_772 : vector<16xf32>
          %get3A_774 = arith.constant 14 : i32
          %get3A_775 = arith.index_cast %get3A_774 : i32 to index
          %get3A_776 = arith.index_cast %select_n3A_658 : i32 to index
          %get3A_777 = arith.index_cast %mul3A_676 : i32 to index
          %get3A_778 = tpu.vector_load %arg5[%get3A_775, %get3A_776, %get3A_777] {strides = array<i32>} : memref<16x8x256xf32, #tpu.memory_space<vmem>>, vector<1x1x16xf32>,
          %get3A_779 = vector.shape_cast %get3A_778 : vector<1x1x16xf32> to vector<16xf32>
          %add3A_780 = arith.addf %add3A_773, %get3A_779 : vector<16xf32>
          %get3A_781 = arith.constant 15 : i32
          %get3A_782 = arith.index_cast %get3A_781 : i32 to index
          %get3A_783 = arith.index_cast %select_n3A_658 : i32 to index
          %get3A_784 = arith.index_cast %mul3A_676 : i32 to index
          %get3A_785 = tpu.vector_load %arg5[%get3A_782, %get3A_783, %get3A_784] {strides = array<i32>} : memref<16x8x256xf32, #tpu.memory_space<vmem>>, vector<1x1x16xf32>,
          %get3A_786 = vector.shape_cast %get3A_785 : vector<1x1x16xf32> to vector<16xf32>
          %add3A_787 = arith.addf %add3A_780, %get3A_786 : vector<16xf32>
          %swap3A_788 = arith.index_cast %select_n3A_658 : i32 to index
          %swap3A_789 = arith.index_cast %mul3A_676 : i32 to index
          %swap3A_790 = tpu.vector_load %arg7[%swap3A_788, %swap3A_789] {strides = array<i32>} : memref<8x256xf32, #tpu.memory_space<vmem>>, vector<1x16xf32>,
          %swap3A_791 = vector.shape_cast %swap3A_790 : vector<1x16xf32> to vector<16xf32>
          %swap3A_792 = vector.shape_cast %add3A_787 : vector<16xf32> to vector<1x16xf32>
          tpu.vector_store %arg7[%swap3A_788, %swap3A_789], %swap3A_792 {strides = array<i32>} : memref<8x256xf32, #tpu.memory_space<vmem>>, vector<1x16xf32>,
        }
        %scan3A_142 = arith.constant 128 : i32
        %add3A_143 = arith.constant 2 : i32
        %add3A_144 = arith.addi %while3A_87, %add3A_143 : i32
        %lt3A_145 = arith.cmpi slt, %add3A_144, %sub3A_47 : i32
        %convert_element_type3A_146 = arith.extui %lt3A_145 : i1 to i32
        %cond3A_147 = arith.constant 0 : i32
        %cond3A_148 = arith.cmpi ne, %convert_element_type3A_146, %cond3A_147 : i32
        scf.if %cond3A_148 {
          %add3A_156 = arith.constant 2 : i32
          %add3A_157 = arith.addi %while3A_87, %add3A_156 : i32
          %add3A_158 = arith.addi %select_n3A, %add3A_157 : i32
          %mul3A_159 = arith.constant 8 : i32
          %mul3A_160 = arith.muli %add3A_158, %mul3A_159 : i32
          %dma_start3A_161 = arith.constant 0 : i32
          %dma_start3A_162 = arith.constant 0 : i32
          %dma_start3A_163 = tpu.memref_slice %arg2[%dma_start3A_161, %mul3A_160, %dma_start3A_162] : memref<16x10000x256xf32, #tpu.memory_space<hbm>> -> memref<16x8x256xf32, #tpu.memory_space<hbm>>
          %dma_start3A_164 = arith.constant 0 : i32
          %dma_start3A_165 = arith.constant 0 : i32
          %dma_start3A_166 = tpu.memref_slice %arg2[%dma_start3A_164, %mul3A_160, %dma_start3A_165] : memref<16x10000x256xf32, #tpu.memory_space<hbm>> -> memref<16x8x256xf32, #tpu.memory_space<hbm>>
          tpu.enqueue_dma source(%dma_start3A_166 : memref<16x8x256xf32, #tpu.memory_space<hbm>>) target(%arg5 : memref<16x8x256xf32, #tpu.memory_space<vmem>>) target_semaphore(%arg9 : memref<!tpu.dma_semaphore, #tpu.memory_space<semaphore_mem>>)
        } else {
        }
        %add3A_149 = arith.addi %select_n3A, %while3A_87 : i32
        %mul3A_150 = arith.constant 8 : i32
        %mul3A_151 = arith.muli %add3A_149, %mul3A_150 : i32
        %dma_start3A_152 = arith.constant 0 : i32
        %dma_start3A_153 = tpu.memref_slice %arg3[%mul3A_151, %dma_start3A_152] : memref<2400x256xf32, #tpu.memory_space<hbm>> -> memref<8x256xf32, #tpu.memory_space<hbm>>
        %dma_start3A_154 = arith.constant 0 : i32
        %dma_start3A_155 = tpu.memref_slice %arg3[%mul3A_151, %dma_start3A_154] : memref<2400x256xf32, #tpu.memory_space<hbm>> -> memref<8x256xf32, #tpu.memory_space<hbm>>
        tpu.enqueue_dma source(%arg7 : memref<8x256xf32, #tpu.memory_space<vmem>>) target(%dma_start3A_155 : memref<8x256xf32, #tpu.memory_space<hbm>>) target_semaphore(%arg11 : memref<!tpu.dma_semaphore, #tpu.memory_space<semaphore_mem>>)
      } else {
      }
    }
    %dma_wait3A = arith.constant 0 : i32
    %dma_wait3A_76 = arith.constant 0 : i32
    %dma_wait3A_77 = tpu.memref_slice %arg3[%dma_wait3A, %dma_wait3A_76] : memref<2400x256xf32, #tpu.memory_space<hbm>> -> memref<8x256xf32, #tpu.memory_space<hbm>>
    %dma_wait3A_78 = arith.constant 0 : i32
    %dma_wait3A_79 = arith.constant 0 : i32
    %dma_wait3A_80 = tpu.memref_slice %arg3[%dma_wait3A_78, %dma_wait3A_79] : memref<2400x256xf32, #tpu.memory_space<hbm>> -> memref<8x256xf32, #tpu.memory_space<hbm>>
    tpu.wait_dma2 semaphore(%arg10 : memref<!tpu.dma_semaphore, #tpu.memory_space<semaphore_mem>>) src(%arg6 : memref<8x256xf32, #tpu.memory_space<vmem>>) dst(%dma_wait3A_80 : memref<8x256xf32, #tpu.memory_space<hbm>>)
    %dma_wait3A_81 = arith.constant 0 : i32
    %dma_wait3A_82 = arith.constant 0 : i32
    %dma_wait3A_83 = tpu.memref_slice %arg3[%dma_wait3A_81, %dma_wait3A_82] : memref<2400x256xf32, #tpu.memory_space<hbm>> -> memref<8x256xf32, #tpu.memory_space<hbm>>
    %dma_wait3A_84 = arith.constant 0 : i32
    %dma_wait3A_85 = arith.constant 0 : i32
    %dma_wait3A_86 = tpu.memref_slice %arg3[%dma_wait3A_84, %dma_wait3A_85] : memref<2400x256xf32, #tpu.memory_space<hbm>> -> memref<8x256xf32, #tpu.memory_space<hbm>>
    tpu.wait_dma2 semaphore(%arg11 : memref<!tpu.dma_semaphore, #tpu.memory_space<semaphore_mem>>) src(%arg7 : memref<8x256xf32, #tpu.memory_space<vmem>>) dst(%dma_wait3A_86 : memref<8x256xf32, #tpu.memory_space<hbm>>)
    return
  }
}

module attributes {stable_mosaic.version = 14 : i64} {
  func.func @_tc_body(%arg0: i32, %arg1: memref<16x400x256xf32, #tpu.memory_space<vmem>>, %arg2: memref<400x256xf32, #tpu.memory_space<vmem>>) attributes {dimension_semantics = [#tpu.dimension_semantics<arbitrary>], iteration_bounds = array<i64: 19>, scalar_prefetch = 0 : i64, scratch_operands = 0 : i64, tpu.core_type = #tpu.core_type<tc>, window_params = [{transform_indices = @transform_0, window_bounds = array<i64: 16, 400, 256>}, {transform_indices = @transform_1, window_bounds = array<i64: 400, 256>}]} {
    %get3A = arith.constant 0 : index
    %get3A_0 = arith.constant 0 : index
    %get3A_1 = arith.constant 0 : index
    %get3A_2 = vector.load %arg1[%get3A, %get3A_0, %get3A_1] : memref<16x400x256xf32, #tpu.memory_space<vmem>>, vector<16x400x256xf32>
    %reduce_sum3A = arith.constant dense<0.000000e+00> : vector<400x256xf32>
    %reduce_sum3A_3 = vector.multi_reduction <add>, %get3A_2, %reduce_sum3A [0] : vector<16x400x256xf32> to vector<400x256xf32>
    %swap3A = arith.constant 0 : index
    %swap3A_4 = arith.constant 0 : index
    %swap3A_5 = vector.load %arg2[%swap3A, %swap3A_4] : memref<400x256xf32, #tpu.memory_space<vmem>>, vector<400x256xf32>
    tpu.vector_store %arg2[%swap3A, %swap3A_4], %reduce_sum3A_3 {strides = array<i32>} : memref<400x256xf32, #tpu.memory_space<vmem>>, vector<400x256xf32>,
    return
  }
  func.func @transform_0(%arg0: i32) -> (i32, i32, i32) {
    %add3A = arith.constant 6 : i32
    %add3A_0 = arith.addi %add3A, %arg0 : i32
    %c0_i32 = arith.constant 0 : i32
    %c0_i32_1 = arith.constant 0 : i32
    %c0_i32_2 = arith.constant 0 : i32
    return %c0_i32, %add3A_0, %c0_i32_1 : i32, i32, i32
  }
  func.func @transform_1(%arg0: i32) -> (i32, i32) {
    %c0_i32 = arith.constant 0 : i32
    %c0_i32_0 = arith.constant 0 : i32
    return %arg0, %c0_i32 : i32, i32
  }
}

</mosaic_0001>

<sc_bundles>
// kernel: kernel.4.cloned.1.call-start
scs
__scs_entry_jumppad:
0x0: {  	(pc) =	sbr.rel $0x88, $3  }
0x1: {  	(tag) =	ssettag $0x0;
	lr =	simm.s32 $0x1  }
0x2: {  	[smem:$0x3FA0] =	sst lr;
	_ =	strace $0xD0000000  }
0x3: {  	_ = 	snop  }
0x4: {  	_ = 	snop  }
0x5: {  	_ = 	snop  }
0x6: {  	_ = 	snop  }
0x7: {  	_ = 	snop  }
__scs_overlays_trampoline_lowered:
0x8: {  	[smem:$0x3FAF] =	sst s0  }
0x9: {  	[smem:$0x3FB0] =	sst s1  }
0xa: {  	[smem:$0x3FB1] =	sst s2  }
0xb: {  	[smem:$0x3FB2] =	sst s3  }
0xc: {  	[smem:$0x3FB3] =	sst s4  }
0xd: {  	[smem:$0x3FB4] =	sst s5  }
0xe: {  	[smem:$0x3FB5] =	sst s6  }
0xf: {  	[smem:$0x3FB6] =	sst s7  }
0x10: {  	[smem:$0x3FB7] =	sst s8  }
0x11: {  	[smem:$0x3FB8] =	sst s9;
	s0 =	simm.s32 @!p0 $0x0  }
0x12: {  	s1 =	sld [smem:$0x3F9E];
	s0 =	simm.s32 @p0 $0x1  }
0x13: {  	[smem:$0x3FB9] =	sst s0;
	s0 =	simm.s32 @!p1 $0x0  }
0x14: {  	s2 =	sld [smem:$0x3F9D];
	s0 =	simm.s32 @p1 $0x1  }
0x15: {  	[smem:$0x3FBA] =	sst s0;
	s0 =	simm.s32 @!p2 $0x0  }
0x16: {  	s3 =	sld [smem:$0x3FDB];
	s0 =	simm.s32 @p2 $0x1  }
0x17: {  	s4 =	simm.s32 $0x1BF5;
	[smem:$0x3FBC] =	sst s0  }
0x18: {  	s0 =	sld [smem:$0x3F9F];
	_ =	swait.ge [sflag:s4], $0x0  }
0x19: {  	s7 =	sld [smem:$0x3FA0]  }
0x1a: {  	s8 =	sadd.s32 $0xFFFFE003, lr  }
0x1b: {  	s9 =	sadd.s32 $0xFFFFFEF7, lr;
	s5 =	simm.s32 $0xFFFFFFFF;
	p2 =	slt.u32 s8, $0xFFFFF086  }
0x1c: {  	p1 =	slt.u32 s9, $0xF7A;
	s5 =	simm.s32 @!p2 $0x0  }
0x1d: {  	s5 =	simm.s32 @p1 $0x1;
	p0 =	seq.s32 s7, s2  }
0x1e: {  	s7 =	smul.u32 @!p0 $0xF7A, s2;
	p2 =	seq.s32 @!p0 s5, $0x0  }
0x1f: {  	s9 =	smul.u32 $0xF7A, s1;
	s8 =	simm.s32 @!p0 $0x1BF5;
	p2 =	por !p2, p0  }
0x20: {  	[sflag:s8] =	ssyncset.s32 @!p0 $0xFFFFF086;
	s6 =	sadd.s32 @!p0 s3, s7;
	s7 =	simm.s32 @!p0 $0x108  }
0x21: {  	s3 =	sadd.s32 s3, s9;
	s6 =	sadd.s32 @!p0 $0x88, s6;
	s7 =	simm.s32 @p2 $0x1082  }
0x22: {  	[simem:s7], [sflag:s8] =	dma.local @!p0 [hbm:s6], $0xF7A  }
0x23: {  	s9 =	sor.u32 $0xD0000000, s2;
	s6 =	simm.s32 $0x108;
	_ =	swait.ge @!p0 [sflag:s8], $0x0  }
0x24: {  	s3 =	sadd.s32 $0x88, s3;
	s6 =	simm.s32 @!p1 $0x1082;
	[sflag:s4] =	ssyncset.s32 $0xFFFFF086  }
0x25: {  	[simem:s6], [sflag:s4] =	dma.local [hbm:s3], $0xF7A  }
0x26: {  	[smem:$0x3FA0] =	sst s1;
	(tag) =	ssettag s2;
	_ =	strace s9  }
0x27: {  	s1 =	sld [smem:$0x3FB0]  }
0x28: {  	s2 =	sld [smem:$0x3FB1]  }
0x29: {  	s4 =	sld [smem:$0x3FB3]  }
0x2a: {  	p0 =	seq.s32 s5, $0x0;
	s5 =	sld [smem:$0x3FB4]  }
0x2b: {  	s6 =	sld [smem:$0x3FB5]  }
0x2c: {  	s7 =	sld [smem:$0x3FB6]  }
0x2d: {  	s3 =	simm.s32 $0x108;
	s8 =	sld [smem:$0x3FB7]  }
0x2e: {  	s3 =	simm.s32 @!p0 $0x1082;
	s9 =	sld [smem:$0x3FB8]  }
0x2f: {  	lr =	sadd.s32 s0, s3;
	s0 =	sld [smem:$0x3FAF]  }
0x30: {  	s3 =	sld [smem:$0x3FB2]  }
0x31: {  	[smem:$0x3FBB] =	sst s10  }
0x32: {  	s10 =	sld [smem:$0x3FB9];
	_ =	sdelay $0x3  }
0x33: {  	p0 =	seq.s32 s10, $0x1;
	s10 =	sld [smem:$0x3FBB];
	_ =	sdelay $0x3  }
0x34: {  	[smem:$0x3FBB] =	sst s10  }
0x35: {  	s10 =	sld [smem:$0x3FBA];
	_ =	sdelay $0x3  }
0x36: {  	p1 =	seq.s32 s10, $0x1;
	s10 =	sld [smem:$0x3FBB];
	_ =	sdelay $0x3  }
0x37: {  	[smem:$0x3FBB] =	sst s10  }
0x38: {  	s10 =	sld [smem:$0x3FBC]  }
0x39: {  	_ = 	snop;
	(pc) =	sbr.ind lr, $3  }
0x3a: {  	_ = 	snop  }
0x3b: {  	_ = 	snop  }
0x3c: {  	p2 =	seq.s32 s10, $0x1;
	s10 =	sld [smem:$0x3FBB]  }
0x3d: {  	_ =	shalt  }
0x3e: {  	_ =	shalt  }
0x3f: {  	_ =	shalt  }
0x40: {  	_ =	shalt  }
0x41: {  	_ =	shalt  }
0x42: {  	_ =	shalt  }
0x43: {  	_ =	shalt  }
0x44: {  	_ =	shalt  }
0x45: {  	_ =	shalt  }
0x46: {  	_ =	shalt  }
0x47: {  	_ =	shalt  }
0x48: {  	_ =	shalt  }
0x49: {  	_ =	shalt  }
0x4a: {  	_ =	shalt  }
0x4b: {  	_ =	shalt  }
0x4c: {  	_ =	shalt  }
0x4d: {  	_ =	shalt  }
0x4e: {  	_ =	shalt  }
0x4f: {  	_ =	shalt  }
0x50: {  	_ =	shalt  }
0x51: {  	_ =	shalt  }
0x52: {  	_ =	shalt  }
0x53: {  	_ =	shalt  }
0x54: {  	_ =	shalt  }
0x55: {  	_ =	shalt  }
0x56: {  	_ =	shalt  }
0x57: {  	_ =	shalt  }
0x58: {  	_ =	shalt  }
0x59: {  	_ =	shalt  }
0x5a: {  	_ =	shalt  }
0x5b: {  	_ =	shalt  }
0x5c: {  	_ =	shalt  }
0x5d: {  	_ =	shalt  }
0x5e: {  	_ =	shalt  }
0x5f: {  	_ =	shalt  }
0x60: {  	_ =	shalt  }
0x61: {  	_ =	shalt  }
0x62: {  	_ =	shalt  }
0x63: {  	_ =	shalt  }
0x64: {  	_ =	shalt  }
0x65: {  	_ =	shalt  }
0x66: {  	_ =	shalt  }
0x67: {  	_ =	shalt  }
0x68: {  	_ =	shalt  }
0x69: {  	_ =	shalt  }
0x6a: {  	_ =	shalt  }
0x6b: {  	_ =	shalt  }
0x6c: {  	_ =	shalt  }
0x6d: {  	_ =	shalt  }
0x6e: {  	_ =	shalt  }
0x6f: {  	_ =	shalt  }
0x70: {  	_ =	shalt  }
0x71: {  	_ =	shalt  }
0x72: {  	_ =	shalt  }
0x73: {  	_ =	shalt  }
0x74: {  	_ =	shalt  }
0x75: {  	_ =	shalt  }
0x76: {  	_ =	shalt  }
0x77: {  	_ =	shalt  }
0x78: {  	_ =	shalt  }
0x79: {  	_ =	shalt  }
0x7a: {  	_ =	shalt  }
0x7b: {  	_ =	shalt  }
0x7c: {  	_ =	shalt  }
0x7d: {  	_ =	shalt  }
0x7e: {  	_ =	shalt  }
0x7f: {  	_ =	shalt  }
0x80: {  	_ =	shalt  }
0x81: {  	_ =	shalt  }
0x82: {  	_ =	shalt  }
0x83: {  	_ =	shalt  }
0x84: {  	_ =	shalt  }
0x85: {  	_ =	shalt  }
0x86: {  	_ =	shalt  }
0x87: {  	_ =	shalt  }
.Lfunc_end0:
.L_simem_size_0:
called_computation_lowered:
.L_overlay_start_0:
0x88: {  	s2 =	sld [smem:$0x3FD9]  }
0x89: {  	s3 =	sld [smem:$0x3FFE];
	_ =	sdelay $0x1  }
0x8a: {  	s1 =	srdreg.scid  }
0x8b: {  	s0 =	sand.u32 $0x1, s1  }
0x8c: {  	s17 =	sshll.u32 s0, $0xA;
	s2 =	sadd.s32 s3, s2  }
0x8d: {  	s2 =	sadd.s32 s2, s17  }
0x8e: {  	[smem:$0x3FC7] =	sst s2  }
0x8f: {  	_ = 	snop  }
0x90: {  	s2 =	sld [smem:$0x3FC9];
	(tm) =	ssettm $0x1  }
0x91: {  	s18 =	sld [smem:$0x3FFB];
	_ =	sdelay $0x3  }
0x92: {  	_ =	strace s18  }
0x93: {  	s3 =	sld [smem:$0x3FFC];
	_ =	sdelay $0x3  }
0x94: {  	_ =	strace s3  }
0x95: {  	s3 =	sld [smem:$0x3FFD];
	_ =	sdelay $0x3  }
0x96: {  	_ =	strace s3  }
0x97: {  	_ =	strace $0x8FFFFFFF  }
0x98: {  	s19 =	sld [smem:$0x3FDB];
	_ =	sdelay $0x1  }
0x99: {  	s4 =	simm.s32 $_scs_section_size  }
0x9a: {  	s5 =	simm.s32 $_size__tile_overlayer_lowered;
	s6 =	simm.s32 $_tile_overlayer_lowered  }
0x9b: {  	s22 =	simm.s32 $0x1BFF;
	s21 =	sshll.u32 s6, $0x1;
	s3 =	sadd.s32 s4, s19  }
0x9c: {  	s7 =	simm.s32 $0x0;
	s20 =	sshll.u32 s5, $0x1;
	s5 =	sadd.s32 s21, s3  }
0x9d: {  	[timem:s7], [sflag:s22] =	dma.local [hbm:s5], s20  }
0x9e: {  	_ =	swait.ge [sflag:s22], s20  }
0x9f: {  	s4 =	ssub.s32 $0x0, s20;
	[sflag:s22] =	ssyncset.done $0x0  }
0xa0: {  	[sflag:s22] =	ssyncadd.s32 s4;
	_ =	sdelay $0x1  }
0xa1: {  	s23 =	simm.s32 $0x1B8B  }
0xa2: {  	_ =	swait.ge [sflag:s23], $0x1  }
0xa3: {  	[sflag:s23] =	ssyncset.done $0x0  }
0xa4: {  	s25 =	simm.s32 $0x1B8E;
	s24 =	sld [smem:$0x3FFE];
	[sflag:s23] =	ssyncadd.s32 $0xFFFFFFFF  }
0xa5: {  	s26 =	simm.s32 $execute0_lowered;
	[smem:$0x3FD2] =	sst s25  }
0xa6: {  	s5 =	sshll.u32 s26, $0x1;
	_ =	strace $0x80000046;
	[dreg:$0x1] =	wrdreg $0xFFFFFFFF  }
0xa7: {  	s28 =	simm.s32 $_size_execute0_lowered;
	s3 =	sadd.s32 s3, s5;
	[dreg:$0x0] =	wrdreg $0x0  }
0xa8: {  	s5 =	sshll.u32 s28, $0x1;
	[dreg:$0x2] =	wrdreg s3  }
0xa9: {  	[dreg:$0x3] =	wrdreg s5  }
0xaa: {  	[dreg:$0x4] =	wrdreg $0xC0  }
0xab: {  	_ =	task [dreg:s7], $0x5FFFF  }
0xac: {  	[dreg:$0x1] =	wrdreg $0xFFFFFFFF  }
0xad: {  	[dreg:$0x0] =	wrdreg $0x60  }
0xae: {  	[dreg:$0x2] =	wrdreg s2  }
0xaf: {  	[dreg:$0x3] =	wrdreg s24  }
0xb0: {  	[dreg:$0x4] =	wrdreg $0x9  }
0xb1: {  	_ =	task.clear_ibuf [dreg:s7], $0x5FFFF;
	_ =	strace $0x90000046  }
0xb2: {  	s29 =	simm.s32 $0x9;
	_ =	strace $0x80000048  }
0xb3: {  	_ =	swait.ge [sflag:s29], $0x1  }
0xb4: {  	[sflag:s29] =	ssyncadd.s32 $0xFFFFFFFF  }
0xb5: {  	_ =	strace $0x90000048  }
0xb6: {  	_ =	sfence  }
0xb7: {  	s30 =	sld [smem:$0x0];
	_ =	sdelay $0x2  }
0xb8: {  	s31 =	sshll.u32 s1, $0xD;
	s1 =	sshrl.u32 s1, $0x2  }
0xb9: {  	s3 =	sand.u32 $0x4000, s31;
	s1 =	sadd.s32 s1, s30  }
0xba: {  	s0 =	sor.u32 s3, s0;
	s1 =	sshll.u32 s1, $0x11  }
0xbb: {  	s0 =	sor.u32 s1, s0  }
0xbc: {  	s0 =	sadd.s32 $0x8F2B, s0  }
0xbd: {  	[sflag:s0] =	ssyncadd.remote.s32 $0x1  }
0xbe: {  	_ =	sfence.sel $0xFFFF  }
0xbf: {  	[dreg:$0x0] =	wrdreg $0xFFFFFFFF;
	(pc) =	sbr.abs _section_cstart, $3  }
0xc0: {  	[dreg:$0x1] =	wrdreg $0xFFFFFFFF  }
0xc1: {  	_ =	task.clear_ibuf [dreg:s7], $0x2FFFF;
	_ =	strace $0x9FFFFFFF  }
0xc2: {  	(tm) =	ssettm $0x7FFFFFFF  }
0xc3: {  	_ =	shalt  }
tec
execute0_lowered:
.L_overlay_start_1:
0x0: {  	(tag) =	ssettag $0x1  }
0x1: {  	s0 =	srdreg.scid;
	s4 =	rddreg [dreg:$0x0]  }
0x2: {  	s1 =	stileid.u32;
	s2 =	rddreg [dreg:$0x1]  }
0x3: {  	s3 =	simm.s32 $0x0;
	s0 =	sand.u32 $0x1, s0;
	s1 =	sshll.u32 s1, $0x1  }
0x4: {  	[smem:$0x7FF] =	sst s3;
	s1 =	sor.u32 s0, s1;
	s0 =	ssub.s32 $0x2, s0  }
0x5: {  	s2 =	sadd.s32 $0x400, s2;
	s1 =	smul.u32 $0x12C, s1;
	s31 =	sshrl.u32 s0, $0x1  }
0x6: {  	_ =	strace $0x80000047;
	[smem:$0x7F8] =	sst s2;
	s0 =	ssub.s32 s0, s31  }
0x7: {  	s5 =	sshrl.u32 s1, $0x5;
	s1 =	sadd.s32 $0x12C, s1;
	s0 =	smax.u32 s0, $0x1  }
.Ltmp0:
0x8: {  	s30 =	sshll.u32 s5, $0x8;
	[smem:$0x7F9] =	sst s5;
	(pc) =	sbr.rel .LBB2_1-.Ltmp0, $4  }
0x9: {  	s1 =	sshrl.u32 s1, $0x5;
	[smem:$0x7FC] =	sst s0;
	s2 =	sadd.s32 s4, s30  }
0xa: {  	s1 =	ssub.s32 s1, s5;
	[smem:$0x7FA] =	sst s2  }
0xb: {  	s2 =	sadd.s32 $0x100, s2;
	[smem:$0x7FD] =	sst s1  }
0xc: {  	p0 =	slt.s32 s1, $0x1;
	[smem:$0x7FB] =	sst s2;
	s2 =	simm.s32 $0x0  }
.LBB2_10:
0xd: {  	s0 =	simm.s32 $0x3  }
0xe: {  	_ =	swait.ge [sflag:s0], $0x800  }
0xf: {  	[sflag:s0] =	ssyncset.done $0x0  }
0x10: {  	s1 =	simm.s32 $0x4;
	[sflag:s0] =	ssyncadd.s32 $0xFFFFF800  }
0x11: {  	_ =	swait.ge [sflag:s1], $0x800  }
0x12: {  	s2 =	sld [smem:$0x7F7]  }
0x13: {  	s31 =	sld [smem:$0x7FC];
	_ =	sdelay $0x1  }
0x14: {  	s2 =	sadd.s32 $0x1, s2  }
0x15: {  	p1 =	sne.s32 s2, s31  }
.Ltmp1:
0x16: {  	_ = 	snop;
	(pc) =	sbr.rel @!p1 .LBB2_11-.Ltmp1, $3  }
0x17: {  	_ =	sdelay $0x1  }
0x18: {  	[sflag:s1] =	ssyncset.done $0x0  }
0x19: {  	[sflag:s1] =	ssyncadd.s32 $0xFFFFF800  }
.LBB2_1:
0x1a: {  	s1 =	sld [smem:$0x7FA]  }
.Ltmp2:
0x1b: {  	s0 =	simm.s32 $0x0;
	s29 =	simm.s32 $0x800;
	(pc) =	sbr.rel @!p0 .LBB2_2-.Ltmp2, $4  }
.Ltmp3:
0x1c: {  	s3 =	simm.s32 $0x271000;
	s30 =	sld [smem:$0x7FB];
	(pc) =	sbr.rel @p0 .LBB2_10-.Ltmp3, $4  }
0x1d: {  	[tilespmem:s0], [sflag:$0x1] =	stream.strided.gather [hbm4b:s1+s29], $0x8000, s3, s29, $0x38;
	[tilespmem:$0x11000] =	vst v63  }
0x1e: {  	[smem:$0x7F7] =	sst s2;
	s31 =	simm.s32 $0x8000;
	s5 =	simm.s32 $0x0  }
0x1f: {  	[tilespmem:s31], [sflag:$0x2] =	stream.strided.gather [hbm4b:s30+s29], $0x8000, s3, s29, $0x38;
	[tilespmem:$0x11000] =	vst v63  }
0x20: {  	_ = 	snop  }
.LBB2_9:
0x21: {  	s0 =	sld [smem:$0x7FD];
	_ =	sdelay $0x1  }
0x22: {  	s5 =	sadd.s32 $0x1, s5  }
0x23: {  	p1 =	slt.s32 s5, s0  }
.Ltmp4:
0x24: {  	_ = 	snop;
	(pc) =	sbr.rel @!p1 .LBB2_10-.Ltmp4, $1  }
0x25: {  	_ =	sdelay $0x3  }
.LBB2_2:
0x26: {  	s0 =	sand.u32 $0x1, s5  }
0x27: {  	p1 =	seq.s32 s0, $0x1  }
.Ltmp5:
0x28: {  	_ = 	snop;
	(pc) =	sbr.rel @p1 .LBB2_6-.Ltmp5, $2  }
0x29: {  	_ =	sdelay $0x2  }
0x2a: {  	[smem:$0x7F6] =	sst s5  }
0x2b: {  	[smem:$0x7F5] =	sst s0;
	s24 =	simm.s32 $0x1  }
0x2c: {  	p1 =	slt.u32 s5, $0x2;
	_ =	swait.ge [sflag:s24], $0x8000  }
0x2d: {  	s20 =	simm.s32 $0x0;
	s2 =	simm.s32 @!p1 $0x3;
	[sflag:s24] =	ssyncset.done $0x0  }
0x2e: {  	s25 =	sand.u32 $0x400, s20;
	s1 =	sand.u32 $0x380, s20;
	[sflag:s24] =	ssyncadd.s32 $0xFFFF8000  }
0x2f: {  	s0 =	sor.u32 s1, s25;
	_ =	swait.ge @!p1 [sflag:s2], $0x800  }
0x30: {  	s3 =	sand.u32 $0x40, s20;
	s1 =	sor.u32 $0x800, s0;
	[sflag:s2] =	ssyncset.done @!p1 $0x0  }
0x31: {  	s26 =	sor.u32 s3, s1;
	[sflag:s2] =	ssyncadd.s32 @!p1 $0xFFFFF800  }
0x32: {  	s18 =	sor.u32 s3, s0;
	v0 =	vld [tilespmem:s26+$0x0]  }
0x33: {  	s4 =	sor.u32 $0x1000, s0;
	v1 =	vld [tilespmem:s18+$0x0]  }
0x34: {  	s28 =	sor.u32 s3, s4  }
0x35: {  	s5 =	sor.u32 $0x1800, s0;
	v2 =	vld [tilespmem:s28+$0x0]  }
0x36: {  	s29 =	sor.u32 s3, s5  }
0x37: {  	s7 =	sor.u32 $0x2000, s0;
	v3 =	vld [tilespmem:s29+$0x0]  }
0x38: {  	s30 =	sor.u32 s3, s7;
	v0 =	vadd.f32 v0, v1  }
0x39: {  	s13 =	sor.u32 $0x2800, s0;
	v1 =	vld [tilespmem:s30+$0x0]  }
0x3a: {  	s31 =	sor.u32 s3, s13;
	v0 =	vadd.f32 v2, v0  }
0x3b: {  	s6 =	sor.u32 $0x3000, s0;
	v2 =	vld [tilespmem:s31+$0x0]  }
0x3c: {  	s8 =	sor.u32 s3, s6;
	v0 =	vadd.f32 v3, v0  }
0x3d: {  	s9 =	sor.u32 $0x3800, s0;
	v3 =	vld [tilespmem:s8+$0x0]  }
0x3e: {  	s10 =	sor.u32 s3, s9;
	v0 =	vadd.f32 v1, v0  }
0x3f: {  	s14 =	sor.u32 $0x4000, s0;
	v1 =	vld [tilespmem:s10+$0x0]  }
0x40: {  	s11 =	sor.u32 s3, s14;
	v0 =	vadd.f32 v2, v0  }
0x41: {  	s12 =	sor.u32 $0x4800, s0;
	v2 =	vld [tilespmem:s11+$0x0]  }
0x42: {  	s15 =	sor.u32 s3, s12;
	v0 =	vadd.f32 v3, v0  }
0x43: {  	s10 =	sor.u32 $0x5000, s0;
	v3 =	vld [tilespmem:s15+$0x0]  }
0x44: {  	s16 =	sor.u32 s3, s10;
	v0 =	vadd.f32 v1, v0  }
0x45: {  	s11 =	sor.u32 $0x5800, s0;
	v1 =	vld [tilespmem:s16+$0x0]  }
0x46: {  	s17 =	sor.u32 s3, s11;
	v0 =	vadd.f32 v2, v0  }
0x47: {  	s8 =	sor.u32 $0x6000, s0;
	v2 =	vld [tilespmem:s17+$0x0]  }
0x48: {  	s19 =	sor.u32 s3, s8;
	v0 =	vadd.f32 v3, v0  }
0x49: {  	s16 =	sor.u32 $0x6800, s0;
	v3 =	vld [tilespmem:s19+$0x0]  }
0x4a: {  	s21 =	sor.u32 s3, s16;
	v0 =	vadd.f32 v1, v0  }
0x4b: {  	s15 =	sor.u32 $0x7000, s0;
	v1 =	vld [tilespmem:s21+$0x0]  }
0x4c: {  	s22 =	sor.u32 s3, s15;
	v0 =	vadd.f32 v2, v0  }
0x4d: {  	s17 =	sor.u32 $0x7800, s0;
	v2 =	vld [tilespmem:s22+$0x0]  }
0x4e: {  	s23 =	sor.u32 s3, s17;
	v0 =	vadd.f32 v3, v0  }
0x4f: {  	v3 =	vld [tilespmem:s23+$0x0]  }
0x50: {  	v0 =	vadd.f32 v1, v0;
	_ =	sdelay $0x1  }
0x51: {  	v0 =	vadd.f32 v2, v0;
	_ =	sdelay $0x1  }
0x52: {  	v0 =	vadd.f32 v3, v0  }
0x53: {  	s2 =	sor.u32 $0x10, s3  }
0x54: {  	[tilespmem:s18+$0x10000] =	vst v0;
	s18 =	sor.u32 s2, s0  }
0x55: {  	s19 =	sor.u32 s2, s1;
	v0 =	vld [tilespmem:s18+$0x0]  }
0x56: {  	v1 =	vld [tilespmem:s19+$0x0]  }
0x57: {  	s24 =	sor.u32 s2, s4  }
0x58: {  	v2 =	vld [tilespmem:s24+$0x0]  }
0x59: {  	s25 =	sor.u32 s2, s5  }
0x5a: {  	v3 =	vld [tilespmem:s25+$0x0]  }
0x5b: {  	s26 =	sor.u32 s2, s7;
	v0 =	vadd.f32 v1, v0  }
0x5c: {  	v1 =	vld [tilespmem:s26+$0x0]  }
0x5d: {  	s28 =	sor.u32 s2, s13;
	v0 =	vadd.f32 v2, v0  }
0x5e: {  	v2 =	vld [tilespmem:s28+$0x0]  }
0x5f: {  	s29 =	sor.u32 s2, s6;
	v0 =	vadd.f32 v3, v0  }
0x60: {  	v3 =	vld [tilespmem:s29+$0x0]  }
0x61: {  	s30 =	sor.u32 s2, s9;
	v0 =	vadd.f32 v1, v0  }
0x62: {  	v1 =	vld [tilespmem:s30+$0x0]  }
0x63: {  	s31 =	sor.u32 s2, s14;
	v0 =	vadd.f32 v2, v0  }
0x64: {  	v2 =	vld [tilespmem:s31+$0x0]  }
0x65: {  	s21 =	sor.u32 s2, s12;
	v0 =	vadd.f32 v3, v0  }
0x66: {  	v3 =	vld [tilespmem:s21+$0x0]  }
0x67: {  	s22 =	sor.u32 s2, s10;
	v0 =	vadd.f32 v1, v0  }
0x68: {  	v1 =	vld [tilespmem:s22+$0x0]  }
0x69: {  	s23 =	sor.u32 s2, s11;
	v0 =	vadd.f32 v2, v0  }
0x6a: {  	v2 =	vld [tilespmem:s23+$0x0]  }
0x6b: {  	s24 =	sor.u32 s2, s8;
	v0 =	vadd.f32 v3, v0  }
0x6c: {  	v3 =	vld [tilespmem:s24+$0x0]  }
0x6d: {  	s25 =	sor.u32 s2, s16;
	v0 =	vadd.f32 v1, v0  }
0x6e: {  	v1 =	vld [tilespmem:s25+$0x0]  }
0x6f: {  	s26 =	sor.u32 s2, s15;
	v0 =	vadd.f32 v2, v0  }
0x70: {  	v2 =	vld [tilespmem:s26+$0x0]  }
0x71: {  	s2 =	sor.u32 s2, s17;
	v0 =	vadd.f32 v3, v0  }
0x72: {  	v3 =	vld [tilespmem:s2+$0x0]  }
0x73: {  	v0 =	vadd.f32 v1, v0;
	_ =	sdelay $0x1  }
0x74: {  	v0 =	vadd.f32 v2, v0;
	_ =	sdelay $0x1  }
0x75: {  	v0 =	vadd.f32 v3, v0  }
0x76: {  	s2 =	sor.u32 $0x20, s3  }
0x77: {  	[tilespmem:s18+$0x10000] =	vst v0;
	s18 =	sor.u32 s2, s0  }
0x78: {  	s28 =	sor.u32 s2, s1;
	v0 =	vld [tilespmem:s18+$0x0]  }
0x79: {  	v1 =	vld [tilespmem:s28+$0x0]  }
0x7a: {  	s29 =	sor.u32 s2, s4  }
0x7b: {  	v2 =	vld [tilespmem:s29+$0x0]  }
0x7c: {  	s30 =	sor.u32 s2, s5  }
0x7d: {  	v3 =	vld [tilespmem:s30+$0x0]  }
0x7e: {  	s31 =	sor.u32 s2, s7;
	v0 =	vadd.f32 v1, v0  }
0x7f: {  	v1 =	vld [tilespmem:s31+$0x0]  }
0x80: {  	s21 =	sor.u32 s2, s13;
	v0 =	vadd.f32 v2, v0  }
0x81: {  	v2 =	vld [tilespmem:s21+$0x0]  }
0x82: {  	s22 =	sor.u32 s2, s6;
	v0 =	vadd.f32 v3, v0  }
0x83: {  	v3 =	vld [tilespmem:s22+$0x0]  }
0x84: {  	s23 =	sor.u32 s2, s9;
	v0 =	vadd.f32 v1, v0  }
0x85: {  	v1 =	vld [tilespmem:s23+$0x0]  }
0x86: {  	s24 =	sor.u32 s2, s14;
	v0 =	vadd.f32 v2, v0  }
0x87: {  	v2 =	vld [tilespmem:s24+$0x0]  }
0x88: {  	s25 =	sor.u32 s2, s12;
	v0 =	vadd.f32 v3, v0  }
0x89: {  	v3 =	vld [tilespmem:s25+$0x0]  }
0x8a: {  	s26 =	sor.u32 s2, s10;
	v0 =	vadd.f32 v1, v0  }
0x8b: {  	v1 =	vld [tilespmem:s26+$0x0]  }
0x8c: {  	s28 =	sor.u32 s2, s11;
	v0 =	vadd.f32 v2, v0  }
0x8d: {  	v2 =	vld [tilespmem:s28+$0x0]  }
0x8e: {  	s29 =	sor.u32 s2, s8;
	v0 =	vadd.f32 v3, v0  }
0x8f: {  	v3 =	vld [tilespmem:s29+$0x0]  }
0x90: {  	s30 =	sor.u32 s2, s16;
	v0 =	vadd.f32 v1, v0  }
0x91: {  	v1 =	vld [tilespmem:s30+$0x0]  }
0x92: {  	s31 =	sor.u32 s2, s15;
	v0 =	vadd.f32 v2, v0  }
0x93: {  	v2 =	vld [tilespmem:s31+$0x0]  }
0x94: {  	s2 =	sor.u32 s2, s17;
	v0 =	vadd.f32 v3, v0  }
0x95: {  	v3 =	vld [tilespmem:s2+$0x0]  }
0x96: {  	v0 =	vadd.f32 v1, v0;
	_ =	sdelay $0x1  }
0x97: {  	v0 =	vadd.f32 v2, v0;
	_ =	sdelay $0x1  }
0x98: {  	v0 =	vadd.f32 v3, v0  }
0x99: {  	s3 =	sor.u32 $0x30, s3  }
0x9a: {  	s1 =	sor.u32 s3, s1;
	[tilespmem:s18+$0x10000] =	vst v0  }
0x9b: {  	s0 =	sor.u32 s3, s0;
	v0 =	vld [tilespmem:s1+$0x0]  }
0x9c: {  	v1 =	vld [tilespmem:s0+$0x0]  }
0x9d: {  	s4 =	sor.u32 s3, s4  }
0x9e: {  	v2 =	vld [tilespmem:s4+$0x0]  }
0x9f: {  	s18 =	sor.u32 s3, s5  }
0xa0: {  	v3 =	vld [tilespmem:s18+$0x0]  }
0xa1: {  	s19 =	sor.u32 s3, s7;
	v0 =	vadd.f32 v0, v1  }
0xa2: {  	v1 =	vld [tilespmem:s19+$0x0]  }
0xa3: {  	s21 =	sor.u32 s3, s13;
	v0 =	vadd.f32 v2, v0  }
0xa4: {  	v2 =	vld [tilespmem:s21+$0x0]  }
0xa5: {  	s22 =	sor.u32 s3, s6;
	v0 =	vadd.f32 v3, v0  }
0xa6: {  	v3 =	vld [tilespmem:s22+$0x0]  }
0xa7: {  	s23 =	sor.u32 s3, s9;
	v0 =	vadd.f32 v1, v0  }
0xa8: {  	v1 =	vld [tilespmem:s23+$0x0]  }
0xa9: {  	s24 =	sor.u32 s3, s14;
	v0 =	vadd.f32 v2, v0  }
0xaa: {  	v2 =	vld [tilespmem:s24+$0x0]  }
0xab: {  	s25 =	sor.u32 s3, s12;
	v0 =	vadd.f32 v3, v0  }
0xac: {  	v3 =	vld [tilespmem:s25+$0x0]  }
0xad: {  	s26 =	sor.u32 s3, s10;
	v0 =	vadd.f32 v1, v0  }
0xae: {  	v1 =	vld [tilespmem:s26+$0x0]  }
0xaf: {  	s28 =	sor.u32 s3, s11;
	v0 =	vadd.f32 v2, v0  }
0xb0: {  	v2 =	vld [tilespmem:s28+$0x0]  }
0xb1: {  	s29 =	sor.u32 s3, s8;
	v0 =	vadd.f32 v3, v0  }
0xb2: {  	v3 =	vld [tilespmem:s29+$0x0]  }
0xb3: {  	s30 =	sor.u32 s3, s16;
	v0 =	vadd.f32 v1, v0  }
0xb4: {  	v4 =	vld [tilespmem:s30+$0x0]  }
0xb5: {  	v0 =	vadd.f32 v2, v0;
	_ =	sdelay $0x1  }
0xb6: {  	s31 =	sor.u32 s3, s15;
	v2 =	vadd.f32 v3, v0  }
0xb7: {  	s2 =	sor.u32 s3, s17;
	v1 =	vld [tilespmem:s31+$0x0]  }
0xb8: {  	s16 =	simm.s32 $0x0;
	s3 =	simm.s32 $0x0;
	v0 =	vld [tilespmem:s2+$0x0];
	s2 =	simm.s32 $0x20;
	v2 =	vadd.f32 v4, v2  }
.LBB2_4:
0xb9: {  	_ =	sdelay $0x2  }
0xba: {  	s16 =	sadd.s32 $0x200, s16;
	v1 =	vadd.f32 v1, v2  }
0xbb: {  	s23 =	sand.u32 $0x380, s2;
	s1 =	sand.u32 $0x400, s16  }
0xbc: {  	s20 =	sadd.s32 $0x40, s20;
	s26 =	sor.u32 s23, s1;
	v0 =	vadd.f32 v0, v1  }
0xbd: {  	s19 =	sand.u32 $0x40, s20;
	s8 =	sor.u32 $0x800, s26  }
0xbe: {  	s24 =	sor.u32 s19, s8;
	[tilespmem:s0+$0x10000] =	vst v0  }
0xbf: {  	s5 =	sor.u32 s19, s26;
	v0 =	vld [tilespmem:s24+$0x0]  }
0xc0: {  	s13 =	sor.u32 $0x1000, s26;
	v1 =	vld [tilespmem:s5+$0x0]  }
0xc1: {  	s3 =	sadd.s32 $0x4, s3;
	s25 =	sor.u32 s19, s13  }
0xc2: {  	[dreg:$0x5] =	wrdreg s3;
	v2 =	vld [tilespmem:s25+$0x0]  }
0xc3: {  	s14 =	smov.u32 s2;
	[dreg:$0x3] =	wrdreg s20;
	s2 =	sor.u32 $0x1800, s26  }
0xc4: {  	s21 =	sor.u32 $0x10, s19;
	s20 =	sor.u32 $0x2000, s26;
	s28 =	sor.u32 s19, s2  }
0xc5: {  	s4 =	sor.u32 $0x2800, s26;
	s12 =	sor.u32 $0x7000, s26;
	s6 =	sor.u32 s19, s20;
	v3 =	vld [tilespmem:s28+$0x0];
	v0 =	vadd.f32 v0, v1  }
0xc6: {  	[smem:$0x7DF] =	sst s5;
	s9 =	sor.u32 s19, s4;
	s15 =	sor.u32 s19, s12;
	v1 =	vld [tilespmem:s6+$0x0]  }
0xc7: {  	p1 =	slt.u32 s3, $0x7C;
	[smem:$0x7DE] =	sst s15;
	v0 =	vadd.f32 v2, v0;
	v2 =	vld [tilespmem:s9+$0x0];
	s9 =	sor.u32 s21, s8  }
0xc8: {  	s23 =	sor.u32 $0x3000, s26;
	[smem:$0x7E0] =	sst s9;
	s9 =	sor.u32 s21, s13  }
0xc9: {  	s11 =	sor.u32 $0x6000, s26;
	[smem:$0x7E1] =	sst s9;
	s9 =	sor.u32 s21, s2  }
0xca: {  	s0 =	sor.u32 $0x3800, s26;
	v0 =	vadd.f32 v3, v0;
	[smem:$0x7E2] =	sst s9;
	s9 =	sor.u32 s21, s20  }
0xcb: {  	s24 =	sor.u32 s19, s0;
	[smem:$0x7E3] =	sst s9;
	s9 =	sor.u32 s21, s4  }
0xcc: {  	s1 =	sor.u32 $0x4000, s26;
	v0 =	vadd.f32 v1, v0;
	v1 =	vld [tilespmem:s24+$0x0];
	s24 =	sor.u32 s21, s11;
	[smem:$0x7E4] =	sst s9  }
0xcd: {  	s29 =	sor.u32 $0x4800, s26;
	s9 =	sor.u32 s21, s23;
	[smem:$0x7EB] =	sst s24  }
0xce: {  	s30 =	sor.u32 $0x5000, s26;
	s24 =	sor.u32 s21, s12;
	[smem:$0x7E5] =	sst s9  }
0xcf: {  	s15 =	sor.u32 $0x20, s19;
	s9 =	sor.u32 s21, s0;
	[smem:$0x7ED] =	sst s24  }
0xd0: {  	s22 =	sor.u32 s19, s1;
	s24 =	sor.u32 s15, s8;
	[smem:$0x7E6] =	sst s9  }
0xd1: {  	s7 =	sor.u32 s19, s23;
	v0 =	vadd.f32 v2, v0;
	v2 =	vld [tilespmem:s22+$0x0];
	s22 =	sor.u32 s15, s4;
	[smem:$0x7EF] =	sst s24  }
0xd2: {  	s31 =	sor.u32 $0x5800, s26;
	v3 =	vld [tilespmem:s7+$0x0];
	s9 =	sor.u32 s21, s1;
	[smem:$0x7F3] =	sst s22  }
0xd3: {  	s17 =	sor.u32 $0x7800, s26;
	s24 =	sor.u32 s15, s2;
	[smem:$0x7E7] =	sst s9  }
0xd4: {  	s10 =	sor.u32 s19, s30;
	s22 =	sor.u32 s15, s1;
	[smem:$0x7F1] =	sst s24  }
0xd5: {  	s3 =	sor.u32 s19, s31;
	s9 =	sor.u32 s21, s29;
	[dreg:$0x1d] =	wrdreg s22  }
0xd6: {  	s25 =	sor.u32 s19, s29;
	s24 =	sor.u32 s15, s23;
	[smem:$0x7E8] =	sst s9  }
0xd7: {  	s18 =	sor.u32 s19, s17;
	v0 =	vadd.f32 v3, v0;
	v3 =	vld [tilespmem:s25+$0x0];
	s25 =	sor.u32 s15, s30;
	[smem:$0x7F4] =	sst s24  }
0xd8: {  	s28 =	sor.u32 $0x6800, s26;
	s22 =	sor.u32 s15, s11;
	[dreg:$0x19] =	wrdreg s25  }
0xd9: {  	s5 =	sor.u32 s19, s11;
	s9 =	sor.u32 s21, s30;
	[dreg:$0x15] =	wrdreg s22;
	v0 =	vadd.f32 v1, v0  }
0xda: {  	s6 =	sor.u32 s19, s28;
	s24 =	sor.u32 s15, s29;
	[smem:$0x7E9] =	sst s9;
	v1 =	vld [tilespmem:s10+$0x0]  }
0xdb: {  	s19 =	sor.u32 $0x30, s19;
	s25 =	sor.u32 s15, s12;
	[dreg:$0x1b] =	wrdreg s24;
	v0 =	vadd.f32 v2, v0  }
0xdc: {  	s22 =	sor.u32 s19, s20;
	[dreg:$0x11] =	wrdreg s25;
	v2 =	vld [tilespmem:s3+$0x0]  }
0xdd: {  	s25 =	sor.u32 s19, s2;
	[dreg:$0xa] =	wrdreg s22;
	v0 =	vadd.f32 v3, v0  }
0xde: {  	s2 =	smov.u32 s14;
	s14 =	sor.u32 s19, s30;
	s30 =	sld [smem:$0x7DE];
	v3 =	vld [tilespmem:s5+$0x0]  }
0xdf: {  	s9 =	sor.u32 s21, s31;
	s22 =	sor.u32 s19, s1;
	s1 =	sld [smem:$0x7E0];
	v0 =	vadd.f32 v1, v0  }
0xe0: {  	s24 =	sor.u32 s15, s28;
	[smem:$0x7EA] =	sst s9;
	v1 =	vld [tilespmem:s6+$0x0]  }
0xe1: {  	s10 =	sor.u32 s19, s8;
	[dreg:$0x13] =	wrdreg s24;
	v0 =	vadd.f32 v2, v0  }
0xe2: {  	s9 =	sor.u32 s21, s28;
	[dreg:$0xd] =	wrdreg s10;
	v2 =	vld [tilespmem:s30+$0x0]  }
0xe3: {  	[smem:$0x7EC] =	sst s9;
	s9 =	sor.u32 s21, s17;
	v0 =	vadd.f32 v3, v0  }
0xe4: {  	[smem:$0x7EE] =	sst s9;
	s9 =	sor.u32 s15, s13;
	v3 =	vld [tilespmem:s18+$0x0]  }
0xe5: {  	[smem:$0x7F0] =	sst s9;
	s9 =	sor.u32 s15, s20;
	v0 =	vadd.f32 v1, v0  }
0xe6: {  	[smem:$0x7F2] =	sst s9;
	s9 =	sor.u32 s15, s0  }
0xe7: {  	s24 =	sor.u32 s19, s4;
	[dreg:$0x1f] =	wrdreg s9;
	v0 =	vadd.f32 v2, v0  }
0xe8: {  	s10 =	sor.u32 s19, s31;
	s9 =	sor.u32 s15, s31;
	s31 =	sld [smem:$0x7DF]  }
0xe9: {  	[dreg:$0x7] =	wrdreg s24;
	v0 =	vadd.f32 v3, v0  }
0xea: {  	[dreg:$0x17] =	wrdreg s9;
	s9 =	sor.u32 s15, s17  }
0xeb: {  	s24 =	sor.u32 s19, s0;
	s0 =	sor.u32 s21, s26;
	[dreg:$0xf] =	wrdreg s9;
	[tilespmem:s31+$0x10000] =	vst v0  }
0xec: {  	s9 =	sld [smem:$0x7E1];
	v0 =	vld [tilespmem:s0+$0x0]  }
0xed: {  	v1 =	vld [tilespmem:s1+$0x0]  }
0xee: {  	s7 =	sor.u32 s19, s11;
	s11 =	sld [smem:$0x7E2]  }
0xef: {  	v2 =	vld [tilespmem:s9+$0x0]  }
0xf0: {  	s5 =	sor.u32 s19, s12;
	s12 =	sld [smem:$0x7E3]  }
0xf1: {  	v3 =	vld [tilespmem:s11+$0x0]  }
0xf2: {  	s4 =	sor.u32 s19, s17;
	s17 =	sld [smem:$0x7E4];
	v0 =	vadd.f32 v1, v0  }
0xf3: {  	v1 =	vld [tilespmem:s12+$0x0]  }
0xf4: {  	s18 =	sld [smem:$0x7E5];
	v0 =	vadd.f32 v2, v0  }
0xf5: {  	v2 =	vld [tilespmem:s17+$0x0]  }
0xf6: {  	s21 =	sld [smem:$0x7E6];
	v0 =	vadd.f32 v3, v0  }
0xf7: {  	v3 =	vld [tilespmem:s18+$0x0]  }
0xf8: {  	s8 =	sor.u32 s19, s28;
	s28 =	sld [smem:$0x7E7];
	s13 =	sor.u32 s19, s13;
	v0 =	vadd.f32 v1, v0  }
0xf9: {  	[dreg:$0x9] =	wrdreg s13;
	v1 =	vld [tilespmem:s21+$0x0]  }
0xfa: {  	s13 =	sor.u32 s19, s29;
	s29 =	sld [smem:$0x7E8];
	v0 =	vadd.f32 v2, v0  }
0xfb: {  	v2 =	vld [tilespmem:s28+$0x0]  }
0xfc: {  	s30 =	sld [smem:$0x7E9];
	v0 =	vadd.f32 v3, v0  }
0xfd: {  	v3 =	vld [tilespmem:s29+$0x0]  }
0xfe: {  	s31 =	sld [smem:$0x7EA];
	v0 =	vadd.f32 v1, v0  }
0xff: {  	v1 =	vld [tilespmem:s30+$0x0]  }
0x100: {  	s1 =	sld [smem:$0x7EB];
	v0 =	vadd.f32 v2, v0  }
0x101: {  	v2 =	vld [tilespmem:s31+$0x0]  }
0x102: {  	s9 =	sld [smem:$0x7EC];
	v0 =	vadd.f32 v3, v0  }
0x103: {  	v3 =	vld [tilespmem:s1+$0x0]  }
0x104: {  	s11 =	sld [smem:$0x7ED];
	v0 =	vadd.f32 v1, v0  }
0x105: {  	v1 =	vld [tilespmem:s9+$0x0]  }
0x106: {  	s12 =	sld [smem:$0x7EE];
	v0 =	vadd.f32 v2, v0  }
0x107: {  	v2 =	vld [tilespmem:s11+$0x0]  }
0x108: {  	v0 =	vadd.f32 v3, v0  }
0x109: {  	v3 =	vld [tilespmem:s12+$0x0]  }
0x10a: {  	v0 =	vadd.f32 v1, v0;
	_ =	sdelay $0x1  }
0x10b: {  	v0 =	vadd.f32 v2, v0;
	_ =	sdelay $0x1  }
0x10c: {  	v0 =	vadd.f32 v3, v0  }
0x10d: {  	s17 =	sld [smem:$0x7EF]  }
0x10e: {  	[tilespmem:s0+$0x10000] =	vst v0;
	s0 =	sor.u32 s15, s26  }
0x10f: {  	s18 =	sld [smem:$0x7F0];
	v0 =	vld [tilespmem:s0+$0x0]  }
0x110: {  	v1 =	vld [tilespmem:s17+$0x0]  }
0x111: {  	s21 =	sld [smem:$0x7F1]  }
0x112: {  	v2 =	vld [tilespmem:s18+$0x0]  }
0x113: {  	s28 =	sld [smem:$0x7F2]  }
0x114: {  	v3 =	vld [tilespmem:s21+$0x0]  }
0x115: {  	s29 =	sld [smem:$0x7F3];
	v0 =	vadd.f32 v1, v0  }
0x116: {  	v1 =	vld [tilespmem:s28+$0x0]  }
0x117: {  	s30 =	sld [smem:$0x7F4];
	v0 =	vadd.f32 v2, v0  }
0x118: {  	v2 =	vld [tilespmem:s29+$0x0]  }
0x119: {  	v0 =	vadd.f32 v3, v0  }
0x11a: {  	v3 =	vld [tilespmem:s30+$0x0]  }
0x11b: {  	s31 =	rddreg [dreg:$0x1f];
	v0 =	vadd.f32 v1, v0  }
0x11c: {  	v1 =	vld [tilespmem:s31+$0x0]  }
0x11d: {  	s1 =	rddreg [dreg:$0x1d];
	v0 =	vadd.f32 v2, v0  }
0x11e: {  	v2 =	vld [tilespmem:s1+$0x0]  }
0x11f: {  	s9 =	rddreg [dreg:$0x1b];
	v0 =	vadd.f32 v3, v0  }
0x120: {  	v3 =	vld [tilespmem:s9+$0x0]  }
0x121: {  	s11 =	rddreg [dreg:$0x19];
	v0 =	vadd.f32 v1, v0  }
0x122: {  	v1 =	vld [tilespmem:s11+$0x0]  }
0x123: {  	s12 =	rddreg [dreg:$0x17];
	v0 =	vadd.f32 v2, v0  }
0x124: {  	v2 =	vld [tilespmem:s12+$0x0]  }
0x125: {  	s15 =	rddreg [dreg:$0x15];
	v0 =	vadd.f32 v3, v0  }
0x126: {  	v3 =	vld [tilespmem:s15+$0x0]  }
0x127: {  	s17 =	rddreg [dreg:$0x13];
	v0 =	vadd.f32 v1, v0  }
0x128: {  	v1 =	vld [tilespmem:s17+$0x0]  }
0x129: {  	s18 =	rddreg [dreg:$0x11];
	v0 =	vadd.f32 v2, v0  }
0x12a: {  	v2 =	vld [tilespmem:s18+$0x0]  }
0x12b: {  	s21 =	rddreg [dreg:$0xf];
	v0 =	vadd.f32 v3, v0  }
0x12c: {  	v3 =	vld [tilespmem:s21+$0x0]  }
0x12d: {  	v0 =	vadd.f32 v1, v0;
	_ =	sdelay $0x1  }
0x12e: {  	v0 =	vadd.f32 v2, v0;
	_ =	sdelay $0x1  }
0x12f: {  	v0 =	vadd.f32 v3, v0;
	_ =	sdelay $0x1  }
0x130: {  	[tilespmem:s0+$0x10000] =	vst v0;
	s0 =	sor.u32 s19, s26  }
0x131: {  	s28 =	rddreg [dreg:$0xd];
	v0 =	vld [tilespmem:s0+$0x0]  }
0x132: {  	v1 =	vld [tilespmem:s28+$0x0]  }
0x133: {  	s29 =	rddreg [dreg:$0x9]  }
0x134: {  	v2 =	vld [tilespmem:s29+$0x0];
	_ =	sdelay $0x1  }
0x135: {  	v3 =	vld [tilespmem:s25+$0x0]  }
0x136: {  	s30 =	rddreg [dreg:$0xa];
	v0 =	vadd.f32 v1, v0  }
0x137: {  	v4 =	vld [tilespmem:s30+$0x0]  }
0x138: {  	s31 =	rddreg [dreg:$0x7];
	v0 =	vadd.f32 v2, v0  }
0x139: {  	v5 =	vld [tilespmem:s31+$0x0]  }
0x13a: {  	s23 =	sor.u32 s19, s23;
	v0 =	vadd.f32 v3, v0  }
0x13b: {  	v6 =	vld [tilespmem:s23+$0x0]  }
0x13c: {  	v0 =	vadd.f32 v4, v0  }
0x13d: {  	v7 =	vld [tilespmem:s24+$0x0]  }
0x13e: {  	v5 =	vadd.f32 v5, v0  }
0x13f: {  	v2 =	vld [tilespmem:s22+$0x0]  }
0x140: {  	v5 =	vadd.f32 v6, v5  }
0x141: {  	v8 =	vld [tilespmem:s13+$0x0]  }
0x142: {  	v5 =	vadd.f32 v7, v5  }
0x143: {  	v3 =	vld [tilespmem:s14+$0x0]  }
0x144: {  	v2 =	vadd.f32 v2, v5  }
0x145: {  	v9 =	vld [tilespmem:s10+$0x0]  }
0x146: {  	v2 =	vadd.f32 v8, v2  }
0x147: {  	v63 =	vld [tilespmem:s7+$0x0]  }
0x148: {  	v2 =	vadd.f32 v3, v2  }
0x149: {  	v10 =	vld [tilespmem:s8+$0x0]  }
.Ltmp6:
0x14a: {  	v2 =	vadd.f32 v9, v2;
	(pc) =	sbr.rel @p1 .LBB2_4-.Ltmp6, $4  }
0x14b: {  	_ = 	snop  }
0x14c: {  	v2 =	vadd.f32 v63, v2  }
0x14d: {  	s3 =	rddreg [dreg:$0x5];
	v1 =	vld [tilespmem:s5+$0x0]  }
0x14e: {  	s2 =	sadd.s32 $0x20, s2;
	s20 =	rddreg [dreg:$0x3];
	v0 =	vld [tilespmem:s4+$0x0];
	v2 =	vadd.f32 v10, v2  }
0x14f: {  	s5 =	sld [smem:$0x7F6]  }
0x150: {  	s2 =	sld [smem:$0x7FD]  }
0x151: {  	s4 =	sld [smem:$0x7F9]  }
0x152: {  	s1 =	sadd.s32 $0x2, s5;
	v1 =	vadd.f32 v1, v2  }
0x153: {  	p1 =	sge.s32 s1, s2  }
0x154: {  	s31 =	sld [smem:$0x7F5];
	s1 =	sadd.s32 @!p1 s4, s1;
	v0 =	vadd.f32 v0, v1  }
0x155: {  	s2 =	rddreg [dreg:$0x0];
	s3 =	simm.s32 @!p1 $0x0;
	s1 =	sshll.u32 @!p1 s1, $0x8  }
0x156: {  	s1 =	sadd.s32 @!p1 s2, s1;
	[tilespmem:s0+$0x10000] =	vst v0;
	s0 =	simm.s32 @!p1 $0x800;
	s2 =	simm.s32 @!p1 $0x271000  }
0x157: {  	[tilespmem:s3], [sflag:$0x1] =	stream.strided.gather @!p1 [hbm4b:s1+s0], $0x8000, s2, s0, $0x38;
	[tilespmem:$0x11000] =	vst v63  }
0x158: {  	p1 =	seq.s32 s31, $0x0  }
.Ltmp7:
0x159: {  	s28 =	sld [smem:$0x7F8];
	(pc) =	sbr.rel @p1 .LBB2_9-.Ltmp7, $4  }
0x15a: {  	s26 =	sadd.s32 s4, s5  }
0x15b: {  	s0 =	sshll.u32 s26, $0x8  }
0x15c: {  	s29 =	simm.s32 $0x0;
	s30 =	simm.s32 $0x10000;
	s0 =	sadd.s32 s28, s0  }
0x15d: {  	[hbm4b:s0+s29] =	stream.linear.scatter [tilespmem:s30], [sflag:$0x3], $0x800, $0x38;
	[tilespmem:$0x11000] =	vst v63  }
.LBB2_6:
0x15e: {  	s0 =	simm.s32 $0x2  }
0x15f: {  	p1 =	slt.u32 s5, $0x2;
	_ =	swait.ge [sflag:s0], $0x8000  }
0x160: {  	s20 =	simm.s32 $0x0;
	s2 =	simm.s32 @!p1 $0x4;
	[sflag:s0] =	ssyncset.done $0x0  }
0x161: {  	s25 =	sand.u32 $0x400, s20;
	s1 =	sand.u32 $0x380, s20;
	[sflag:s0] =	ssyncadd.s32 $0xFFFF8000  }
0x162: {  	s0 =	sor.u32 s1, s25;
	_ =	swait.ge @!p1 [sflag:s2], $0x800  }
0x163: {  	s3 =	sand.u32 $0x40, s20;
	s1 =	sor.u32 $0x8800, s0;
	[sflag:s2] =	ssyncset.done @!p1 $0x0  }
0x164: {  	s26 =	sor.u32 s3, s1;
	[sflag:s2] =	ssyncadd.s32 @!p1 $0xFFFFF800  }
0x165: {  	s18 =	sor.u32 s3, s0;
	v0 =	vld [tilespmem:s26+$0x0]  }
0x166: {  	s4 =	sor.u32 $0x9000, s0;
	v1 =	vld [tilespmem:s18+$0x8000]  }
0x167: {  	s28 =	sor.u32 s3, s4  }
0x168: {  	s5 =	sor.u32 $0x9800, s0;
	v2 =	vld [tilespmem:s28+$0x0]  }
0x169: {  	s29 =	sor.u32 s3, s5  }
0x16a: {  	s7 =	sor.u32 $0xA000, s0;
	v3 =	vld [tilespmem:s29+$0x0]  }
0x16b: {  	s30 =	sor.u32 s3, s7;
	v0 =	vadd.f32 v0, v1  }
0x16c: {  	s13 =	sor.u32 $0xA800, s0;
	v1 =	vld [tilespmem:s30+$0x0]  }
0x16d: {  	s31 =	sor.u32 s3, s13;
	v0 =	vadd.f32 v2, v0  }
0x16e: {  	s6 =	sor.u32 $0xB000, s0;
	v2 =	vld [tilespmem:s31+$0x0]  }
0x16f: {  	s8 =	sor.u32 s3, s6;
	v0 =	vadd.f32 v3, v0  }
0x170: {  	s9 =	sor.u32 $0xB800, s0;
	v3 =	vld [tilespmem:s8+$0x0]  }
0x171: {  	s10 =	sor.u32 s3, s9;
	v0 =	vadd.f32 v1, v0  }
0x172: {  	s14 =	sor.u32 $0xC000, s0;
	v1 =	vld [tilespmem:s10+$0x0]  }
0x173: {  	s11 =	sor.u32 s3, s14;
	v0 =	vadd.f32 v2, v0  }
0x174: {  	s12 =	sor.u32 $0xC800, s0;
	v2 =	vld [tilespmem:s11+$0x0]  }
0x175: {  	s15 =	sor.u32 s3, s12;
	v0 =	vadd.f32 v3, v0  }
0x176: {  	s10 =	sor.u32 $0xD000, s0;
	v3 =	vld [tilespmem:s15+$0x0]  }
0x177: {  	s16 =	sor.u32 s3, s10;
	v0 =	vadd.f32 v1, v0  }
0x178: {  	s11 =	sor.u32 $0xD800, s0;
	v1 =	vld [tilespmem:s16+$0x0]  }
0x179: {  	s17 =	sor.u32 s3, s11;
	v0 =	vadd.f32 v2, v0  }
0x17a: {  	s8 =	sor.u32 $0xE000, s0;
	v2 =	vld [tilespmem:s17+$0x0]  }
0x17b: {  	s19 =	sor.u32 s3, s8;
	v0 =	vadd.f32 v3, v0  }
0x17c: {  	s16 =	sor.u32 $0xE800, s0;
	v3 =	vld [tilespmem:s19+$0x0]  }
0x17d: {  	s21 =	sor.u32 s3, s16;
	v0 =	vadd.f32 v1, v0  }
0x17e: {  	s15 =	sor.u32 $0xF000, s0;
	v1 =	vld [tilespmem:s21+$0x0]  }
0x17f: {  	s22 =	sor.u32 s3, s15;
	v0 =	vadd.f32 v2, v0  }
0x180: {  	s17 =	sor.u32 $0xF800, s0;
	v2 =	vld [tilespmem:s22+$0x0]  }
0x181: {  	s23 =	sor.u32 s3, s17;
	v0 =	vadd.f32 v3, v0  }
0x182: {  	v3 =	vld [tilespmem:s23+$0x0]  }
0x183: {  	v0 =	vadd.f32 v1, v0;
	_ =	sdelay $0x1  }
0x184: {  	v0 =	vadd.f32 v2, v0;
	_ =	sdelay $0x1  }
0x185: {  	v0 =	vadd.f32 v3, v0  }
0x186: {  	s2 =	sor.u32 $0x10, s3  }
0x187: {  	[tilespmem:s18+$0x10800] =	vst v0;
	s18 =	sor.u32 s2, s0  }
0x188: {  	s19 =	sor.u32 s2, s1;
	v0 =	vld [tilespmem:s18+$0x8000]  }
0x189: {  	v1 =	vld [tilespmem:s19+$0x0]  }
0x18a: {  	s24 =	sor.u32 s2, s4  }
0x18b: {  	v2 =	vld [tilespmem:s24+$0x0]  }
0x18c: {  	s25 =	sor.u32 s2, s5  }
0x18d: {  	v3 =	vld [tilespmem:s25+$0x0]  }
0x18e: {  	s26 =	sor.u32 s2, s7;
	v0 =	vadd.f32 v1, v0  }
0x18f: {  	v1 =	vld [tilespmem:s26+$0x0]  }
0x190: {  	s28 =	sor.u32 s2, s13;
	v0 =	vadd.f32 v2, v0  }
0x191: {  	v2 =	vld [tilespmem:s28+$0x0]  }
0x192: {  	s29 =	sor.u32 s2, s6;
	v0 =	vadd.f32 v3, v0  }
0x193: {  	v3 =	vld [tilespmem:s29+$0x0]  }
0x194: {  	s30 =	sor.u32 s2, s9;
	v0 =	vadd.f32 v1, v0  }
0x195: {  	v1 =	vld [tilespmem:s30+$0x0]  }
0x196: {  	s31 =	sor.u32 s2, s14;
	v0 =	vadd.f32 v2, v0  }
0x197: {  	v2 =	vld [tilespmem:s31+$0x0]  }
0x198: {  	s21 =	sor.u32 s2, s12;
	v0 =	vadd.f32 v3, v0  }
0x199: {  	v3 =	vld [tilespmem:s21+$0x0]  }
0x19a: {  	s22 =	sor.u32 s2, s10;
	v0 =	vadd.f32 v1, v0  }
0x19b: {  	v1 =	vld [tilespmem:s22+$0x0]  }
0x19c: {  	s23 =	sor.u32 s2, s11;
	v0 =	vadd.f32 v2, v0  }
0x19d: {  	v2 =	vld [tilespmem:s23+$0x0]  }
0x19e: {  	s24 =	sor.u32 s2, s8;
	v0 =	vadd.f32 v3, v0  }
0x19f: {  	v3 =	vld [tilespmem:s24+$0x0]  }
0x1a0: {  	s25 =	sor.u32 s2, s16;
	v0 =	vadd.f32 v1, v0  }
0x1a1: {  	v1 =	vld [tilespmem:s25+$0x0]  }
0x1a2: {  	s26 =	sor.u32 s2, s15;
	v0 =	vadd.f32 v2, v0  }
0x1a3: {  	v2 =	vld [tilespmem:s26+$0x0]  }
0x1a4: {  	s2 =	sor.u32 s2, s17;
	v0 =	vadd.f32 v3, v0  }
0x1a5: {  	v3 =	vld [tilespmem:s2+$0x0]  }
0x1a6: {  	v0 =	vadd.f32 v1, v0;
	_ =	sdelay $0x1  }
0x1a7: {  	v0 =	vadd.f32 v2, v0;
	_ =	sdelay $0x1  }
0x1a8: {  	v0 =	vadd.f32 v3, v0  }
0x1a9: {  	s2 =	sor.u32 $0x20, s3  }
0x1aa: {  	[tilespmem:s18+$0x10800] =	vst v0;
	s18 =	sor.u32 s2, s0  }
0x1ab: {  	s28 =	sor.u32 s2, s1;
	v0 =	vld [tilespmem:s18+$0x8000]  }
0x1ac: {  	v1 =	vld [tilespmem:s28+$0x0]  }
0x1ad: {  	s29 =	sor.u32 s2, s4  }
0x1ae: {  	v2 =	vld [tilespmem:s29+$0x0]  }
0x1af: {  	s30 =	sor.u32 s2, s5  }
0x1b0: {  	v3 =	vld [tilespmem:s30+$0x0]  }
0x1b1: {  	s31 =	sor.u32 s2, s7;
	v0 =	vadd.f32 v1, v0  }
0x1b2: {  	v1 =	vld [tilespmem:s31+$0x0]  }
0x1b3: {  	s21 =	sor.u32 s2, s13;
	v0 =	vadd.f32 v2, v0  }
0x1b4: {  	v2 =	vld [tilespmem:s21+$0x0]  }
0x1b5: {  	s22 =	sor.u32 s2, s6;
	v0 =	vadd.f32 v3, v0  }
0x1b6: {  	v3 =	vld [tilespmem:s22+$0x0]  }
0x1b7: {  	s23 =	sor.u32 s2, s9;
	v0 =	vadd.f32 v1, v0  }
0x1b8: {  	v1 =	vld [tilespmem:s23+$0x0]  }
0x1b9: {  	s24 =	sor.u32 s2, s14;
	v0 =	vadd.f32 v2, v0  }
0x1ba: {  	v2 =	vld [tilespmem:s24+$0x0]  }
0x1bb: {  	s25 =	sor.u32 s2, s12;
	v0 =	vadd.f32 v3, v0  }
0x1bc: {  	v3 =	vld [tilespmem:s25+$0x0]  }
0x1bd: {  	s26 =	sor.u32 s2, s10;
	v0 =	vadd.f32 v1, v0  }
0x1be: {  	v1 =	vld [tilespmem:s26+$0x0]  }
0x1bf: {  	s28 =	sor.u32 s2, s11;
	v0 =	vadd.f32 v2, v0  }
0x1c0: {  	v2 =	vld [tilespmem:s28+$0x0]  }
0x1c1: {  	s29 =	sor.u32 s2, s8;
	v0 =	vadd.f32 v3, v0  }
0x1c2: {  	v3 =	vld [tilespmem:s29+$0x0]  }
0x1c3: {  	s30 =	sor.u32 s2, s16;
	v0 =	vadd.f32 v1, v0  }
0x1c4: {  	v1 =	vld [tilespmem:s30+$0x0]  }
0x1c5: {  	s31 =	sor.u32 s2, s15;
	v0 =	vadd.f32 v2, v0  }
0x1c6: {  	v2 =	vld [tilespmem:s31+$0x0]  }
0x1c7: {  	s2 =	sor.u32 s2, s17;
	v0 =	vadd.f32 v3, v0  }
0x1c8: {  	v3 =	vld [tilespmem:s2+$0x0]  }
0x1c9: {  	v0 =	vadd.f32 v1, v0;
	_ =	sdelay $0x1  }
0x1ca: {  	v0 =	vadd.f32 v2, v0;
	_ =	sdelay $0x1  }
0x1cb: {  	v0 =	vadd.f32 v3, v0  }
0x1cc: {  	s3 =	sor.u32 $0x30, s3  }
0x1cd: {  	s1 =	sor.u32 s3, s1;
	[tilespmem:s18+$0x10800] =	vst v0  }
0x1ce: {  	s0 =	sor.u32 s3, s0;
	v0 =	vld [tilespmem:s1+$0x0]  }
0x1cf: {  	v1 =	vld [tilespmem:s0+$0x8000]  }
0x1d0: {  	s4 =	sor.u32 s3, s4  }
0x1d1: {  	v2 =	vld [tilespmem:s4+$0x0]  }
0x1d2: {  	s18 =	sor.u32 s3, s5  }
0x1d3: {  	v3 =	vld [tilespmem:s18+$0x0]  }
0x1d4: {  	s19 =	sor.u32 s3, s7;
	v0 =	vadd.f32 v0, v1  }
0x1d5: {  	v1 =	vld [tilespmem:s19+$0x0]  }
0x1d6: {  	s21 =	sor.u32 s3, s13;
	v0 =	vadd.f32 v2, v0  }
0x1d7: {  	v2 =	vld [tilespmem:s21+$0x0]  }
0x1d8: {  	s22 =	sor.u32 s3, s6;
	v0 =	vadd.f32 v3, v0  }
0x1d9: {  	v3 =	vld [tilespmem:s22+$0x0]  }
0x1da: {  	s23 =	sor.u32 s3, s9;
	v0 =	vadd.f32 v1, v0  }
0x1db: {  	v1 =	vld [tilespmem:s23+$0x0]  }
0x1dc: {  	s24 =	sor.u32 s3, s14;
	v0 =	vadd.f32 v2, v0  }
0x1dd: {  	v2 =	vld [tilespmem:s24+$0x0]  }
0x1de: {  	s25 =	sor.u32 s3, s12;
	v0 =	vadd.f32 v3, v0  }
0x1df: {  	v3 =	vld [tilespmem:s25+$0x0]  }
0x1e0: {  	s26 =	sor.u32 s3, s10;
	v0 =	vadd.f32 v1, v0  }
0x1e1: {  	v1 =	vld [tilespmem:s26+$0x0]  }
0x1e2: {  	s28 =	sor.u32 s3, s11;
	v0 =	vadd.f32 v2, v0  }
0x1e3: {  	v2 =	vld [tilespmem:s28+$0x0]  }
0x1e4: {  	s29 =	sor.u32 s3, s8;
	v0 =	vadd.f32 v3, v0  }
0x1e5: {  	v3 =	vld [tilespmem:s29+$0x0]  }
0x1e6: {  	s30 =	sor.u32 s3, s16;
	v0 =	vadd.f32 v1, v0  }
0x1e7: {  	v4 =	vld [tilespmem:s30+$0x0]  }
0x1e8: {  	v0 =	vadd.f32 v2, v0;
	_ =	sdelay $0x1  }
0x1e9: {  	s31 =	sor.u32 s3, s15;
	v2 =	vadd.f32 v3, v0  }
0x1ea: {  	s2 =	sor.u32 s3, s17;
	v1 =	vld [tilespmem:s31+$0x0]  }
0x1eb: {  	s16 =	simm.s32 $0x0;
	s3 =	simm.s32 $0x0;
	v0 =	vld [tilespmem:s2+$0x0];
	s2 =	simm.s32 $0x20;
	v2 =	vadd.f32 v4, v2  }
.LBB2_7:
0x1ec: {  	_ =	sdelay $0x2  }
0x1ed: {  	s16 =	sadd.s32 $0x200, s16;
	v1 =	vadd.f32 v1, v2  }
0x1ee: {  	s28 =	sand.u32 $0x380, s2;
	s1 =	sand.u32 $0x400, s16  }
0x1ef: {  	s20 =	sadd.s32 $0x40, s20;
	s25 =	sor.u32 s28, s1;
	v0 =	vadd.f32 v0, v1  }
0x1f0: {  	s19 =	sand.u32 $0x40, s20;
	s8 =	sor.u32 $0x8800, s25  }
0x1f1: {  	s29 =	sor.u32 s19, s8;
	[tilespmem:s0+$0x10800] =	vst v0  }
0x1f2: {  	s5 =	sor.u32 s19, s25;
	v0 =	vld [tilespmem:s29+$0x0]  }
0x1f3: {  	s13 =	sor.u32 $0x9000, s25;
	v1 =	vld [tilespmem:s5+$0x8000]  }
0x1f4: {  	s3 =	sadd.s32 $0x4, s3;
	s30 =	sor.u32 s19, s13  }
0x1f5: {  	[dreg:$0x6] =	wrdreg s3;
	v2 =	vld [tilespmem:s30+$0x0]  }
0x1f6: {  	s14 =	smov.u32 s2;
	[dreg:$0x4] =	wrdreg s20;
	s2 =	sor.u32 $0x9800, s25  }
0x1f7: {  	s20 =	sor.u32 $0xA000, s25;
	s4 =	sor.u32 $0xA800, s25;
	s31 =	sor.u32 s19, s2  }
0x1f8: {  	s12 =	sor.u32 $0xF000, s25;
	[smem:$0x7C7] =	sst s5;
	s6 =	sor.u32 s19, s20;
	v3 =	vld [tilespmem:s31+$0x0];
	v0 =	vadd.f32 v0, v1  }
0x1f9: {  	s9 =	sor.u32 s19, s4;
	s15 =	sor.u32 s19, s12;
	s31 =	sor.u32 $0x10, s19;
	v1 =	vld [tilespmem:s6+$0x0]  }
0x1fa: {  	p1 =	slt.u32 s3, $0x7C;
	[smem:$0x7C6] =	sst s15;
	v0 =	vadd.f32 v2, v0;
	v2 =	vld [tilespmem:s9+$0x0];
	s9 =	sor.u32 s31, s8  }
0x1fb: {  	s22 =	sor.u32 $0xB000, s25;
	[smem:$0x7C8] =	sst s9;
	s9 =	sor.u32 s31, s13  }
0x1fc: {  	s11 =	sor.u32 $0xE000, s25;
	[smem:$0x7C9] =	sst s9;
	s9 =	sor.u32 s31, s2  }
0x1fd: {  	s0 =	sor.u32 $0xB800, s25;
	v0 =	vadd.f32 v3, v0;
	[smem:$0x7CA] =	sst s9;
	s9 =	sor.u32 s31, s20  }
0x1fe: {  	s23 =	sor.u32 s19, s0;
	[smem:$0x7CB] =	sst s9;
	s9 =	sor.u32 s31, s4  }
0x1ff: {  	s1 =	sor.u32 $0xC000, s25;
	v0 =	vadd.f32 v1, v0;
	v1 =	vld [tilespmem:s23+$0x0];
	s23 =	sor.u32 s31, s11;
	[smem:$0x7CC] =	sst s9  }
0x200: {  	s28 =	sor.u32 $0xC800, s25;
	s9 =	sor.u32 s31, s22;
	[smem:$0x7D3] =	sst s23  }
0x201: {  	s26 =	sor.u32 $0xE800, s25;
	s23 =	sor.u32 s31, s12;
	[smem:$0x7CD] =	sst s9  }
0x202: {  	s15 =	sor.u32 $0x20, s19;
	s9 =	sor.u32 s31, s0;
	[smem:$0x7D5] =	sst s23  }
0x203: {  	s21 =	sor.u32 s19, s1;
	s23 =	sor.u32 s15, s8;
	[smem:$0x7CE] =	sst s9  }
0x204: {  	s7 =	sor.u32 s19, s22;
	v0 =	vadd.f32 v2, v0;
	v2 =	vld [tilespmem:s21+$0x0];
	s21 =	sor.u32 s15, s4;
	[smem:$0x7D7] =	sst s23  }
0x205: {  	s17 =	sor.u32 $0xF800, s25;
	v3 =	vld [tilespmem:s7+$0x0];
	s9 =	sor.u32 s31, s1;
	[smem:$0x7DB] =	sst s21  }
0x206: {  	s24 =	sor.u32 s19, s28;
	s23 =	sor.u32 s15, s2;
	[smem:$0x7CF] =	sst s9  }
0x207: {  	s18 =	sor.u32 s19, s17;
	s21 =	sor.u32 s15, s1;
	[smem:$0x7D9] =	sst s23  }
0x208: {  	s29 =	sor.u32 $0xD000, s25;
	s9 =	sor.u32 s31, s28;
	[dreg:$0x1e] =	wrdreg s21  }
0x209: {  	s30 =	sor.u32 $0xD800, s25;
	s23 =	sor.u32 s15, s22;
	[smem:$0x7D0] =	sst s9  }
0x20a: {  	s5 =	sor.u32 s19, s11;
	v0 =	vadd.f32 v3, v0;
	v3 =	vld [tilespmem:s24+$0x0];
	s24 =	sor.u32 s15, s29;
	[smem:$0x7DC] =	sst s23  }
0x20b: {  	s10 =	sor.u32 s19, s29;
	s21 =	sor.u32 s15, s11;
	[dreg:$0x1a] =	wrdreg s24  }
0x20c: {  	s3 =	sor.u32 s19, s30;
	s9 =	sor.u32 s31, s29;
	[dreg:$0x16] =	wrdreg s21;
	v0 =	vadd.f32 v1, v0  }
0x20d: {  	s6 =	sor.u32 s19, s26;
	s23 =	sor.u32 s15, s28;
	[smem:$0x7D1] =	sst s9;
	v1 =	vld [tilespmem:s10+$0x0]  }
0x20e: {  	s19 =	sor.u32 $0x30, s19;
	s24 =	sor.u32 s15, s12;
	[dreg:$0x1c] =	wrdreg s23;
	v0 =	vadd.f32 v2, v0  }
0x20f: {  	s21 =	sor.u32 s19, s20;
	[dreg:$0x12] =	wrdreg s24;
	v2 =	vld [tilespmem:s3+$0x0]  }
0x210: {  	s24 =	sor.u32 s19, s2;
	[dreg:$0xc] =	wrdreg s21;
	v0 =	vadd.f32 v3, v0  }
0x211: {  	s2 =	smov.u32 s14;
	s14 =	sor.u32 s19, s29;
	s29 =	sld [smem:$0x7C6];
	v3 =	vld [tilespmem:s5+$0x0]  }
0x212: {  	s9 =	sor.u32 s31, s30;
	s21 =	sor.u32 s19, s1;
	s1 =	sld [smem:$0x7C8];
	v0 =	vadd.f32 v1, v0  }
0x213: {  	s23 =	sor.u32 s15, s26;
	[smem:$0x7D2] =	sst s9;
	v1 =	vld [tilespmem:s6+$0x0]  }
0x214: {  	s10 =	sor.u32 s19, s8;
	[dreg:$0x14] =	wrdreg s23;
	v0 =	vadd.f32 v2, v0  }
0x215: {  	s9 =	sor.u32 s31, s26;
	[dreg:$0xe] =	wrdreg s10;
	v2 =	vld [tilespmem:s29+$0x0]  }
0x216: {  	[smem:$0x7D4] =	sst s9;
	s9 =	sor.u32 s31, s17;
	v0 =	vadd.f32 v3, v0  }
0x217: {  	[smem:$0x7D6] =	sst s9;
	s9 =	sor.u32 s15, s13;
	v3 =	vld [tilespmem:s18+$0x0]  }
0x218: {  	[smem:$0x7D8] =	sst s9;
	s9 =	sor.u32 s15, s20;
	v0 =	vadd.f32 v1, v0  }
0x219: {  	[smem:$0x7DA] =	sst s9;
	s9 =	sor.u32 s15, s0  }
0x21a: {  	s23 =	sor.u32 s19, s4;
	[smem:$0x7DD] =	sst s9;
	v0 =	vadd.f32 v2, v0  }
0x21b: {  	s10 =	sor.u32 s19, s30;
	s9 =	sor.u32 s15, s30;
	s30 =	sld [smem:$0x7C7]  }
0x21c: {  	[dreg:$0x8] =	wrdreg s23;
	v0 =	vadd.f32 v3, v0  }
0x21d: {  	[dreg:$0x18] =	wrdreg s9;
	s9 =	sor.u32 s15, s17  }
0x21e: {  	s23 =	sor.u32 s19, s0;
	s0 =	sor.u32 s31, s25;
	[dreg:$0x10] =	wrdreg s9;
	[tilespmem:s30+$0x10800] =	vst v0  }
0x21f: {  	s9 =	sld [smem:$0x7C9];
	v0 =	vld [tilespmem:s0+$0x8000]  }
0x220: {  	v1 =	vld [tilespmem:s1+$0x0]  }
0x221: {  	s7 =	sor.u32 s19, s11;
	s11 =	sld [smem:$0x7CA]  }
0x222: {  	v2 =	vld [tilespmem:s9+$0x0]  }
0x223: {  	s5 =	sor.u32 s19, s12;
	s12 =	sld [smem:$0x7CB]  }
0x224: {  	v3 =	vld [tilespmem:s11+$0x0]  }
0x225: {  	s4 =	sor.u32 s19, s17;
	s17 =	sld [smem:$0x7CC];
	v0 =	vadd.f32 v1, v0  }
0x226: {  	v1 =	vld [tilespmem:s12+$0x0]  }
0x227: {  	s18 =	sld [smem:$0x7CD];
	v0 =	vadd.f32 v2, v0  }
0x228: {  	v2 =	vld [tilespmem:s17+$0x0]  }
0x229: {  	s8 =	sor.u32 s19, s26;
	s26 =	sld [smem:$0x7CE];
	s13 =	sor.u32 s19, s13;
	v0 =	vadd.f32 v3, v0  }
0x22a: {  	[dreg:$0xb] =	wrdreg s13;
	v3 =	vld [tilespmem:s18+$0x0]  }
0x22b: {  	s13 =	sor.u32 s19, s28;
	s28 =	sld [smem:$0x7CF];
	v0 =	vadd.f32 v1, v0  }
0x22c: {  	v1 =	vld [tilespmem:s26+$0x0]  }
0x22d: {  	s29 =	sld [smem:$0x7D0];
	v0 =	vadd.f32 v2, v0  }
0x22e: {  	v2 =	vld [tilespmem:s28+$0x0]  }
0x22f: {  	s30 =	sld [smem:$0x7D1];
	v0 =	vadd.f32 v3, v0  }
0x230: {  	v3 =	vld [tilespmem:s29+$0x0]  }
0x231: {  	s31 =	sld [smem:$0x7D2];
	v0 =	vadd.f32 v1, v0  }
0x232: {  	v1 =	vld [tilespmem:s30+$0x0]  }
0x233: {  	s1 =	sld [smem:$0x7D3];
	v0 =	vadd.f32 v2, v0  }
0x234: {  	v2 =	vld [tilespmem:s31+$0x0]  }
0x235: {  	s9 =	sld [smem:$0x7D4];
	v0 =	vadd.f32 v3, v0  }
0x236: {  	v3 =	vld [tilespmem:s1+$0x0]  }
0x237: {  	s11 =	sld [smem:$0x7D5];
	v0 =	vadd.f32 v1, v0  }
0x238: {  	v1 =	vld [tilespmem:s9+$0x0]  }
0x239: {  	s12 =	sld [smem:$0x7D6];
	v0 =	vadd.f32 v2, v0  }
0x23a: {  	v2 =	vld [tilespmem:s11+$0x0]  }
0x23b: {  	v0 =	vadd.f32 v3, v0  }
0x23c: {  	v3 =	vld [tilespmem:s12+$0x0]  }
0x23d: {  	v0 =	vadd.f32 v1, v0;
	_ =	sdelay $0x1  }
0x23e: {  	v0 =	vadd.f32 v2, v0;
	_ =	sdelay $0x1  }
0x23f: {  	v0 =	vadd.f32 v3, v0  }
0x240: {  	s17 =	sld [smem:$0x7D7]  }
0x241: {  	[tilespmem:s0+$0x10800] =	vst v0;
	s0 =	sor.u32 s15, s25  }
0x242: {  	s18 =	sld [smem:$0x7D8];
	v0 =	vld [tilespmem:s0+$0x8000]  }
0x243: {  	v1 =	vld [tilespmem:s17+$0x0]  }
0x244: {  	s26 =	sld [smem:$0x7D9]  }
0x245: {  	v2 =	vld [tilespmem:s18+$0x0]  }
0x246: {  	s28 =	sld [smem:$0x7DA]  }
0x247: {  	v3 =	vld [tilespmem:s26+$0x0]  }
0x248: {  	s29 =	sld [smem:$0x7DB];
	v0 =	vadd.f32 v1, v0  }
0x249: {  	v1 =	vld [tilespmem:s28+$0x0]  }
0x24a: {  	s30 =	sld [smem:$0x7DC];
	v0 =	vadd.f32 v2, v0  }
0x24b: {  	v2 =	vld [tilespmem:s29+$0x0]  }
0x24c: {  	s31 =	sld [smem:$0x7DD];
	v0 =	vadd.f32 v3, v0  }
0x24d: {  	v3 =	vld [tilespmem:s30+$0x0]  }
0x24e: {  	v0 =	vadd.f32 v1, v0  }
0x24f: {  	v1 =	vld [tilespmem:s31+$0x0]  }
0x250: {  	s1 =	rddreg [dreg:$0x1e];
	v0 =	vadd.f32 v2, v0  }
0x251: {  	v2 =	vld [tilespmem:s1+$0x0]  }
0x252: {  	s9 =	rddreg [dreg:$0x1c];
	v0 =	vadd.f32 v3, v0  }
0x253: {  	v3 =	vld [tilespmem:s9+$0x0]  }
0x254: {  	s11 =	rddreg [dreg:$0x1a];
	v0 =	vadd.f32 v1, v0  }
0x255: {  	v1 =	vld [tilespmem:s11+$0x0]  }
0x256: {  	s12 =	rddreg [dreg:$0x18];
	v0 =	vadd.f32 v2, v0  }
0x257: {  	v2 =	vld [tilespmem:s12+$0x0]  }
0x258: {  	s15 =	rddreg [dreg:$0x16];
	v0 =	vadd.f32 v3, v0  }
0x259: {  	v3 =	vld [tilespmem:s15+$0x0]  }
0x25a: {  	s17 =	rddreg [dreg:$0x14];
	v0 =	vadd.f32 v1, v0  }
0x25b: {  	v1 =	vld [tilespmem:s17+$0x0]  }
0x25c: {  	s18 =	rddreg [dreg:$0x12];
	v0 =	vadd.f32 v2, v0  }
0x25d: {  	v2 =	vld [tilespmem:s18+$0x0]  }
0x25e: {  	s26 =	rddreg [dreg:$0x10];
	v0 =	vadd.f32 v3, v0  }
0x25f: {  	v3 =	vld [tilespmem:s26+$0x0]  }
0x260: {  	v0 =	vadd.f32 v1, v0;
	_ =	sdelay $0x1  }
0x261: {  	v0 =	vadd.f32 v2, v0;
	_ =	sdelay $0x1  }
0x262: {  	v0 =	vadd.f32 v3, v0;
	_ =	sdelay $0x1  }
0x263: {  	[tilespmem:s0+$0x10800] =	vst v0;
	s0 =	sor.u32 s19, s25  }
0x264: {  	s28 =	rddreg [dreg:$0xe];
	v0 =	vld [tilespmem:s0+$0x8000]  }
0x265: {  	v1 =	vld [tilespmem:s28+$0x0]  }
0x266: {  	s29 =	rddreg [dreg:$0xb]  }
0x267: {  	v2 =	vld [tilespmem:s29+$0x0];
	_ =	sdelay $0x1  }
0x268: {  	v3 =	vld [tilespmem:s24+$0x0]  }
0x269: {  	s30 =	rddreg [dreg:$0xc];
	v0 =	vadd.f32 v1, v0  }
0x26a: {  	v4 =	vld [tilespmem:s30+$0x0]  }
0x26b: {  	s31 =	rddreg [dreg:$0x8];
	v0 =	vadd.f32 v2, v0  }
0x26c: {  	v5 =	vld [tilespmem:s31+$0x0]  }
0x26d: {  	s22 =	sor.u32 s19, s22;
	v0 =	vadd.f32 v3, v0  }
0x26e: {  	v6 =	vld [tilespmem:s22+$0x0]  }
0x26f: {  	v0 =	vadd.f32 v4, v0  }
0x270: {  	v7 =	vld [tilespmem:s23+$0x0]  }
0x271: {  	v5 =	vadd.f32 v5, v0  }
0x272: {  	v2 =	vld [tilespmem:s21+$0x0]  }
0x273: {  	v5 =	vadd.f32 v6, v5  }
0x274: {  	v8 =	vld [tilespmem:s13+$0x0]  }
0x275: {  	v5 =	vadd.f32 v7, v5  }
0x276: {  	v3 =	vld [tilespmem:s14+$0x0]  }
0x277: {  	v2 =	vadd.f32 v2, v5  }
0x278: {  	v9 =	vld [tilespmem:s10+$0x0]  }
0x279: {  	v2 =	vadd.f32 v8, v2  }
0x27a: {  	v63 =	vld [tilespmem:s7+$0x0]  }
0x27b: {  	v2 =	vadd.f32 v3, v2  }
0x27c: {  	v10 =	vld [tilespmem:s8+$0x0]  }
.Ltmp8:
0x27d: {  	v2 =	vadd.f32 v9, v2;
	(pc) =	sbr.rel @p1 .LBB2_7-.Ltmp8, $4  }
0x27e: {  	_ = 	snop  }
0x27f: {  	v2 =	vadd.f32 v63, v2  }
0x280: {  	s3 =	rddreg [dreg:$0x6];
	v1 =	vld [tilespmem:s5+$0x0]  }
0x281: {  	s2 =	sadd.s32 $0x20, s2;
	s20 =	rddreg [dreg:$0x4];
	v0 =	vld [tilespmem:s4+$0x0];
	v2 =	vadd.f32 v10, v2  }
0x282: {  	s5 =	sld [smem:$0x7F6]  }
0x283: {  	s2 =	sld [smem:$0x7FD]  }
0x284: {  	s4 =	sld [smem:$0x7F9]  }
0x285: {  	s1 =	sadd.s32 $0x2, s5  }
0x286: {  	v1 =	vadd.f32 v1, v2;
	p1 =	sge.s32 s1, s2  }
0x287: {  	s29 =	sld [smem:$0x7F8];
	s1 =	sadd.s32 @!p1 s4, s1  }
0x288: {  	s2 =	rddreg [dreg:$0x0];
	v0 =	vadd.f32 v0, v1;
	s1 =	sshll.u32 @!p1 s1, $0x8  }
0x289: {  	s28 =	sadd.s32 s4, s5;
	s3 =	simm.s32 @!p1 $0x8000;
	s1 =	sadd.s32 @!p1 s2, s1  }
.Ltmp9:
0x28a: {  	[tilespmem:s0+$0x10800] =	vst v0;
	s0 =	simm.s32 @!p1 $0x800;
	s2 =	simm.s32 @!p1 $0x271000;
	(pc) =	sbr.rel .LBB2_9-.Ltmp9, $4  }
0x28b: {  	[tilespmem:s3], [sflag:$0x2] =	stream.strided.gather @!p1 [hbm4b:s1+s0], $0x8000, s2, s0, $0x38;
	[tilespmem:$0x11000] =	vst v63  }
0x28c: {  	s0 =	sshll.u32 s28, $0x8  }
0x28d: {  	s30 =	simm.s32 $0x0;
	s31 =	simm.s32 $0x10800;
	s0 =	sadd.s32 s29, s0  }
0x28e: {  	[hbm4b:s0+s30] =	stream.linear.scatter [tilespmem:s31], [sflag:$0x4], $0x800, $0x38;
	[tilespmem:$0x11000] =	vst v63  }
.LBB2_11:
0x28f: {  	_ =	sfence.sel $0x180000  }
0x290: {  	[bflag:$0x0] =	sbarrier.arrive $0xFFFF  }
0x291: {  	_ =	strace $0x90000047  }
0x292: {  	s0 =	stileid.u32;
	[bflag:$0x2] =	sbarrier.arrive $0xFFFF  }
0x293: {  	p0 =	sne.s32 s0, $0x0;
	s0 =	rddreg [dreg:$0x2]  }
0x294: {  	s0 =	sadd.s32 @!p0 $0x100000, s0  }
0x295: {  	[sflag:s0] =	ssyncadd.tile.s32 @!p0 $0x1;
	_ =	shalt  }
.Lfunc_end2:
_tile_overlayer_lowered:
.L_overlay_start_2:
0x296: {  	(tag) =	ssettag $0x2  }
0x297: {  	s0 =	rddreg [dreg:$0x0];
	s2 =	stileid.u32  }
0x298: {  	s1 =	rddreg [dreg:$0x1];
	p0 =	sne.s32 s2, $0x0  }
0x299: {  	s3 =	rddreg [dreg:$0x2];
	[bflag:$0x3] =	sbarrier.arrive $0xFFFF;
	s2 =	simm.s32 @!p0 $0x1C05  }
0x29a: {  	[timem:s3], [sflag:s2] =	dma.local @!p0 [hbm:s0], s1  }
0x29b: {  	s0 =	simm.s32 @!p0 $0x5  }
0x29c: {  	_ =	swait.ge @!p0 [sflag:s0], s1  }
0x29d: {  	s1 =	ssub.s32 @!p0 $0x0, s1;
	[sflag:s0] =	ssyncset.done @!p0 $0x0  }
0x29e: {  	[sflag:s0] =	ssyncadd.s32 @!p0 s1  }
0x29f: {  	[bflag:$0x3] =	sbarrier.arrive $0xFFFF  }
0x2a0: {  	_ =	shalt  }

</sc_bundles>
